<compile_context>
chip_gen: v7x
topology: tpu7x:2x2x1
jax: 0.10.2.dev20260603
libtpu: 0.0.44.dev20260713+nightly
codegen_flags: <defaults>
</compile_context>

<pallas_src>
import functools

import jax
import jax.numpy as jnp
from jax import lax
from jax.experimental import pallas as pl
from jax.experimental.pallas import tpu as pltpu
from jax.experimental.pallas import tpu_sc as plsc

N = 10000
E = 160000
D = 256
H = 128
CH = 128
NC = 2
NS = 16
E_PAD = 163840
NCHUNK = E_PAD // CH
TCH = NCHUNK // NS
HCH = TCH // 2
NP = 10240
PT = NP // NS

_mesh = plsc.VectorSubcoreMesh(core_axis_name="c", subcore_axis_name="s")


@functools.partial(
    pl.kernel,
    out_type=jax.ShapeDtypeStruct((NC, NP, H), jnp.float32),
    mesh=_mesh,
    scratch_types=[
        pltpu.VMEM((HCH, CH), jnp.int32),
        pltpu.VMEM((HCH, CH), jnp.int32),
        pltpu.VMEM((2, CH, H), jnp.float32),
        pltpu.VMEM_SHARED((NP, H), jnp.float32),
        pltpu.SemaphoreType.DMA,
        pltpu.SemaphoreType.DMA,
    ],
    compiler_params=pltpu.CompilerParams(use_tc_tiling_on_sc=False),
)
def _sc_halves(nfh_hbm, src2_hbm, dst_hbm, out_sum,
               isrc, idst, rows, acc_sh, gsem, ssem):
    c = lax.axis_index("c")
    s = lax.axis_index("s")
    zeros16 = jnp.zeros((16,), jnp.float32)
    base_r = s * PT

    def zrow(i, _):
        for j in range(H // 16):
            rows[0, i, pl.ds(j * 16, 16)] = zeros16
        return 0
    lax.fori_loop(0, CH, zrow, 0)
    for t in range(PT // CH):
        pltpu.sync_copy(rows.at[0], acc_sh.at[pl.ds(base_r + t * CH, CH)])
    plsc.subcore_barrier()

    for h in range(2):
        pltpu.sync_copy(src2_hbm.at[c, s, pl.ds(h * HCH, HCH)], isrc)
        pltpu.sync_copy(dst_hbm.at[s, pl.ds(h * HCH, HCH)], idst)

        def pair(p, _):
            u0 = 2 * p
            g0 = pltpu.async_copy(nfh_hbm.at[isrc.at[u0]], rows.at[0], gsem)
            g1 = pltpu.async_copy(nfh_hbm.at[isrc.at[u0 + 1]], rows.at[1],
                                  gsem)
            g0.wait()
            s0 = pltpu.async_copy(rows.at[0], acc_sh.at[idst.at[u0]],
                                  ssem, add=True)
            g1.wait()
            s1 = pltpu.async_copy(rows.at[1], acc_sh.at[idst.at[u0 + 1]],
                                  ssem, add=True)
            s0.wait()
            s1.wait()
            return 0
        lax.fori_loop(0, HCH // 2, pair, 0)
    plsc.subcore_barrier()

    for t in range(PT // CH):
        r0 = base_r + t * CH
        pltpu.sync_copy(acc_sh.at[pl.ds(r0, CH)], rows.at[0])
        pltpu.sync_copy(rows.at[0], out_sum.at[c, pl.ds(r0, CH)])


TCHD = NCHUNK // (NC * NS)
RD = 8
GRPD = TCHD // RD


@functools.partial(
    pl.kernel,
    out_type=jax.ShapeDtypeStruct((NC, NP, 16), jnp.float32),
    mesh=_mesh,
    scratch_types=[
        pltpu.VMEM((TCHD, CH), jnp.int32),
        pltpu.VMEM((CH, 16), jnp.float32),
        pltpu.VMEM_SHARED((NP, 16), jnp.float32),
        pltpu.SemaphoreType.DMA,
    ],
    compiler_params=pltpu.CompilerParams(use_tc_tiling_on_sc=False),
)
def _sc_degree(dst_hbm, out_deg, idst, ones_b, deg_sh, dsem):
    c = lax.axis_index("c")
    s = lax.axis_index("s")
    zeros16 = jnp.zeros((16,), jnp.float32)
    ones16 = jnp.ones((16,), jnp.float32)
    base_r = s * PT

    pltpu.sync_copy(dst_hbm.at[pl.ds((c * NS + s) * TCHD, TCHD)], idst)

    def zdeg(i, _):
        ones_b[i] = zeros16
        return 0
    lax.fori_loop(0, CH, zdeg, 0)
    for t in range(PT // CH):
        pltpu.sync_copy(ones_b, deg_sh.at[pl.ds(base_r + t * CH, CH)])

    def orow(i, _):
        ones_b[i] = ones16
        return 0
    lax.fori_loop(0, CH, orow, 0)
    plsc.subcore_barrier()

    def group(g, _):
        cb = g * RD
        dds = [pltpu.async_copy(ones_b, deg_sh.at[idst.at[cb + k]],
                                dsem, add=True) for k in range(RD)]
        for d in dds:
            d.wait()
        return 0
    lax.fori_loop(0, GRPD, group, 0)
    plsc.subcore_barrier()

    for t in range(PT // CH):
        r0 = base_r + t * CH
        pltpu.sync_copy(deg_sh.at[pl.ds(r0, CH)], ones_b)
        pltpu.sync_copy(ones_b, out_deg.at[c, pl.ds(r0, CH)])


_BLK = 1000


def _tc_body(nf, sm0, sm1, dg0, dg1, w1, b1, w2, b2, eps, out):
    deg = jnp.maximum(dg0[:, 0:1] + dg1[:, 0:1], 1.0)
    mean = jnp.concatenate([sm0[...], sm1[...]], axis=1) / deg
    rst = (1.0 + eps[0, 0]) * nf[...] + mean
    h = jnp.maximum(
        jnp.dot(rst, w1[...], preferred_element_type=jnp.float32) + b1[...], 0.0)
    out[...] = jnp.dot(h, w2[...], preferred_element_type=jnp.float32) + b2[...]


def _tc_apply(nf, sm0, sm1, dg0, dg1, W1, b1, W2, b2, eps):
    return pl.pallas_call(
        _tc_body,
        grid=(N // _BLK,),
        in_specs=[
            pl.BlockSpec((_BLK, D), lambda i: (i, 0)),
            pl.BlockSpec((_BLK, H), lambda i: (i, 0)),
            pl.BlockSpec((_BLK, H), lambda i: (i, 0)),
            pl.BlockSpec((_BLK, 16), lambda i: (i, 0)),
            pl.BlockSpec((_BLK, 16), lambda i: (i, 0)),
            pl.BlockSpec((D, D), lambda i: (0, 0)),
            pl.BlockSpec((1, D), lambda i: (0, 0)),
            pl.BlockSpec((D, D), lambda i: (0, 0)),
            pl.BlockSpec((1, D), lambda i: (0, 0)),
            pl.BlockSpec((1, 1), lambda i: (0, 0)),
        ],
        out_specs=pl.BlockSpec((_BLK, D), lambda i: (i, 0)),
        out_shape=jax.ShapeDtypeStruct((N, D), jnp.float32),
    )(nf, sm0, sm1, dg0, dg1, W1, b1, W2, b2, eps)


def kernel(node_feat, coord_feat, edge_feat, edge_index, W1, b1, W2, b2, eps):
    src = edge_index[0].astype(jnp.int32)
    dst = edge_index[1].astype(jnp.int32)
    pad = E_PAD - E
    src_p = jnp.concatenate([src, jnp.zeros((pad,), jnp.int32)])
    dst_p = jnp.concatenate([dst, jnp.full((pad,), N, jnp.int32)])
    src2 = jnp.stack([src_p, src_p + N]).reshape(NC, NS, TCH, CH)
    dst_u = dst_p.reshape(NS, TCH, CH)
    dst_c = dst_p.reshape(NCHUNK, CH)
    nfh = node_feat.reshape(N, 2, H).transpose(1, 0, 2).reshape(2 * N, H)

    out_sum = _sc_halves(nfh, src2, dst_u)
    deg2 = _sc_degree(dst_c)

    hx = _tc_apply(node_feat, out_sum[0], out_sum[1], deg2[0], deg2[1],
                   W1, jnp.reshape(b1, (1, D)),
                   W2, jnp.reshape(b2, (1, D)),
                   jnp.reshape(eps, (1, 1)).astype(jnp.float32))
    return (hx, coord_feat, edge_feat)

# --- scband reference (transcript-rebuilt; emitter-appended) ---
"""Pipeline reference for scband-graph-gine-56169582297513 (READ-ONLY COPY).

The authoritative reference and input builder live on the scoring server;
editing this copy changes nothing except your own understanding.
"""

import jax, jax.numpy as jnp
import numpy as np

N_NODES = 10000
N_EDGES = 160000
D_FEAT = 256
D_EDGE = 16

def setup_inputs(seed: int = 0) -> dict:
    key = jax.random.key(seed)
    k1, k2, k3, k4, k5, k6, k7, k8 = jax.random.split(key, 8)
    node_feat = jax.random.normal(k1, (N_NODES, D_FEAT), dtype=jnp.float32)
    coord_feat = jax.random.normal(k2, (N_NODES, 3), dtype=jnp.float32)
    edge_feat = jax.random.normal(k3, (N_EDGES, D_EDGE), dtype=jnp.float32)
    edge_index = jax.random.randint(k4, (2, N_EDGES), 0, N_NODES, dtype=jnp.int64)
    # apply_func MLP params: Linear(256,256) -> ReLU -> Linear(256,256)
    W1 = jax.random.normal(k5, (D_FEAT, D_FEAT), dtype=jnp.float32) * (1.0 / np.sqrt(D_FEAT))
    b1 = jnp.zeros((D_FEAT,), dtype=jnp.float32)
    W2 = jax.random.normal(k6, (D_FEAT, D_FEAT), dtype=jnp.float32) * (1.0 / np.sqrt(D_FEAT))
    b2 = jnp.zeros((D_FEAT,), dtype=jnp.float32)
    eps = jnp.zeros((), dtype=jnp.float32)  # learn_eps=True, init 0
    return {"node_feat": node_feat, "coord_feat": coord_feat, "edge_feat": edge_feat,
            "edge_index": edge_index, "W1": W1, "b1": b1, "W2": W2, "b2": b2, "eps": eps}


def reference(node_feat, coord_feat, edge_feat, edge_index, W1, b1, W2, b2, eps):
    # DGL GINConv with aggregator_type='mean', learn_eps=True:
    #   rst = apply_func((1 + eps) * feat_dst + mean_{j in N(i)} feat_src[j])
    src = edge_index[0]
    dst = edge_index[1]
    msg = jnp.take(node_feat, src, axis=0)                      # gather [E, d]
    summed = jax.ops.segment_sum(msg, dst, num_segments=N_NODES)  # scatter-add
    deg = jax.ops.segment_sum(jnp.ones((N_EDGES,), dtype=jnp.float32), dst,
                              num_segments=N_NODES)
    mean = summed / jnp.maximum(deg, 1.0)[:, None]              # mean aggregation; 0 for isolated nodes
    rst = (1.0 + eps) * node_feat + mean
    # apply_func: 2-layer MLP with ReLU
    h = jnp.maximum(rst @ W1 + b1, 0.0)
    hx = h @ W2 + b2
    # original forward returns (g, hx, coord_feat, edge_feat); g is structural
    return (hx, coord_feat, edge_feat)

if __name__ == "__main__":
    import jax
    _d = setup_inputs()
    print(jax.jit(kernel)(*tuple(_d.values())))

</pallas_src>

<mosaic_0001>
#map = affine_map<(d0, d1) -> (0, 0)>
#map1 = affine_map<(d0, d1) -> (0, 0, 0, 0)>
#map2 = affine_map<(d0, d1) -> (0, 0, 0)>
module attributes {stable_mosaic.version = 14 : i64} {
  func.func @_sc_halves(%arg0: i32, %arg1: i32, %arg2: memref<20000x128xf32, #tpu.memory_space<hbm>>, %arg3: memref<2x16x80x128xi32, #tpu.memory_space<hbm>>, %arg4: memref<16x80x128xi32, #tpu.memory_space<hbm>>, %arg5: memref<2x10240x128xf32, #tpu.memory_space<hbm>>, %arg6: memref<40x128xi32, #tpu.memory_space<vmem>>, %arg7: memref<40x128xi32, #tpu.memory_space<vmem>>, %arg8: memref<2x128x128xf32, #tpu.memory_space<vmem>>, %arg9: memref<10240x128xf32, #tpu.memory_space<vmem_shared>>, %arg10: memref<!tpu.dma_semaphore, #tpu.memory_space<semaphore_mem>>, %arg11: memref<!tpu.dma_semaphore, #tpu.memory_space<semaphore_mem>>) attributes {dimension_semantics = [#tpu.dimension_semantics<core_parallel>, #tpu.dimension_semantics<subcore_parallel>], iteration_bounds = array<i64: 2, 16>, scalar_prefetch = 0 : i64, scratch_operands = 6 : i64, tpu.core_type = #tpu.core_type<sc_vector_subcore>, window_params = [{transform_indices = #map}, {transform_indices = #map1}, {transform_indices = #map2}, {transform_indices = #map2}]} {
    %broadcast_in_dim3A = arith.constant 0.000000e+00 : f32
    %broadcast_in_dim3A_0 = vector.broadcast %broadcast_in_dim3A : f32 to vector<16xf32>
    %mul3A = arith.constant 640 : i32
    %mul3A_1 = arith.muli %arg1, %mul3A : i32
    %scan3A = arith.constant 0 : i32
    %scan3A_2 = arith.constant 0 : i32
    %scan3A_3 = arith.constant 128 : i32
    %scan3A_4 = arith.addi %scan3A_2, %scan3A_3 : i32
    %scan3A_5 = arith.constant 1 : i32
    %scan3A_6 = scf.for %scan3A_56 = %scan3A_2 to %scan3A_4 step %scan3A_5 iter_args(%scan3A_57 = %scan3A) -> (i32)  : i32 {
      %swap3A = arith.constant 0 : i32
      %swap3A_58 = arith.index_cast %swap3A : i32 to index
      %swap3A_59 = arith.index_cast %scan3A_56 : i32 to index
      %swap3A_60 = arith.constant 0 : index
      %swap3A_61 = tpu.vector_load %arg8[%swap3A_58, %swap3A_59, %swap3A_60] {strides = array<i32>} : memref<2x128x128xf32, #tpu.memory_space<vmem>>, vector<1x1x16xf32>,
      %swap3A_62 = vector.shape_cast %swap3A_61 : vector<1x1x16xf32> to vector<16xf32>
      %swap3A_63 = vector.shape_cast %broadcast_in_dim3A_0 : vector<16xf32> to vector<1x1x16xf32>
      tpu.vector_store %arg8[%swap3A_58, %swap3A_59, %swap3A_60], %swap3A_63 {strides = array<i32>} : memref<2x128x128xf32, #tpu.memory_space<vmem>>, vector<1x1x16xf32>,
      %swap3A_64 = arith.constant 0 : i32
      %swap3A_65 = arith.index_cast %swap3A_64 : i32 to index
      %swap3A_66 = arith.index_cast %scan3A_56 : i32 to index
      %swap3A_67 = arith.constant 16 : index
      %swap3A_68 = tpu.vector_load %arg8[%swap3A_65, %swap3A_66, %swap3A_67] {strides = array<i32>} : memref<2x128x128xf32, #tpu.memory_space<vmem>>, vector<1x1x16xf32>,
      %swap3A_69 = vector.shape_cast %swap3A_68 : vector<1x1x16xf32> to vector<16xf32>
      %swap3A_70 = vector.shape_cast %broadcast_in_dim3A_0 : vector<16xf32> to vector<1x1x16xf32>
      tpu.vector_store %arg8[%swap3A_65, %swap3A_66, %swap3A_67], %swap3A_70 {strides = array<i32>} : memref<2x128x128xf32, #tpu.memory_space<vmem>>, vector<1x1x16xf32>,
      %swap3A_71 = arith.constant 0 : i32
      %swap3A_72 = arith.index_cast %swap3A_71 : i32 to index
      %swap3A_73 = arith.index_cast %scan3A_56 : i32 to index
      %swap3A_74 = arith.constant 32 : index
      %swap3A_75 = tpu.vector_load %arg8[%swap3A_72, %swap3A_73, %swap3A_74] {strides = array<i32>} : memref<2x128x128xf32, #tpu.memory_space<vmem>>, vector<1x1x16xf32>,
      %swap3A_76 = vector.shape_cast %swap3A_75 : vector<1x1x16xf32> to vector<16xf32>
      %swap3A_77 = vector.shape_cast %broadcast_in_dim3A_0 : vector<16xf32> to vector<1x1x16xf32>
      tpu.vector_store %arg8[%swap3A_72, %swap3A_73, %swap3A_74], %swap3A_77 {strides = array<i32>} : memref<2x128x128xf32, #tpu.memory_space<vmem>>, vector<1x1x16xf32>,
      %swap3A_78 = arith.constant 0 : i32
      %swap3A_79 = arith.index_cast %swap3A_78 : i32 to index
      %swap3A_80 = arith.index_cast %scan3A_56 : i32 to index
      %swap3A_81 = arith.constant 48 : index
      %swap3A_82 = tpu.vector_load %arg8[%swap3A_79, %swap3A_80, %swap3A_81] {strides = array<i32>} : memref<2x128x128xf32, #tpu.memory_space<vmem>>, vector<1x1x16xf32>,
      %swap3A_83 = vector.shape_cast %swap3A_82 : vector<1x1x16xf32> to vector<16xf32>
      %swap3A_84 = vector.shape_cast %broadcast_in_dim3A_0 : vector<16xf32> to vector<1x1x16xf32>
      tpu.vector_store %arg8[%swap3A_79, %swap3A_80, %swap3A_81], %swap3A_84 {strides = array<i32>} : memref<2x128x128xf32, #tpu.memory_space<vmem>>, vector<1x1x16xf32>,
      %swap3A_85 = arith.constant 0 : i32
      %swap3A_86 = arith.index_cast %swap3A_85 : i32 to index
      %swap3A_87 = arith.index_cast %scan3A_56 : i32 to index
      %swap3A_88 = arith.constant 64 : index
      %swap3A_89 = tpu.vector_load %arg8[%swap3A_86, %swap3A_87, %swap3A_88] {strides = array<i32>} : memref<2x128x128xf32, #tpu.memory_space<vmem>>, vector<1x1x16xf32>,
      %swap3A_90 = vector.shape_cast %swap3A_89 : vector<1x1x16xf32> to vector<16xf32>
      %swap3A_91 = vector.shape_cast %broadcast_in_dim3A_0 : vector<16xf32> to vector<1x1x16xf32>
      tpu.vector_store %arg8[%swap3A_86, %swap3A_87, %swap3A_88], %swap3A_91 {strides = array<i32>} : memref<2x128x128xf32, #tpu.memory_space<vmem>>, vector<1x1x16xf32>,
      %swap3A_92 = arith.constant 0 : i32
      %swap3A_93 = arith.index_cast %swap3A_92 : i32 to index
      %swap3A_94 = arith.index_cast %scan3A_56 : i32 to index
      %swap3A_95 = arith.constant 80 : index
      %swap3A_96 = tpu.vector_load %arg8[%swap3A_93, %swap3A_94, %swap3A_95] {strides = array<i32>} : memref<2x128x128xf32, #tpu.memory_space<vmem>>, vector<1x1x16xf32>,
      %swap3A_97 = vector.shape_cast %swap3A_96 : vector<1x1x16xf32> to vector<16xf32>
      %swap3A_98 = vector.shape_cast %broadcast_in_dim3A_0 : vector<16xf32> to vector<1x1x16xf32>
      tpu.vector_store %arg8[%swap3A_93, %swap3A_94, %swap3A_95], %swap3A_98 {strides = array<i32>} : memref<2x128x128xf32, #tpu.memory_space<vmem>>, vector<1x1x16xf32>,
      %swap3A_99 = arith.constant 0 : i32
      %swap3A_100 = arith.index_cast %swap3A_99 : i32 to index
      %swap3A_101 = arith.index_cast %scan3A_56 : i32 to index
      %swap3A_102 = arith.constant 96 : index
      %swap3A_103 = tpu.vector_load %arg8[%swap3A_100, %swap3A_101, %swap3A_102] {strides = array<i32>} : memref<2x128x128xf32, #tpu.memory_space<vmem>>, vector<1x1x16xf32>,
      %swap3A_104 = vector.shape_cast %swap3A_103 : vector<1x1x16xf32> to vector<16xf32>
      %swap3A_105 = vector.shape_cast %broadcast_in_dim3A_0 : vector<16xf32> to vector<1x1x16xf32>
      tpu.vector_store %arg8[%swap3A_100, %swap3A_101, %swap3A_102], %swap3A_105 {strides = array<i32>} : memref<2x128x128xf32, #tpu.memory_space<vmem>>, vector<1x1x16xf32>,
      %swap3A_106 = arith.constant 0 : i32
      %swap3A_107 = arith.index_cast %swap3A_106 : i32 to index
      %swap3A_108 = arith.index_cast %scan3A_56 : i32 to index
      %swap3A_109 = arith.constant 112 : index
      %swap3A_110 = tpu.vector_load %arg8[%swap3A_107, %swap3A_108, %swap3A_109] {strides = array<i32>} : memref<2x128x128xf32, #tpu.memory_space<vmem>>, vector<1x1x16xf32>,
      %swap3A_111 = vector.shape_cast %swap3A_110 : vector<1x1x16xf32> to vector<16xf32>
      %swap3A_112 = vector.shape_cast %broadcast_in_dim3A_0 : vector<16xf32> to vector<1x1x16xf32>
      tpu.vector_store %arg8[%swap3A_107, %swap3A_108, %swap3A_109], %swap3A_112 {strides = array<i32>} : memref<2x128x128xf32, #tpu.memory_space<vmem>>, vector<1x1x16xf32>,
      %scan3A_113 = arith.constant 0 : i32
      scf.yield %scan3A_113 : i32
    }
    %scan3A_7 = arith.constant 128 : i32
    %add3A = arith.constant 0 : i32
    %add3A_8 = arith.addi %mul3A_1, %add3A : i32
    %run_scoped3A = arith.constant 0 : i32
    "tpu.region"() ({
      %run_scoped3A_56 = tpu.sem_alloc : memref<!tpu.dma_semaphore, #tpu.memory_space<semaphore_mem>>
      %dma_start3A = arith.constant 0 : i32
      %dma_start3A_57 = arith.constant 0 : i32
      %dma_start3A_58 = tpu.memref_slice %arg8[%run_scoped3A, %dma_start3A, %dma_start3A_57] : memref<2x128x128xf32, #tpu.memory_space<vmem>> -> memref<1x128x128xf32, #tpu.memory_space<vmem>>
      %dma_start3A_59 = tpu.memref_squeeze %dma_start3A_58 : memref<1x128x128xf32, #tpu.memory_space<vmem>> -> memref<128x128xf32, #tpu.memory_space<vmem>>
      %dma_start3A_60 = arith.constant 0 : i32
      %dma_start3A_61 = tpu.memref_slice %arg9[%add3A_8, %dma_start3A_60] : memref<10240x128xf32, #tpu.memory_space<vmem_shared>> -> memref<128x128xf32, #tpu.memory_space<vmem_shared>>
      %dma_start3A_62 = arith.constant 0 : i32
      %dma_start3A_63 = tpu.memref_slice %arg9[%add3A_8, %dma_start3A_62] : memref<10240x128xf32, #tpu.memory_space<vmem_shared>> -> memref<128x128xf32, #tpu.memory_space<vmem_shared>>
      %dma_start3A_64 = arith.constant 0 : i32
      %dma_start3A_65 = arith.constant 0 : i32
      %dma_start3A_66 = tpu.memref_slice %arg8[%run_scoped3A, %dma_start3A_64, %dma_start3A_65] : memref<2x128x128xf32, #tpu.memory_space<vmem>> -> memref<1x128x128xf32, #tpu.memory_space<vmem>>
      %dma_start3A_67 = tpu.memref_squeeze %dma_start3A_66 : memref<1x128x128xf32, #tpu.memory_space<vmem>> -> memref<128x128xf32, #tpu.memory_space<vmem>>
      tpu.enqueue_dma source(%dma_start3A_67 : memref<128x128xf32, #tpu.memory_space<vmem>>) target(%dma_start3A_63 : memref<128x128xf32, #tpu.memory_space<vmem_shared>>) target_semaphore(%run_scoped3A_56 : memref<!tpu.dma_semaphore, #tpu.memory_space<semaphore_mem>>)
      %dma_wait3A = arith.constant 0 : i32
      %dma_wait3A_68 = arith.constant 0 : i32
      %dma_wait3A_69 = tpu.memref_slice %arg8[%run_scoped3A, %dma_wait3A, %dma_wait3A_68] : memref<2x128x128xf32, #tpu.memory_space<vmem>> -> memref<1x128x128xf32, #tpu.memory_space<vmem>>
      %dma_wait3A_70 = tpu.memref_squeeze %dma_wait3A_69 : memref<1x128x128xf32, #tpu.memory_space<vmem>> -> memref<128x128xf32, #tpu.memory_space<vmem>>
      %dma_wait3A_71 = arith.constant 0 : i32
      %dma_wait3A_72 = tpu.memref_slice %arg9[%add3A_8, %dma_wait3A_71] : memref<10240x128xf32, #tpu.memory_space<vmem_shared>> -> memref<128x128xf32, #tpu.memory_space<vmem_shared>>
      %dma_wait3A_73 = arith.constant 0 : i32
      %dma_wait3A_74 = tpu.memref_slice %arg9[%add3A_8, %dma_wait3A_73] : memref<10240x128xf32, #tpu.memory_space<vmem_shared>> -> memref<128x128xf32, #tpu.memory_space<vmem_shared>>
      %dma_wait3A_75 = arith.constant 0 : i32
      %dma_wait3A_76 = arith.constant 0 : i32
      %dma_wait3A_77 = tpu.memref_slice %arg8[%run_scoped3A, %dma_wait3A_75, %dma_wait3A_76] : memref<2x128x128xf32, #tpu.memory_space<vmem>> -> memref<1x128x128xf32, #tpu.memory_space<vmem>>
      %dma_wait3A_78 = tpu.memref_squeeze %dma_wait3A_77 : memref<1x128x128xf32, #tpu.memory_space<vmem>> -> memref<128x128xf32, #tpu.memory_space<vmem>>
      tpu.wait_dma2 semaphore(%run_scoped3A_56 : memref<!tpu.dma_semaphore, #tpu.memory_space<semaphore_mem>>) src(%dma_wait3A_78 : memref<128x128xf32, #tpu.memory_space<vmem>>) dst(%dma_wait3A_74 : memref<128x128xf32, #tpu.memory_space<vmem_shared>>)
      tpu.yield
    }) : () -> ()
    %add3A_9 = arith.constant 128 : i32
    %add3A_10 = arith.addi %mul3A_1, %add3A_9 : i32
    %run_scoped3A_11 = arith.constant 0 : i32
    "tpu.region"() ({
      %run_scoped3A_56 = tpu.sem_alloc : memref<!tpu.dma_semaphore, #tpu.memory_space<semaphore_mem>>
      %dma_start3A = arith.constant 0 : i32
      %dma_start3A_57 = arith.constant 0 : i32
      %dma_start3A_58 = tpu.memref_slice %arg8[%run_scoped3A_11, %dma_start3A, %dma_start3A_57] : memref<2x128x128xf32, #tpu.memory_space<vmem>> -> memref<1x128x128xf32, #tpu.memory_space<vmem>>
      %dma_start3A_59 = tpu.memref_squeeze %dma_start3A_58 : memref<1x128x128xf32, #tpu.memory_space<vmem>> -> memref<128x128xf32, #tpu.memory_space<vmem>>
      %dma_start3A_60 = arith.constant 0 : i32
      %dma_start3A_61 = tpu.memref_slice %arg9[%add3A_10, %dma_start3A_60] : memref<10240x128xf32, #tpu.memory_space<vmem_shared>> -> memref<128x128xf32, #tpu.memory_space<vmem_shared>>
      %dma_start3A_62 = arith.constant 0 : i32
      %dma_start3A_63 = tpu.memref_slice %arg9[%add3A_10, %dma_start3A_62] : memref<10240x128xf32, #tpu.memory_space<vmem_shared>> -> memref<128x128xf32, #tpu.memory_space<vmem_shared>>
      %dma_start3A_64 = arith.constant 0 : i32
      %dma_start3A_65 = arith.constant 0 : i32
      %dma_start3A_66 = tpu.memref_slice %arg8[%run_scoped3A_11, %dma_start3A_64, %dma_start3A_65] : memref<2x128x128xf32, #tpu.memory_space<vmem>> -> memref<1x128x128xf32, #tpu.memory_space<vmem>>
      %dma_start3A_67 = tpu.memref_squeeze %dma_start3A_66 : memref<1x128x128xf32, #tpu.memory_space<vmem>> -> memref<128x128xf32, #tpu.memory_space<vmem>>
      tpu.enqueue_dma source(%dma_start3A_67 : memref<128x128xf32, #tpu.memory_space<vmem>>) target(%dma_start3A_63 : memref<128x128xf32, #tpu.memory_space<vmem_shared>>) target_semaphore(%run_scoped3A_56 : memref<!tpu.dma_semaphore, #tpu.memory_space<semaphore_mem>>)
      %dma_wait3A = arith.constant 0 : i32
      %dma_wait3A_68 = arith.constant 0 : i32
      %dma_wait3A_69 = tpu.memref_slice %arg8[%run_scoped3A_11, %dma_wait3A, %dma_wait3A_68] : memref<2x128x128xf32, #tpu.memory_space<vmem>> -> memref<1x128x128xf32, #tpu.memory_space<vmem>>
      %dma_wait3A_70 = tpu.memref_squeeze %dma_wait3A_69 : memref<1x128x128xf32, #tpu.memory_space<vmem>> -> memref<128x128xf32, #tpu.memory_space<vmem>>
      %dma_wait3A_71 = arith.constant 0 : i32
      %dma_wait3A_72 = tpu.memref_slice %arg9[%add3A_10, %dma_wait3A_71] : memref<10240x128xf32, #tpu.memory_space<vmem_shared>> -> memref<128x128xf32, #tpu.memory_space<vmem_shared>>
      %dma_wait3A_73 = arith.constant 0 : i32
      %dma_wait3A_74 = tpu.memref_slice %arg9[%add3A_10, %dma_wait3A_73] : memref<10240x128xf32, #tpu.memory_space<vmem_shared>> -> memref<128x128xf32, #tpu.memory_space<vmem_shared>>
      %dma_wait3A_75 = arith.constant 0 : i32
      %dma_wait3A_76 = arith.constant 0 : i32
      %dma_wait3A_77 = tpu.memref_slice %arg8[%run_scoped3A_11, %dma_wait3A_75, %dma_wait3A_76] : memref<2x128x128xf32, #tpu.memory_space<vmem>> -> memref<1x128x128xf32, #tpu.memory_space<vmem>>
      %dma_wait3A_78 = tpu.memref_squeeze %dma_wait3A_77 : memref<1x128x128xf32, #tpu.memory_space<vmem>> -> memref<128x128xf32, #tpu.memory_space<vmem>>
      tpu.wait_dma2 semaphore(%run_scoped3A_56 : memref<!tpu.dma_semaphore, #tpu.memory_space<semaphore_mem>>) src(%dma_wait3A_78 : memref<128x128xf32, #tpu.memory_space<vmem>>) dst(%dma_wait3A_74 : memref<128x128xf32, #tpu.memory_space<vmem_shared>>)
      tpu.yield
    }) : () -> ()
    %add3A_12 = arith.constant 256 : i32
    %add3A_13 = arith.addi %mul3A_1, %add3A_12 : i32
    %run_scoped3A_14 = arith.constant 0 : i32
    "tpu.region"() ({
      %run_scoped3A_56 = tpu.sem_alloc : memref<!tpu.dma_semaphore, #tpu.memory_space<semaphore_mem>>
      %dma_start3A = arith.constant 0 : i32
      %dma_start3A_57 = arith.constant 0 : i32
      %dma_start3A_58 = tpu.memref_slice %arg8[%run_scoped3A_14, %dma_start3A, %dma_start3A_57] : memref<2x128x128xf32, #tpu.memory_space<vmem>> -> memref<1x128x128xf32, #tpu.memory_space<vmem>>
      %dma_start3A_59 = tpu.memref_squeeze %dma_start3A_58 : memref<1x128x128xf32, #tpu.memory_space<vmem>> -> memref<128x128xf32, #tpu.memory_space<vmem>>
      %dma_start3A_60 = arith.constant 0 : i32
      %dma_start3A_61 = tpu.memref_slice %arg9[%add3A_13, %dma_start3A_60] : memref<10240x128xf32, #tpu.memory_space<vmem_shared>> -> memref<128x128xf32, #tpu.memory_space<vmem_shared>>
      %dma_start3A_62 = arith.constant 0 : i32
      %dma_start3A_63 = tpu.memref_slice %arg9[%add3A_13, %dma_start3A_62] : memref<10240x128xf32, #tpu.memory_space<vmem_shared>> -> memref<128x128xf32, #tpu.memory_space<vmem_shared>>
      %dma_start3A_64 = arith.constant 0 : i32
      %dma_start3A_65 = arith.constant 0 : i32
      %dma_start3A_66 = tpu.memref_slice %arg8[%run_scoped3A_14, %dma_start3A_64, %dma_start3A_65] : memref<2x128x128xf32, #tpu.memory_space<vmem>> -> memref<1x128x128xf32, #tpu.memory_space<vmem>>
      %dma_start3A_67 = tpu.memref_squeeze %dma_start3A_66 : memref<1x128x128xf32, #tpu.memory_space<vmem>> -> memref<128x128xf32, #tpu.memory_space<vmem>>
      tpu.enqueue_dma source(%dma_start3A_67 : memref<128x128xf32, #tpu.memory_space<vmem>>) target(%dma_start3A_63 : memref<128x128xf32, #tpu.memory_space<vmem_shared>>) target_semaphore(%run_scoped3A_56 : memref<!tpu.dma_semaphore, #tpu.memory_space<semaphore_mem>>)
      %dma_wait3A = arith.constant 0 : i32
      %dma_wait3A_68 = arith.constant 0 : i32
      %dma_wait3A_69 = tpu.memref_slice %arg8[%run_scoped3A_14, %dma_wait3A, %dma_wait3A_68] : memref<2x128x128xf32, #tpu.memory_space<vmem>> -> memref<1x128x128xf32, #tpu.memory_space<vmem>>
      %dma_wait3A_70 = tpu.memref_squeeze %dma_wait3A_69 : memref<1x128x128xf32, #tpu.memory_space<vmem>> -> memref<128x128xf32, #tpu.memory_space<vmem>>
      %dma_wait3A_71 = arith.constant 0 : i32
      %dma_wait3A_72 = tpu.memref_slice %arg9[%add3A_13, %dma_wait3A_71] : memref<10240x128xf32, #tpu.memory_space<vmem_shared>> -> memref<128x128xf32, #tpu.memory_space<vmem_shared>>
      %dma_wait3A_73 = arith.constant 0 : i32
      %dma_wait3A_74 = tpu.memref_slice %arg9[%add3A_13, %dma_wait3A_73] : memref<10240x128xf32, #tpu.memory_space<vmem_shared>> -> memref<128x128xf32, #tpu.memory_space<vmem_shared>>
      %dma_wait3A_75 = arith.constant 0 : i32
      %dma_wait3A_76 = arith.constant 0 : i32
      %dma_wait3A_77 = tpu.memref_slice %arg8[%run_scoped3A_14, %dma_wait3A_75, %dma_wait3A_76] : memref<2x128x128xf32, #tpu.memory_space<vmem>> -> memref<1x128x128xf32, #tpu.memory_space<vmem>>
      %dma_wait3A_78 = tpu.memref_squeeze %dma_wait3A_77 : memref<1x128x128xf32, #tpu.memory_space<vmem>> -> memref<128x128xf32, #tpu.memory_space<vmem>>
      tpu.wait_dma2 semaphore(%run_scoped3A_56 : memref<!tpu.dma_semaphore, #tpu.memory_space<semaphore_mem>>) src(%dma_wait3A_78 : memref<128x128xf32, #tpu.memory_space<vmem>>) dst(%dma_wait3A_74 : memref<128x128xf32, #tpu.memory_space<vmem_shared>>)
      tpu.yield
    }) : () -> ()
    %add3A_15 = arith.constant 384 : i32
    %add3A_16 = arith.addi %mul3A_1, %add3A_15 : i32
    %run_scoped3A_17 = arith.constant 0 : i32
    "tpu.region"() ({
      %run_scoped3A_56 = tpu.sem_alloc : memref<!tpu.dma_semaphore, #tpu.memory_space<semaphore_mem>>
      %dma_start3A = arith.constant 0 : i32
      %dma_start3A_57 = arith.constant 0 : i32
      %dma_start3A_58 = tpu.memref_slice %arg8[%run_scoped3A_17, %dma_start3A, %dma_start3A_57] : memref<2x128x128xf32, #tpu.memory_space<vmem>> -> memref<1x128x128xf32, #tpu.memory_space<vmem>>
      %dma_start3A_59 = tpu.memref_squeeze %dma_start3A_58 : memref<1x128x128xf32, #tpu.memory_space<vmem>> -> memref<128x128xf32, #tpu.memory_space<vmem>>
      %dma_start3A_60 = arith.constant 0 : i32
      %dma_start3A_61 = tpu.memref_slice %arg9[%add3A_16, %dma_start3A_60] : memref<10240x128xf32, #tpu.memory_space<vmem_shared>> -> memref<128x128xf32, #tpu.memory_space<vmem_shared>>
      %dma_start3A_62 = arith.constant 0 : i32
      %dma_start3A_63 = tpu.memref_slice %arg9[%add3A_16, %dma_start3A_62] : memref<10240x128xf32, #tpu.memory_space<vmem_shared>> -> memref<128x128xf32, #tpu.memory_space<vmem_shared>>
      %dma_start3A_64 = arith.constant 0 : i32
      %dma_start3A_65 = arith.constant 0 : i32
      %dma_start3A_66 = tpu.memref_slice %arg8[%run_scoped3A_17, %dma_start3A_64, %dma_start3A_65] : memref<2x128x128xf32, #tpu.memory_space<vmem>> -> memref<1x128x128xf32, #tpu.memory_space<vmem>>
      %dma_start3A_67 = tpu.memref_squeeze %dma_start3A_66 : memref<1x128x128xf32, #tpu.memory_space<vmem>> -> memref<128x128xf32, #tpu.memory_space<vmem>>
      tpu.enqueue_dma source(%dma_start3A_67 : memref<128x128xf32, #tpu.memory_space<vmem>>) target(%dma_start3A_63 : memref<128x128xf32, #tpu.memory_space<vmem_shared>>) target_semaphore(%run_scoped3A_56 : memref<!tpu.dma_semaphore, #tpu.memory_space<semaphore_mem>>)
      %dma_wait3A = arith.constant 0 : i32
      %dma_wait3A_68 = arith.constant 0 : i32
      %dma_wait3A_69 = tpu.memref_slice %arg8[%run_scoped3A_17, %dma_wait3A, %dma_wait3A_68] : memref<2x128x128xf32, #tpu.memory_space<vmem>> -> memref<1x128x128xf32, #tpu.memory_space<vmem>>
      %dma_wait3A_70 = tpu.memref_squeeze %dma_wait3A_69 : memref<1x128x128xf32, #tpu.memory_space<vmem>> -> memref<128x128xf32, #tpu.memory_space<vmem>>
      %dma_wait3A_71 = arith.constant 0 : i32
      %dma_wait3A_72 = tpu.memref_slice %arg9[%add3A_16, %dma_wait3A_71] : memref<10240x128xf32, #tpu.memory_space<vmem_shared>> -> memref<128x128xf32, #tpu.memory_space<vmem_shared>>
      %dma_wait3A_73 = arith.constant 0 : i32
      %dma_wait3A_74 = tpu.memref_slice %arg9[%add3A_16, %dma_wait3A_73] : memref<10240x128xf32, #tpu.memory_space<vmem_shared>> -> memref<128x128xf32, #tpu.memory_space<vmem_shared>>
      %dma_wait3A_75 = arith.constant 0 : i32
      %dma_wait3A_76 = arith.constant 0 : i32
      %dma_wait3A_77 = tpu.memref_slice %arg8[%run_scoped3A_17, %dma_wait3A_75, %dma_wait3A_76] : memref<2x128x128xf32, #tpu.memory_space<vmem>> -> memref<1x128x128xf32, #tpu.memory_space<vmem>>
      %dma_wait3A_78 = tpu.memref_squeeze %dma_wait3A_77 : memref<1x128x128xf32, #tpu.memory_space<vmem>> -> memref<128x128xf32, #tpu.memory_space<vmem>>
      tpu.wait_dma2 semaphore(%run_scoped3A_56 : memref<!tpu.dma_semaphore, #tpu.memory_space<semaphore_mem>>) src(%dma_wait3A_78 : memref<128x128xf32, #tpu.memory_space<vmem>>) dst(%dma_wait3A_74 : memref<128x128xf32, #tpu.memory_space<vmem_shared>>)
      tpu.yield
    }) : () -> ()
    %add3A_18 = arith.constant 512 : i32
    %add3A_19 = arith.addi %mul3A_1, %add3A_18 : i32
    %run_scoped3A_20 = arith.constant 0 : i32
    "tpu.region"() ({
      %run_scoped3A_56 = tpu.sem_alloc : memref<!tpu.dma_semaphore, #tpu.memory_space<semaphore_mem>>
      %dma_start3A = arith.constant 0 : i32
      %dma_start3A_57 = arith.constant 0 : i32
      %dma_start3A_58 = tpu.memref_slice %arg8[%run_scoped3A_20, %dma_start3A, %dma_start3A_57] : memref<2x128x128xf32, #tpu.memory_space<vmem>> -> memref<1x128x128xf32, #tpu.memory_space<vmem>>
      %dma_start3A_59 = tpu.memref_squeeze %dma_start3A_58 : memref<1x128x128xf32, #tpu.memory_space<vmem>> -> memref<128x128xf32, #tpu.memory_space<vmem>>
      %dma_start3A_60 = arith.constant 0 : i32
      %dma_start3A_61 = tpu.memref_slice %arg9[%add3A_19, %dma_start3A_60] : memref<10240x128xf32, #tpu.memory_space<vmem_shared>> -> memref<128x128xf32, #tpu.memory_space<vmem_shared>>
      %dma_start3A_62 = arith.constant 0 : i32
      %dma_start3A_63 = tpu.memref_slice %arg9[%add3A_19, %dma_start3A_62] : memref<10240x128xf32, #tpu.memory_space<vmem_shared>> -> memref<128x128xf32, #tpu.memory_space<vmem_shared>>
      %dma_start3A_64 = arith.constant 0 : i32
      %dma_start3A_65 = arith.constant 0 : i32
      %dma_start3A_66 = tpu.memref_slice %arg8[%run_scoped3A_20, %dma_start3A_64, %dma_start3A_65] : memref<2x128x128xf32, #tpu.memory_space<vmem>> -> memref<1x128x128xf32, #tpu.memory_space<vmem>>
      %dma_start3A_67 = tpu.memref_squeeze %dma_start3A_66 : memref<1x128x128xf32, #tpu.memory_space<vmem>> -> memref<128x128xf32, #tpu.memory_space<vmem>>
      tpu.enqueue_dma source(%dma_start3A_67 : memref<128x128xf32, #tpu.memory_space<vmem>>) target(%dma_start3A_63 : memref<128x128xf32, #tpu.memory_space<vmem_shared>>) target_semaphore(%run_scoped3A_56 : memref<!tpu.dma_semaphore, #tpu.memory_space<semaphore_mem>>)
      %dma_wait3A = arith.constant 0 : i32
      %dma_wait3A_68 = arith.constant 0 : i32
      %dma_wait3A_69 = tpu.memref_slice %arg8[%run_scoped3A_20, %dma_wait3A, %dma_wait3A_68] : memref<2x128x128xf32, #tpu.memory_space<vmem>> -> memref<1x128x128xf32, #tpu.memory_space<vmem>>
      %dma_wait3A_70 = tpu.memref_squeeze %dma_wait3A_69 : memref<1x128x128xf32, #tpu.memory_space<vmem>> -> memref<128x128xf32, #tpu.memory_space<vmem>>
      %dma_wait3A_71 = arith.constant 0 : i32
      %dma_wait3A_72 = tpu.memref_slice %arg9[%add3A_19, %dma_wait3A_71] : memref<10240x128xf32, #tpu.memory_space<vmem_shared>> -> memref<128x128xf32, #tpu.memory_space<vmem_shared>>
      %dma_wait3A_73 = arith.constant 0 : i32
      %dma_wait3A_74 = tpu.memref_slice %arg9[%add3A_19, %dma_wait3A_73] : memref<10240x128xf32, #tpu.memory_space<vmem_shared>> -> memref<128x128xf32, #tpu.memory_space<vmem_shared>>
      %dma_wait3A_75 = arith.constant 0 : i32
      %dma_wait3A_76 = arith.constant 0 : i32
      %dma_wait3A_77 = tpu.memref_slice %arg8[%run_scoped3A_20, %dma_wait3A_75, %dma_wait3A_76] : memref<2x128x128xf32, #tpu.memory_space<vmem>> -> memref<1x128x128xf32, #tpu.memory_space<vmem>>
      %dma_wait3A_78 = tpu.memref_squeeze %dma_wait3A_77 : memref<1x128x128xf32, #tpu.memory_space<vmem>> -> memref<128x128xf32, #tpu.memory_space<vmem>>
      tpu.wait_dma2 semaphore(%run_scoped3A_56 : memref<!tpu.dma_semaphore, #tpu.memory_space<semaphore_mem>>) src(%dma_wait3A_78 : memref<128x128xf32, #tpu.memory_space<vmem>>) dst(%dma_wait3A_74 : memref<128x128xf32, #tpu.memory_space<vmem_shared>>)
      tpu.yield
    }) : () -> ()
    %barrier3A = arith.constant 0 : index
    tpu.barrier barrier_id(%barrier3A)
    "tpu.region"() ({
      %run_scoped3A_56 = tpu.sem_alloc : memref<!tpu.dma_semaphore, #tpu.memory_space<semaphore_mem>>
      %dma_start3A = arith.constant 0 : i32
      %dma_start3A_57 = arith.constant 0 : i32
      %dma_start3A_58 = tpu.memref_slice %arg3[%arg0, %arg1, %dma_start3A, %dma_start3A_57] : memref<2x16x80x128xi32, #tpu.memory_space<hbm>> -> memref<1x1x40x128xi32, #tpu.memory_space<hbm>>
      %dma_start3A_59 = tpu.memref_squeeze %dma_start3A_58 : memref<1x1x40x128xi32, #tpu.memory_space<hbm>> -> memref<40x128xi32, #tpu.memory_space<hbm>>
      %dma_start3A_60 = arith.constant 0 : i32
      %dma_start3A_61 = arith.constant 0 : i32
      %dma_start3A_62 = tpu.memref_slice %arg3[%arg0, %arg1, %dma_start3A_60, %dma_start3A_61] : memref<2x16x80x128xi32, #tpu.memory_space<hbm>> -> memref<1x1x40x128xi32, #tpu.memory_space<hbm>>
      %dma_start3A_63 = tpu.memref_squeeze %dma_start3A_62 : memref<1x1x40x128xi32, #tpu.memory_space<hbm>> -> memref<40x128xi32, #tpu.memory_space<hbm>>
      tpu.enqueue_dma source(%dma_start3A_63 : memref<40x128xi32, #tpu.memory_space<hbm>>) target(%arg6 : memref<40x128xi32, #tpu.memory_space<vmem>>) target_semaphore(%run_scoped3A_56 : memref<!tpu.dma_semaphore, #tpu.memory_space<semaphore_mem>>)
      %dma_wait3A = arith.constant 0 : i32
      %dma_wait3A_64 = arith.constant 0 : i32
      %dma_wait3A_65 = tpu.memref_slice %arg3[%arg0, %arg1, %dma_wait3A, %dma_wait3A_64] : memref<2x16x80x128xi32, #tpu.memory_space<hbm>> -> memref<1x1x40x128xi32, #tpu.memory_space<hbm>>
      %dma_wait3A_66 = tpu.memref_squeeze %dma_wait3A_65 : memref<1x1x40x128xi32, #tpu.memory_space<hbm>> -> memref<40x128xi32, #tpu.memory_space<hbm>>
      %dma_wait3A_67 = arith.constant 0 : i32
      %dma_wait3A_68 = arith.constant 0 : i32
      %dma_wait3A_69 = tpu.memref_slice %arg3[%arg0, %arg1, %dma_wait3A_67, %dma_wait3A_68] : memref<2x16x80x128xi32, #tpu.memory_space<hbm>> -> memref<1x1x40x128xi32, #tpu.memory_space<hbm>>
      %dma_wait3A_70 = tpu.memref_squeeze %dma_wait3A_69 : memref<1x1x40x128xi32, #tpu.memory_space<hbm>> -> memref<40x128xi32, #tpu.memory_space<hbm>>
      tpu.wait_dma2 semaphore(%run_scoped3A_56 : memref<!tpu.dma_semaphore, #tpu.memory_space<semaphore_mem>>) src(%dma_wait3A_70 : memref<40x128xi32, #tpu.memory_space<hbm>>) dst(%arg6 : memref<40x128xi32, #tpu.memory_space<vmem>>)
      tpu.yield
    }) : () -> ()
    "tpu.region"() ({
      %run_scoped3A_56 = tpu.sem_alloc : memref<!tpu.dma_semaphore, #tpu.memory_space<semaphore_mem>>
      %dma_start3A = arith.constant 0 : i32
      %dma_start3A_57 = arith.constant 0 : i32
      %dma_start3A_58 = tpu.memref_slice %arg4[%arg1, %dma_start3A, %dma_start3A_57] : memref<16x80x128xi32, #tpu.memory_space<hbm>> -> memref<1x40x128xi32, #tpu.memory_space<hbm>>
      %dma_start3A_59 = tpu.memref_squeeze %dma_start3A_58 : memref<1x40x128xi32, #tpu.memory_space<hbm>> -> memref<40x128xi32, #tpu.memory_space<hbm>>
      %dma_start3A_60 = arith.constant 0 : i32
      %dma_start3A_61 = arith.constant 0 : i32
      %dma_start3A_62 = tpu.memref_slice %arg4[%arg1, %dma_start3A_60, %dma_start3A_61] : memref<16x80x128xi32, #tpu.memory_space<hbm>> -> memref<1x40x128xi32, #tpu.memory_space<hbm>>
      %dma_start3A_63 = tpu.memref_squeeze %dma_start3A_62 : memref<1x40x128xi32, #tpu.memory_space<hbm>> -> memref<40x128xi32, #tpu.memory_space<hbm>>
      tpu.enqueue_dma source(%dma_start3A_63 : memref<40x128xi32, #tpu.memory_space<hbm>>) target(%arg7 : memref<40x128xi32, #tpu.memory_space<vmem>>) target_semaphore(%run_scoped3A_56 : memref<!tpu.dma_semaphore, #tpu.memory_space<semaphore_mem>>)
      %dma_wait3A = arith.constant 0 : i32
      %dma_wait3A_64 = arith.constant 0 : i32
      %dma_wait3A_65 = tpu.memref_slice %arg4[%arg1, %dma_wait3A, %dma_wait3A_64] : memref<16x80x128xi32, #tpu.memory_space<hbm>> -> memref<1x40x128xi32, #tpu.memory_space<hbm>>
      %dma_wait3A_66 = tpu.memref_squeeze %dma_wait3A_65 : memref<1x40x128xi32, #tpu.memory_space<hbm>> -> memref<40x128xi32, #tpu.memory_space<hbm>>
      %dma_wait3A_67 = arith.constant 0 : i32
      %dma_wait3A_68 = arith.constant 0 : i32
      %dma_wait3A_69 = tpu.memref_slice %arg4[%arg1, %dma_wait3A_67, %dma_wait3A_68] : memref<16x80x128xi32, #tpu.memory_space<hbm>> -> memref<1x40x128xi32, #tpu.memory_space<hbm>>
      %dma_wait3A_70 = tpu.memref_squeeze %dma_wait3A_69 : memref<1x40x128xi32, #tpu.memory_space<hbm>> -> memref<40x128xi32, #tpu.memory_space<hbm>>
      tpu.wait_dma2 semaphore(%run_scoped3A_56 : memref<!tpu.dma_semaphore, #tpu.memory_space<semaphore_mem>>) src(%dma_wait3A_70 : memref<40x128xi32, #tpu.memory_space<hbm>>) dst(%arg7 : memref<40x128xi32, #tpu.memory_space<vmem>>)
      tpu.yield
    }) : () -> ()
    %scan3A_21 = arith.constant 0 : i32
    %scan3A_22 = arith.constant 0 : i32
    %scan3A_23 = arith.constant 20 : i32
    %scan3A_24 = arith.addi %scan3A_22, %scan3A_23 : i32
    %scan3A_25 = arith.constant 1 : i32
    %scan3A_26 = scf.for %scan3A_56 = %scan3A_22 to %scan3A_24 step %scan3A_25 iter_args(%scan3A_57 = %scan3A_21) -> (i32)  : i32 {
      %mul3A_58 = arith.constant 2 : i32
      %mul3A_59 = arith.muli %mul3A_58, %scan3A_56 : i32
      %dma_start3A = arith.constant 0 : i32
      %dma_start3A_60 = arith.constant 0 : i32
      %dma_start3A_61 = arith.constant 0 : i32
      %dma_start3A_62 = tpu.memref_slice %arg8[%dma_start3A, %dma_start3A_60, %dma_start3A_61] : memref<2x128x128xf32, #tpu.memory_space<vmem>> -> memref<1x128x128xf32, #tpu.memory_space<vmem>>
      %dma_start3A_63 = tpu.memref_squeeze %dma_start3A_62 : memref<1x128x128xf32, #tpu.memory_space<vmem>> -> memref<128x128xf32, #tpu.memory_space<vmem>>
      %dma_start3A_64 = arith.constant 0 : i32
      %dma_start3A_65 = tpu.memref_slice %arg6[%mul3A_59, %dma_start3A_64] : memref<40x128xi32, #tpu.memory_space<vmem>> -> memref<1x128xi32, #tpu.memory_space<vmem>>
      %dma_start3A_66 = tpu.memref_squeeze %dma_start3A_65 : memref<1x128xi32, #tpu.memory_space<vmem>> -> memref<128xi32, #tpu.memory_space<vmem>>
      %dma_start3A_67 = arith.constant 0 : i32
      %dma_start3A_68 = arith.constant 0 : i32
      %dma_start3A_69 = tpu.memref_slice %arg2[%dma_start3A_67, %dma_start3A_68] : memref<20000x128xf32, #tpu.memory_space<hbm>> -> memref<20000x128xf32, #tpu.memory_space<hbm>>
      tpu.enqueue_indirect_dma source(%dma_start3A_69 : memref<20000x128xf32, #tpu.memory_space<hbm>>) target(%dma_start3A_63 : memref<128x128xf32, #tpu.memory_space<vmem>>) offsets(%dma_start3A_66 : memref<128xi32, #tpu.memory_space<vmem>>) semaphore(%arg10 : memref<!tpu.dma_semaphore, #tpu.memory_space<semaphore_mem>>)
      %add3A_70 = arith.constant 1 : i32
      %add3A_71 = arith.addi %mul3A_59, %add3A_70 : i32
      %dma_start3A_72 = arith.constant 1 : i32
      %dma_start3A_73 = arith.constant 0 : i32
      %dma_start3A_74 = arith.constant 0 : i32
      %dma_start3A_75 = tpu.memref_slice %arg8[%dma_start3A_72, %dma_start3A_73, %dma_start3A_74] : memref<2x128x128xf32, #tpu.memory_space<vmem>> -> memref<1x128x128xf32, #tpu.memory_space<vmem>>
      %dma_start3A_76 = tpu.memref_squeeze %dma_start3A_75 : memref<1x128x128xf32, #tpu.memory_space<vmem>> -> memref<128x128xf32, #tpu.memory_space<vmem>>
      %dma_start3A_77 = arith.constant 0 : i32
      %dma_start3A_78 = tpu.memref_slice %arg6[%add3A_71, %dma_start3A_77] : memref<40x128xi32, #tpu.memory_space<vmem>> -> memref<1x128xi32, #tpu.memory_space<vmem>>
      %dma_start3A_79 = tpu.memref_squeeze %dma_start3A_78 : memref<1x128xi32, #tpu.memory_space<vmem>> -> memref<128xi32, #tpu.memory_space<vmem>>
      %dma_start3A_80 = arith.constant 0 : i32
      %dma_start3A_81 = arith.constant 0 : i32
      %dma_start3A_82 = tpu.memref_slice %arg2[%dma_start3A_80, %dma_start3A_81] : memref<20000x128xf32, #tpu.memory_space<hbm>> -> memref<20000x128xf32, #tpu.memory_space<hbm>>
      tpu.enqueue_indirect_dma source(%dma_start3A_82 : memref<20000x128xf32, #tpu.memory_space<hbm>>) target(%dma_start3A_76 : memref<128x128xf32, #tpu.memory_space<vmem>>) offsets(%dma_start3A_79 : memref<128xi32, #tpu.memory_space<vmem>>) semaphore(%arg10 : memref<!tpu.dma_semaphore, #tpu.memory_space<semaphore_mem>>)
      %dma_wait3A = arith.constant 0 : i32
      %dma_wait3A_83 = arith.constant 0 : i32
      %dma_wait3A_84 = arith.constant 0 : i32
      %dma_wait3A_85 = tpu.memref_slice %arg8[%dma_wait3A, %dma_wait3A_83, %dma_wait3A_84] : memref<2x128x128xf32, #tpu.memory_space<vmem>> -> memref<1x128x128xf32, #tpu.memory_space<vmem>>
      %dma_wait3A_86 = tpu.memref_squeeze %dma_wait3A_85 : memref<1x128x128xf32, #tpu.memory_space<vmem>> -> memref<128x128xf32, #tpu.memory_space<vmem>>
      %dma_wait3A_87 = arith.constant 0 : i32
      %dma_wait3A_88 = tpu.memref_slice %arg6[%mul3A_59, %dma_wait3A_87] : memref<40x128xi32, #tpu.memory_space<vmem>> -> memref<1x128xi32, #tpu.memory_space<vmem>>
      %dma_wait3A_89 = tpu.memref_squeeze %dma_wait3A_88 : memref<1x128xi32, #tpu.memory_space<vmem>> -> memref<128xi32, #tpu.memory_space<vmem>>
      %dma_wait3A_90 = arith.constant 0 : i32
      %dma_wait3A_91 = arith.constant 0 : i32
      %dma_wait3A_92 = tpu.memref_slice %arg2[%dma_wait3A_90, %dma_wait3A_91] : memref<20000x128xf32, #tpu.memory_space<hbm>> -> memref<20000x128xf32, #tpu.memory_space<hbm>>
      tpu.wait_indirect_dma semaphore(%arg10 : memref<!tpu.dma_semaphore, #tpu.memory_space<semaphore_mem>>) src(%dma_wait3A_92 : memref<20000x128xf32, #tpu.memory_space<hbm>>) dst(%dma_wait3A_86 : memref<128x128xf32, #tpu.memory_space<vmem>>)
      %dma_start3A_93 = arith.constant 0 : i32
      %dma_start3A_94 = arith.constant 0 : i32
      %dma_start3A_95 = arith.constant 0 : i32
      %dma_start3A_96 = tpu.memref_slice %arg8[%dma_start3A_93, %dma_start3A_94, %dma_start3A_95] : memref<2x128x128xf32, #tpu.memory_space<vmem>> -> memref<1x128x128xf32, #tpu.memory_space<vmem>>
      %dma_start3A_97 = tpu.memref_squeeze %dma_start3A_96 : memref<1x128x128xf32, #tpu.memory_space<vmem>> -> memref<128x128xf32, #tpu.memory_space<vmem>>
      %dma_start3A_98 = arith.constant 0 : i32
      %dma_start3A_99 = tpu.memref_slice %arg7[%mul3A_59, %dma_start3A_98] : memref<40x128xi32, #tpu.memory_space<vmem>> -> memref<1x128xi32, #tpu.memory_space<vmem>>
      %dma_start3A_100 = tpu.memref_squeeze %dma_start3A_99 : memref<1x128xi32, #tpu.memory_space<vmem>> -> memref<128xi32, #tpu.memory_space<vmem>>
      %dma_start3A_101 = arith.constant 0 : i32
      %dma_start3A_102 = arith.constant 0 : i32
      %dma_start3A_103 = tpu.memref_slice %arg9[%dma_start3A_101, %dma_start3A_102] : memref<10240x128xf32, #tpu.memory_space<vmem_shared>> -> memref<10240x128xf32, #tpu.memory_space<vmem_shared>>
      tpu.enqueue_indirect_dma source(%dma_start3A_97 : memref<128x128xf32, #tpu.memory_space<vmem>>) target(%dma_start3A_103 : memref<10240x128xf32, #tpu.memory_space<vmem_shared>>) offsets(%dma_start3A_100 : memref<128xi32, #tpu.memory_space<vmem>>) semaphore(%arg11 : memref<!tpu.dma_semaphore, #tpu.memory_space<semaphore_mem>>) {add = true}
      %dma_wait3A_104 = arith.constant 1 : i32
      %dma_wait3A_105 = arith.constant 0 : i32
      %dma_wait3A_106 = arith.constant 0 : i32
      %dma_wait3A_107 = tpu.memref_slice %arg8[%dma_wait3A_104, %dma_wait3A_105, %dma_wait3A_106] : memref<2x128x128xf32, #tpu.memory_space<vmem>> -> memref<1x128x128xf32, #tpu.memory_space<vmem>>
      %dma_wait3A_108 = tpu.memref_squeeze %dma_wait3A_107 : memref<1x128x128xf32, #tpu.memory_space<vmem>> -> memref<128x128xf32, #tpu.memory_space<vmem>>
      %dma_wait3A_109 = arith.constant 0 : i32
      %dma_wait3A_110 = tpu.memref_slice %arg6[%add3A_71, %dma_wait3A_109] : memref<40x128xi32, #tpu.memory_space<vmem>> -> memref<1x128xi32, #tpu.memory_space<vmem>>
      %dma_wait3A_111 = tpu.memref_squeeze %dma_wait3A_110 : memref<1x128xi32, #tpu.memory_space<vmem>> -> memref<128xi32, #tpu.memory_space<vmem>>
      %dma_wait3A_112 = arith.constant 0 : i32
      %dma_wait3A_113 = arith.constant 0 : i32
      %dma_wait3A_114 = tpu.memref_slice %arg2[%dma_wait3A_112, %dma_wait3A_113] : memref<20000x128xf32, #tpu.memory_space<hbm>> -> memref<20000x128xf32, #tpu.memory_space<hbm>>
      tpu.wait_indirect_dma semaphore(%arg10 : memref<!tpu.dma_semaphore, #tpu.memory_space<semaphore_mem>>) src(%dma_wait3A_114 : memref<20000x128xf32, #tpu.memory_space<hbm>>) dst(%dma_wait3A_108 : memref<128x128xf32, #tpu.memory_space<vmem>>)
      %add3A_115 = arith.constant 1 : i32
      %add3A_116 = arith.addi %mul3A_59, %add3A_115 : i32
      %dma_start3A_117 = arith.constant 1 : i32
      %dma_start3A_118 = arith.constant 0 : i32
      %dma_start3A_119 = arith.constant 0 : i32
      %dma_start3A_120 = tpu.memref_slice %arg8[%dma_start3A_117, %dma_start3A_118, %dma_start3A_119] : memref<2x128x128xf32, #tpu.memory_space<vmem>> -> memref<1x128x128xf32, #tpu.memory_space<vmem>>
      %dma_start3A_121 = tpu.memref_squeeze %dma_start3A_120 : memref<1x128x128xf32, #tpu.memory_space<vmem>> -> memref<128x128xf32, #tpu.memory_space<vmem>>
      %dma_start3A_122 = arith.constant 0 : i32
      %dma_start3A_123 = tpu.memref_slice %arg7[%add3A_116, %dma_start3A_122] : memref<40x128xi32, #tpu.memory_space<vmem>> -> memref<1x128xi32, #tpu.memory_space<vmem>>
      %dma_start3A_124 = tpu.memref_squeeze %dma_start3A_123 : memref<1x128xi32, #tpu.memory_space<vmem>> -> memref<128xi32, #tpu.memory_space<vmem>>
      %dma_start3A_125 = arith.constant 0 : i32
      %dma_start3A_126 = arith.constant 0 : i32
      %dma_start3A_127 = tpu.memref_slice %arg9[%dma_start3A_125, %dma_start3A_126] : memref<10240x128xf32, #tpu.memory_space<vmem_shared>> -> memref<10240x128xf32, #tpu.memory_space<vmem_shared>>
      tpu.enqueue_indirect_dma source(%dma_start3A_121 : memref<128x128xf32, #tpu.memory_space<vmem>>) target(%dma_start3A_127 : memref<10240x128xf32, #tpu.memory_space<vmem_shared>>) offsets(%dma_start3A_124 : memref<128xi32, #tpu.memory_space<vmem>>) semaphore(%arg11 : memref<!tpu.dma_semaphore, #tpu.memory_space<semaphore_mem>>) {add = true}
      %dma_wait3A_128 = arith.constant 0 : i32
      %dma_wait3A_129 = arith.constant 0 : i32
      %dma_wait3A_130 = arith.constant 0 : i32
      %dma_wait3A_131 = tpu.memref_slice %arg8[%dma_wait3A_128, %dma_wait3A_129, %dma_wait3A_130] : memref<2x128x128xf32, #tpu.memory_space<vmem>> -> memref<1x128x128xf32, #tpu.memory_space<vmem>>
      %dma_wait3A_132 = tpu.memref_squeeze %dma_wait3A_131 : memref<1x128x128xf32, #tpu.memory_space<vmem>> -> memref<128x128xf32, #tpu.memory_space<vmem>>
      %dma_wait3A_133 = arith.constant 0 : i32
      %dma_wait3A_134 = tpu.memref_slice %arg7[%mul3A_59, %dma_wait3A_133] : memref<40x128xi32, #tpu.memory_space<vmem>> -> memref<1x128xi32, #tpu.memory_space<vmem>>
      %dma_wait3A_135 = tpu.memref_squeeze %dma_wait3A_134 : memref<1x128xi32, #tpu.memory_space<vmem>> -> memref<128xi32, #tpu.memory_space<vmem>>
      %dma_wait3A_136 = arith.constant 0 : i32
      %dma_wait3A_137 = arith.constant 0 : i32
      %dma_wait3A_138 = tpu.memref_slice %arg9[%dma_wait3A_136, %dma_wait3A_137] : memref<10240x128xf32, #tpu.memory_space<vmem_shared>> -> memref<10240x128xf32, #tpu.memory_space<vmem_shared>>
      tpu.wait_indirect_dma semaphore(%arg11 : memref<!tpu.dma_semaphore, #tpu.memory_space<semaphore_mem>>) src(%dma_wait3A_132 : memref<128x128xf32, #tpu.memory_space<vmem>>) dst(%dma_wait3A_138 : memref<10240x128xf32, #tpu.memory_space<vmem_shared>>)
      %dma_wait3A_139 = arith.constant 1 : i32
      %dma_wait3A_140 = arith.constant 0 : i32
      %dma_wait3A_141 = arith.constant 0 : i32
      %dma_wait3A_142 = tpu.memref_slice %arg8[%dma_wait3A_139, %dma_wait3A_140, %dma_wait3A_141] : memref<2x128x128xf32, #tpu.memory_space<vmem>> -> memref<1x128x128xf32, #tpu.memory_space<vmem>>
      %dma_wait3A_143 = tpu.memref_squeeze %dma_wait3A_142 : memref<1x128x128xf32, #tpu.memory_space<vmem>> -> memref<128x128xf32, #tpu.memory_space<vmem>>
      %dma_wait3A_144 = arith.constant 0 : i32
      %dma_wait3A_145 = tpu.memref_slice %arg7[%add3A_116, %dma_wait3A_144] : memref<40x128xi32, #tpu.memory_space<vmem>> -> memref<1x128xi32, #tpu.memory_space<vmem>>
      %dma_wait3A_146 = tpu.memref_squeeze %dma_wait3A_145 : memref<1x128xi32, #tpu.memory_space<vmem>> -> memref<128xi32, #tpu.memory_space<vmem>>
      %dma_wait3A_147 = arith.constant 0 : i32
      %dma_wait3A_148 = arith.constant 0 : i32
      %dma_wait3A_149 = tpu.memref_slice %arg9[%dma_wait3A_147, %dma_wait3A_148] : memref<10240x128xf32, #tpu.memory_space<vmem_shared>> -> memref<10240x128xf32, #tpu.memory_space<vmem_shared>>
      tpu.wait_indirect_dma semaphore(%arg11 : memref<!tpu.dma_semaphore, #tpu.memory_space<semaphore_mem>>) src(%dma_wait3A_143 : memref<128x128xf32, #tpu.memory_space<vmem>>) dst(%dma_wait3A_149 : memref<10240x128xf32, #tpu.memory_space<vmem_shared>>)
      %scan3A_150 = arith.constant 0 : i32
      scf.yield %scan3A_150 : i32
    }
    %scan3A_27 = arith.constant 20 : i32
    "tpu.region"() ({
      %run_scoped3A_56 = tpu.sem_alloc : memref<!tpu.dma_semaphore, #tpu.memory_space<semaphore_mem>>
      %dma_start3A = arith.constant 40 : i32
      %dma_start3A_57 = arith.constant 0 : i32
      %dma_start3A_58 = tpu.memref_slice %arg3[%arg0, %arg1, %dma_start3A, %dma_start3A_57] : memref<2x16x80x128xi32, #tpu.memory_space<hbm>> -> memref<1x1x40x128xi32, #tpu.memory_space<hbm>>
      %dma_start3A_59 = tpu.memref_squeeze %dma_start3A_58 : memref<1x1x40x128xi32, #tpu.memory_space<hbm>> -> memref<40x128xi32, #tpu.memory_space<hbm>>
      %dma_start3A_60 = arith.constant 40 : i32
      %dma_start3A_61 = arith.constant 0 : i32
      %dma_start3A_62 = tpu.memref_slice %arg3[%arg0, %arg1, %dma_start3A_60, %dma_start3A_61] : memref<2x16x80x128xi32, #tpu.memory_space<hbm>> -> memref<1x1x40x128xi32, #tpu.memory_space<hbm>>
      %dma_start3A_63 = tpu.memref_squeeze %dma_start3A_62 : memref<1x1x40x128xi32, #tpu.memory_space<hbm>> -> memref<40x128xi32, #tpu.memory_space<hbm>>
      tpu.enqueue_dma source(%dma_start3A_63 : memref<40x128xi32, #tpu.memory_space<hbm>>) target(%arg6 : memref<40x128xi32, #tpu.memory_space<vmem>>) target_semaphore(%run_scoped3A_56 : memref<!tpu.dma_semaphore, #tpu.memory_space<semaphore_mem>>)
      %dma_wait3A = arith.constant 40 : i32
      %dma_wait3A_64 = arith.constant 0 : i32
      %dma_wait3A_65 = tpu.memref_slice %arg3[%arg0, %arg1, %dma_wait3A, %dma_wait3A_64] : memref<2x16x80x128xi32, #tpu.memory_space<hbm>> -> memref<1x1x40x128xi32, #tpu.memory_space<hbm>>
      %dma_wait3A_66 = tpu.memref_squeeze %dma_wait3A_65 : memref<1x1x40x128xi32, #tpu.memory_space<hbm>> -> memref<40x128xi32, #tpu.memory_space<hbm>>
      %dma_wait3A_67 = arith.constant 40 : i32
      %dma_wait3A_68 = arith.constant 0 : i32
      %dma_wait3A_69 = tpu.memref_slice %arg3[%arg0, %arg1, %dma_wait3A_67, %dma_wait3A_68] : memref<2x16x80x128xi32, #tpu.memory_space<hbm>> -> memref<1x1x40x128xi32, #tpu.memory_space<hbm>>
      %dma_wait3A_70 = tpu.memref_squeeze %dma_wait3A_69 : memref<1x1x40x128xi32, #tpu.memory_space<hbm>> -> memref<40x128xi32, #tpu.memory_space<hbm>>
      tpu.wait_dma2 semaphore(%run_scoped3A_56 : memref<!tpu.dma_semaphore, #tpu.memory_space<semaphore_mem>>) src(%dma_wait3A_70 : memref<40x128xi32, #tpu.memory_space<hbm>>) dst(%arg6 : memref<40x128xi32, #tpu.memory_space<vmem>>)
      tpu.yield
    }) : () -> ()
    "tpu.region"() ({
      %run_scoped3A_56 = tpu.sem_alloc : memref<!tpu.dma_semaphore, #tpu.memory_space<semaphore_mem>>
      %dma_start3A = arith.constant 40 : i32
      %dma_start3A_57 = arith.constant 0 : i32
      %dma_start3A_58 = tpu.memref_slice %arg4[%arg1, %dma_start3A, %dma_start3A_57] : memref<16x80x128xi32, #tpu.memory_space<hbm>> -> memref<1x40x128xi32, #tpu.memory_space<hbm>>
      %dma_start3A_59 = tpu.memref_squeeze %dma_start3A_58 : memref<1x40x128xi32, #tpu.memory_space<hbm>> -> memref<40x128xi32, #tpu.memory_space<hbm>>
      %dma_start3A_60 = arith.constant 40 : i32
      %dma_start3A_61 = arith.constant 0 : i32
      %dma_start3A_62 = tpu.memref_slice %arg4[%arg1, %dma_start3A_60, %dma_start3A_61] : memref<16x80x128xi32, #tpu.memory_space<hbm>> -> memref<1x40x128xi32, #tpu.memory_space<hbm>>
      %dma_start3A_63 = tpu.memref_squeeze %dma_start3A_62 : memref<1x40x128xi32, #tpu.memory_space<hbm>> -> memref<40x128xi32, #tpu.memory_space<hbm>>
      tpu.enqueue_dma source(%dma_start3A_63 : memref<40x128xi32, #tpu.memory_space<hbm>>) target(%arg7 : memref<40x128xi32, #tpu.memory_space<vmem>>) target_semaphore(%run_scoped3A_56 : memref<!tpu.dma_semaphore, #tpu.memory_space<semaphore_mem>>)
      %dma_wait3A = arith.constant 40 : i32
      %dma_wait3A_64 = arith.constant 0 : i32
      %dma_wait3A_65 = tpu.memref_slice %arg4[%arg1, %dma_wait3A, %dma_wait3A_64] : memref<16x80x128xi32, #tpu.memory_space<hbm>> -> memref<1x40x128xi32, #tpu.memory_space<hbm>>
      %dma_wait3A_66 = tpu.memref_squeeze %dma_wait3A_65 : memref<1x40x128xi32, #tpu.memory_space<hbm>> -> memref<40x128xi32, #tpu.memory_space<hbm>>
      %dma_wait3A_67 = arith.constant 40 : i32
      %dma_wait3A_68 = arith.constant 0 : i32
      %dma_wait3A_69 = tpu.memref_slice %arg4[%arg1, %dma_wait3A_67, %dma_wait3A_68] : memref<16x80x128xi32, #tpu.memory_space<hbm>> -> memref<1x40x128xi32, #tpu.memory_space<hbm>>
      %dma_wait3A_70 = tpu.memref_squeeze %dma_wait3A_69 : memref<1x40x128xi32, #tpu.memory_space<hbm>> -> memref<40x128xi32, #tpu.memory_space<hbm>>
      tpu.wait_dma2 semaphore(%run_scoped3A_56 : memref<!tpu.dma_semaphore, #tpu.memory_space<semaphore_mem>>) src(%dma_wait3A_70 : memref<40x128xi32, #tpu.memory_space<hbm>>) dst(%arg7 : memref<40x128xi32, #tpu.memory_space<vmem>>)
      tpu.yield
    }) : () -> ()
    %scan3A_28 = arith.constant 0 : i32
    %scan3A_29 = arith.constant 0 : i32
    %scan3A_30 = arith.constant 20 : i32
    %scan3A_31 = arith.addi %scan3A_29, %scan3A_30 : i32
    %scan3A_32 = arith.constant 1 : i32
    %scan3A_33 = scf.for %scan3A_56 = %scan3A_29 to %scan3A_31 step %scan3A_32 iter_args(%scan3A_57 = %scan3A_28) -> (i32)  : i32 {
      %mul3A_58 = arith.constant 2 : i32
      %mul3A_59 = arith.muli %mul3A_58, %scan3A_56 : i32
      %dma_start3A = arith.constant 0 : i32
      %dma_start3A_60 = arith.constant 0 : i32
      %dma_start3A_61 = arith.constant 0 : i32
      %dma_start3A_62 = tpu.memref_slice %arg8[%dma_start3A, %dma_start3A_60, %dma_start3A_61] : memref<2x128x128xf32, #tpu.memory_space<vmem>> -> memref<1x128x128xf32, #tpu.memory_space<vmem>>
      %dma_start3A_63 = tpu.memref_squeeze %dma_start3A_62 : memref<1x128x128xf32, #tpu.memory_space<vmem>> -> memref<128x128xf32, #tpu.memory_space<vmem>>
      %dma_start3A_64 = arith.constant 0 : i32
      %dma_start3A_65 = tpu.memref_slice %arg6[%mul3A_59, %dma_start3A_64] : memref<40x128xi32, #tpu.memory_space<vmem>> -> memref<1x128xi32, #tpu.memory_space<vmem>>
      %dma_start3A_66 = tpu.memref_squeeze %dma_start3A_65 : memref<1x128xi32, #tpu.memory_space<vmem>> -> memref<128xi32, #tpu.memory_space<vmem>>
      %dma_start3A_67 = arith.constant 0 : i32
      %dma_start3A_68 = arith.constant 0 : i32
      %dma_start3A_69 = tpu.memref_slice %arg2[%dma_start3A_67, %dma_start3A_68] : memref<20000x128xf32, #tpu.memory_space<hbm>> -> memref<20000x128xf32, #tpu.memory_space<hbm>>
      tpu.enqueue_indirect_dma source(%dma_start3A_69 : memref<20000x128xf32, #tpu.memory_space<hbm>>) target(%dma_start3A_63 : memref<128x128xf32, #tpu.memory_space<vmem>>) offsets(%dma_start3A_66 : memref<128xi32, #tpu.memory_space<vmem>>) semaphore(%arg10 : memref<!tpu.dma_semaphore, #tpu.memory_space<semaphore_mem>>)
      %add3A_70 = arith.constant 1 : i32
      %add3A_71 = arith.addi %mul3A_59, %add3A_70 : i32
      %dma_start3A_72 = arith.constant 1 : i32
      %dma_start3A_73 = arith.constant 0 : i32
      %dma_start3A_74 = arith.constant 0 : i32
      %dma_start3A_75 = tpu.memref_slice %arg8[%dma_start3A_72, %dma_start3A_73, %dma_start3A_74] : memref<2x128x128xf32, #tpu.memory_space<vmem>> -> memref<1x128x128xf32, #tpu.memory_space<vmem>>
      %dma_start3A_76 = tpu.memref_squeeze %dma_start3A_75 : memref<1x128x128xf32, #tpu.memory_space<vmem>> -> memref<128x128xf32, #tpu.memory_space<vmem>>
      %dma_start3A_77 = arith.constant 0 : i32
      %dma_start3A_78 = tpu.memref_slice %arg6[%add3A_71, %dma_start3A_77] : memref<40x128xi32, #tpu.memory_space<vmem>> -> memref<1x128xi32, #tpu.memory_space<vmem>>
      %dma_start3A_79 = tpu.memref_squeeze %dma_start3A_78 : memref<1x128xi32, #tpu.memory_space<vmem>> -> memref<128xi32, #tpu.memory_space<vmem>>
      %dma_start3A_80 = arith.constant 0 : i32
      %dma_start3A_81 = arith.constant 0 : i32
      %dma_start3A_82 = tpu.memref_slice %arg2[%dma_start3A_80, %dma_start3A_81] : memref<20000x128xf32, #tpu.memory_space<hbm>> -> memref<20000x128xf32, #tpu.memory_space<hbm>>
      tpu.enqueue_indirect_dma source(%dma_start3A_82 : memref<20000x128xf32, #tpu.memory_space<hbm>>) target(%dma_start3A_76 : memref<128x128xf32, #tpu.memory_space<vmem>>) offsets(%dma_start3A_79 : memref<128xi32, #tpu.memory_space<vmem>>) semaphore(%arg10 : memref<!tpu.dma_semaphore, #tpu.memory_space<semaphore_mem>>)
      %dma_wait3A = arith.constant 0 : i32
      %dma_wait3A_83 = arith.constant 0 : i32
      %dma_wait3A_84 = arith.constant 0 : i32
      %dma_wait3A_85 = tpu.memref_slice %arg8[%dma_wait3A, %dma_wait3A_83, %dma_wait3A_84] : memref<2x128x128xf32, #tpu.memory_space<vmem>> -> memref<1x128x128xf32, #tpu.memory_space<vmem>>
      %dma_wait3A_86 = tpu.memref_squeeze %dma_wait3A_85 : memref<1x128x128xf32, #tpu.memory_space<vmem>> -> memref<128x128xf32, #tpu.memory_space<vmem>>
      %dma_wait3A_87 = arith.constant 0 : i32
      %dma_wait3A_88 = tpu.memref_slice %arg6[%mul3A_59, %dma_wait3A_87] : memref<40x128xi32, #tpu.memory_space<vmem>> -> memref<1x128xi32, #tpu.memory_space<vmem>>
      %dma_wait3A_89 = tpu.memref_squeeze %dma_wait3A_88 : memref<1x128xi32, #tpu.memory_space<vmem>> -> memref<128xi32, #tpu.memory_space<vmem>>
      %dma_wait3A_90 = arith.constant 0 : i32
      %dma_wait3A_91 = arith.constant 0 : i32
      %dma_wait3A_92 = tpu.memref_slice %arg2[%dma_wait3A_90, %dma_wait3A_91] : memref<20000x128xf32, #tpu.memory_space<hbm>> -> memref<20000x128xf32, #tpu.memory_space<hbm>>
      tpu.wait_indirect_dma semaphore(%arg10 : memref<!tpu.dma_semaphore, #tpu.memory_space<semaphore_mem>>) src(%dma_wait3A_92 : memref<20000x128xf32, #tpu.memory_space<hbm>>) dst(%dma_wait3A_86 : memref<128x128xf32, #tpu.memory_space<vmem>>)
      %dma_start3A_93 = arith.constant 0 : i32
      %dma_start3A_94 = arith.constant 0 : i32
      %dma_start3A_95 = arith.constant 0 : i32
      %dma_start3A_96 = tpu.memref_slice %arg8[%dma_start3A_93, %dma_start3A_94, %dma_start3A_95] : memref<2x128x128xf32, #tpu.memory_space<vmem>> -> memref<1x128x128xf32, #tpu.memory_space<vmem>>
      %dma_start3A_97 = tpu.memref_squeeze %dma_start3A_96 : memref<1x128x128xf32, #tpu.memory_space<vmem>> -> memref<128x128xf32, #tpu.memory_space<vmem>>
      %dma_start3A_98 = arith.constant 0 : i32
      %dma_start3A_99 = tpu.memref_slice %arg7[%mul3A_59, %dma_start3A_98] : memref<40x128xi32, #tpu.memory_space<vmem>> -> memref<1x128xi32, #tpu.memory_space<vmem>>
      %dma_start3A_100 = tpu.memref_squeeze %dma_start3A_99 : memref<1x128xi32, #tpu.memory_space<vmem>> -> memref<128xi32, #tpu.memory_space<vmem>>
      %dma_start3A_101 = arith.constant 0 : i32
      %dma_start3A_102 = arith.constant 0 : i32
      %dma_start3A_103 = tpu.memref_slice %arg9[%dma_start3A_101, %dma_start3A_102] : memref<10240x128xf32, #tpu.memory_space<vmem_shared>> -> memref<10240x128xf32, #tpu.memory_space<vmem_shared>>
      tpu.enqueue_indirect_dma source(%dma_start3A_97 : memref<128x128xf32, #tpu.memory_space<vmem>>) target(%dma_start3A_103 : memref<10240x128xf32, #tpu.memory_space<vmem_shared>>) offsets(%dma_start3A_100 : memref<128xi32, #tpu.memory_space<vmem>>) semaphore(%arg11 : memref<!tpu.dma_semaphore, #tpu.memory_space<semaphore_mem>>) {add = true}
      %dma_wait3A_104 = arith.constant 1 : i32
      %dma_wait3A_105 = arith.constant 0 : i32
      %dma_wait3A_106 = arith.constant 0 : i32
      %dma_wait3A_107 = tpu.memref_slice %arg8[%dma_wait3A_104, %dma_wait3A_105, %dma_wait3A_106] : memref<2x128x128xf32, #tpu.memory_space<vmem>> -> memref<1x128x128xf32, #tpu.memory_space<vmem>>
      %dma_wait3A_108 = tpu.memref_squeeze %dma_wait3A_107 : memref<1x128x128xf32, #tpu.memory_space<vmem>> -> memref<128x128xf32, #tpu.memory_space<vmem>>
      %dma_wait3A_109 = arith.constant 0 : i32
      %dma_wait3A_110 = tpu.memref_slice %arg6[%add3A_71, %dma_wait3A_109] : memref<40x128xi32, #tpu.memory_space<vmem>> -> memref<1x128xi32, #tpu.memory_space<vmem>>
      %dma_wait3A_111 = tpu.memref_squeeze %dma_wait3A_110 : memref<1x128xi32, #tpu.memory_space<vmem>> -> memref<128xi32, #tpu.memory_space<vmem>>
      %dma_wait3A_112 = arith.constant 0 : i32
      %dma_wait3A_113 = arith.constant 0 : i32
      %dma_wait3A_114 = tpu.memref_slice %arg2[%dma_wait3A_112, %dma_wait3A_113] : memref<20000x128xf32, #tpu.memory_space<hbm>> -> memref<20000x128xf32, #tpu.memory_space<hbm>>
      tpu.wait_indirect_dma semaphore(%arg10 : memref<!tpu.dma_semaphore, #tpu.memory_space<semaphore_mem>>) src(%dma_wait3A_114 : memref<20000x128xf32, #tpu.memory_space<hbm>>) dst(%dma_wait3A_108 : memref<128x128xf32, #tpu.memory_space<vmem>>)
      %add3A_115 = arith.constant 1 : i32
      %add3A_116 = arith.addi %mul3A_59, %add3A_115 : i32
      %dma_start3A_117 = arith.constant 1 : i32
      %dma_start3A_118 = arith.constant 0 : i32
      %dma_start3A_119 = arith.constant 0 : i32
      %dma_start3A_120 = tpu.memref_slice %arg8[%dma_start3A_117, %dma_start3A_118, %dma_start3A_119] : memref<2x128x128xf32, #tpu.memory_space<vmem>> -> memref<1x128x128xf32, #tpu.memory_space<vmem>>
      %dma_start3A_121 = tpu.memref_squeeze %dma_start3A_120 : memref<1x128x128xf32, #tpu.memory_space<vmem>> -> memref<128x128xf32, #tpu.memory_space<vmem>>
      %dma_start3A_122 = arith.constant 0 : i32
      %dma_start3A_123 = tpu.memref_slice %arg7[%add3A_116, %dma_start3A_122] : memref<40x128xi32, #tpu.memory_space<vmem>> -> memref<1x128xi32, #tpu.memory_space<vmem>>
      %dma_start3A_124 = tpu.memref_squeeze %dma_start3A_123 : memref<1x128xi32, #tpu.memory_space<vmem>> -> memref<128xi32, #tpu.memory_space<vmem>>
      %dma_start3A_125 = arith.constant 0 : i32
      %dma_start3A_126 = arith.constant 0 : i32
      %dma_start3A_127 = tpu.memref_slice %arg9[%dma_start3A_125, %dma_start3A_126] : memref<10240x128xf32, #tpu.memory_space<vmem_shared>> -> memref<10240x128xf32, #tpu.memory_space<vmem_shared>>
      tpu.enqueue_indirect_dma source(%dma_start3A_121 : memref<128x128xf32, #tpu.memory_space<vmem>>) target(%dma_start3A_127 : memref<10240x128xf32, #tpu.memory_space<vmem_shared>>) offsets(%dma_start3A_124 : memref<128xi32, #tpu.memory_space<vmem>>) semaphore(%arg11 : memref<!tpu.dma_semaphore, #tpu.memory_space<semaphore_mem>>) {add = true}
      %dma_wait3A_128 = arith.constant 0 : i32
      %dma_wait3A_129 = arith.constant 0 : i32
      %dma_wait3A_130 = arith.constant 0 : i32
      %dma_wait3A_131 = tpu.memref_slice %arg8[%dma_wait3A_128, %dma_wait3A_129, %dma_wait3A_130] : memref<2x128x128xf32, #tpu.memory_space<vmem>> -> memref<1x128x128xf32, #tpu.memory_space<vmem>>
      %dma_wait3A_132 = tpu.memref_squeeze %dma_wait3A_131 : memref<1x128x128xf32, #tpu.memory_space<vmem>> -> memref<128x128xf32, #tpu.memory_space<vmem>>
      %dma_wait3A_133 = arith.constant 0 : i32
      %dma_wait3A_134 = tpu.memref_slice %arg7[%mul3A_59, %dma_wait3A_133] : memref<40x128xi32, #tpu.memory_space<vmem>> -> memref<1x128xi32, #tpu.memory_space<vmem>>
      %dma_wait3A_135 = tpu.memref_squeeze %dma_wait3A_134 : memref<1x128xi32, #tpu.memory_space<vmem>> -> memref<128xi32, #tpu.memory_space<vmem>>
      %dma_wait3A_136 = arith.constant 0 : i32
      %dma_wait3A_137 = arith.constant 0 : i32
      %dma_wait3A_138 = tpu.memref_slice %arg9[%dma_wait3A_136, %dma_wait3A_137] : memref<10240x128xf32, #tpu.memory_space<vmem_shared>> -> memref<10240x128xf32, #tpu.memory_space<vmem_shared>>
      tpu.wait_indirect_dma semaphore(%arg11 : memref<!tpu.dma_semaphore, #tpu.memory_space<semaphore_mem>>) src(%dma_wait3A_132 : memref<128x128xf32, #tpu.memory_space<vmem>>) dst(%dma_wait3A_138 : memref<10240x128xf32, #tpu.memory_space<vmem_shared>>)
      %dma_wait3A_139 = arith.constant 1 : i32
      %dma_wait3A_140 = arith.constant 0 : i32
      %dma_wait3A_141 = arith.constant 0 : i32
      %dma_wait3A_142 = tpu.memref_slice %arg8[%dma_wait3A_139, %dma_wait3A_140, %dma_wait3A_141] : memref<2x128x128xf32, #tpu.memory_space<vmem>> -> memref<1x128x128xf32, #tpu.memory_space<vmem>>
      %dma_wait3A_143 = tpu.memref_squeeze %dma_wait3A_142 : memref<1x128x128xf32, #tpu.memory_space<vmem>> -> memref<128x128xf32, #tpu.memory_space<vmem>>
      %dma_wait3A_144 = arith.constant 0 : i32
      %dma_wait3A_145 = tpu.memref_slice %arg7[%add3A_116, %dma_wait3A_144] : memref<40x128xi32, #tpu.memory_space<vmem>> -> memref<1x128xi32, #tpu.memory_space<vmem>>
      %dma_wait3A_146 = tpu.memref_squeeze %dma_wait3A_145 : memref<1x128xi32, #tpu.memory_space<vmem>> -> memref<128xi32, #tpu.memory_space<vmem>>
      %dma_wait3A_147 = arith.constant 0 : i32
      %dma_wait3A_148 = arith.constant 0 : i32
      %dma_wait3A_149 = tpu.memref_slice %arg9[%dma_wait3A_147, %dma_wait3A_148] : memref<10240x128xf32, #tpu.memory_space<vmem_shared>> -> memref<10240x128xf32, #tpu.memory_space<vmem_shared>>
      tpu.wait_indirect_dma semaphore(%arg11 : memref<!tpu.dma_semaphore, #tpu.memory_space<semaphore_mem>>) src(%dma_wait3A_143 : memref<128x128xf32, #tpu.memory_space<vmem>>) dst(%dma_wait3A_149 : memref<10240x128xf32, #tpu.memory_space<vmem_shared>>)
      %scan3A_150 = arith.constant 0 : i32
      scf.yield %scan3A_150 : i32
    }
    %scan3A_34 = arith.constant 20 : i32
    %barrier3A_35 = arith.constant 0 : index
    tpu.barrier barrier_id(%barrier3A_35)
    %add3A_36 = arith.constant 0 : i32
    %add3A_37 = arith.addi %mul3A_1, %add3A_36 : i32
    %run_scoped3A_38 = arith.constant 0 : i32
    "tpu.region"() ({
      %run_scoped3A_56 = tpu.sem_alloc : memref<!tpu.dma_semaphore, #tpu.memory_space<semaphore_mem>>
      %dma_start3A = arith.constant 0 : i32
      %dma_start3A_57 = arith.constant 0 : i32
      %dma_start3A_58 = tpu.memref_slice %arg8[%run_scoped3A_38, %dma_start3A, %dma_start3A_57] : memref<2x128x128xf32, #tpu.memory_space<vmem>> -> memref<1x128x128xf32, #tpu.memory_space<vmem>>
      %dma_start3A_59 = tpu.memref_squeeze %dma_start3A_58 : memref<1x128x128xf32, #tpu.memory_space<vmem>> -> memref<128x128xf32, #tpu.memory_space<vmem>>
      %dma_start3A_60 = arith.constant 0 : i32
      %dma_start3A_61 = tpu.memref_slice %arg9[%add3A_37, %dma_start3A_60] : memref<10240x128xf32, #tpu.memory_space<vmem_shared>> -> memref<128x128xf32, #tpu.memory_space<vmem_shared>>
      %dma_start3A_62 = arith.constant 0 : i32
      %dma_start3A_63 = arith.constant 0 : i32
      %dma_start3A_64 = tpu.memref_slice %arg8[%run_scoped3A_38, %dma_start3A_62, %dma_start3A_63] : memref<2x128x128xf32, #tpu.memory_space<vmem>> -> memref<1x128x128xf32, #tpu.memory_space<vmem>>
      %dma_start3A_65 = tpu.memref_squeeze %dma_start3A_64 : memref<1x128x128xf32, #tpu.memory_space<vmem>> -> memref<128x128xf32, #tpu.memory_space<vmem>>
      %dma_start3A_66 = arith.constant 0 : i32
      %dma_start3A_67 = tpu.memref_slice %arg9[%add3A_37, %dma_start3A_66] : memref<10240x128xf32, #tpu.memory_space<vmem_shared>> -> memref<128x128xf32, #tpu.memory_space<vmem_shared>>
      tpu.enqueue_dma source(%dma_start3A_67 : memref<128x128xf32, #tpu.memory_space<vmem_shared>>) target(%dma_start3A_65 : memref<128x128xf32, #tpu.memory_space<vmem>>) target_semaphore(%run_scoped3A_56 : memref<!tpu.dma_semaphore, #tpu.memory_space<semaphore_mem>>)
      %dma_wait3A = arith.constant 0 : i32
      %dma_wait3A_68 = arith.constant 0 : i32
      %dma_wait3A_69 = tpu.memref_slice %arg8[%run_scoped3A_38, %dma_wait3A, %dma_wait3A_68] : memref<2x128x128xf32, #tpu.memory_space<vmem>> -> memref<1x128x128xf32, #tpu.memory_space<vmem>>
      %dma_wait3A_70 = tpu.memref_squeeze %dma_wait3A_69 : memref<1x128x128xf32, #tpu.memory_space<vmem>> -> memref<128x128xf32, #tpu.memory_space<vmem>>
      %dma_wait3A_71 = arith.constant 0 : i32
      %dma_wait3A_72 = tpu.memref_slice %arg9[%add3A_37, %dma_wait3A_71] : memref<10240x128xf32, #tpu.memory_space<vmem_shared>> -> memref<128x128xf32, #tpu.memory_space<vmem_shared>>
      %dma_wait3A_73 = arith.constant 0 : i32
      %dma_wait3A_74 = arith.constant 0 : i32
      %dma_wait3A_75 = tpu.memref_slice %arg8[%run_scoped3A_38, %dma_wait3A_73, %dma_wait3A_74] : memref<2x128x128xf32, #tpu.memory_space<vmem>> -> memref<1x128x128xf32, #tpu.memory_space<vmem>>
      %dma_wait3A_76 = tpu.memref_squeeze %dma_wait3A_75 : memref<1x128x128xf32, #tpu.memory_space<vmem>> -> memref<128x128xf32, #tpu.memory_space<vmem>>
      %dma_wait3A_77 = arith.constant 0 : i32
      %dma_wait3A_78 = tpu.memref_slice %arg9[%add3A_37, %dma_wait3A_77] : memref<10240x128xf32, #tpu.memory_space<vmem_shared>> -> memref<128x128xf32, #tpu.memory_space<vmem_shared>>
      tpu.wait_dma2 semaphore(%run_scoped3A_56 : memref<!tpu.dma_semaphore, #tpu.memory_space<semaphore_mem>>) src(%dma_wait3A_78 : memref<128x128xf32, #tpu.memory_space<vmem_shared>>) dst(%dma_wait3A_76 : memref<128x128xf32, #tpu.memory_space<vmem>>)
      tpu.yield
    }) : () -> ()
    %run_scoped3A_39 = arith.constant 0 : i32
    "tpu.region"() ({
      %run_scoped3A_56 = tpu.sem_alloc : memref<!tpu.dma_semaphore, #tpu.memory_space<semaphore_mem>>
      %dma_start3A = arith.constant 0 : i32
      %dma_start3A_57 = arith.constant 0 : i32
      %dma_start3A_58 = tpu.memref_slice %arg8[%run_scoped3A_39, %dma_start3A, %dma_start3A_57] : memref<2x128x128xf32, #tpu.memory_space<vmem>> -> memref<1x128x128xf32, #tpu.memory_space<vmem>>
      %dma_start3A_59 = tpu.memref_squeeze %dma_start3A_58 : memref<1x128x128xf32, #tpu.memory_space<vmem>> -> memref<128x128xf32, #tpu.memory_space<vmem>>
      %dma_start3A_60 = arith.constant 0 : i32
      %dma_start3A_61 = tpu.memref_slice %arg5[%arg0, %add3A_37, %dma_start3A_60] : memref<2x10240x128xf32, #tpu.memory_space<hbm>> -> memref<1x128x128xf32, #tpu.memory_space<hbm>>
      %dma_start3A_62 = tpu.memref_squeeze %dma_start3A_61 : memref<1x128x128xf32, #tpu.memory_space<hbm>> -> memref<128x128xf32, #tpu.memory_space<hbm>>
      %dma_start3A_63 = arith.constant 0 : i32
      %dma_start3A_64 = tpu.memref_slice %arg5[%arg0, %add3A_37, %dma_start3A_63] : memref<2x10240x128xf32, #tpu.memory_space<hbm>> -> memref<1x128x128xf32, #tpu.memory_space<hbm>>
      %dma_start3A_65 = tpu.memref_squeeze %dma_start3A_64 : memref<1x128x128xf32, #tpu.memory_space<hbm>> -> memref<128x128xf32, #tpu.memory_space<hbm>>
      %dma_start3A_66 = arith.constant 0 : i32
      %dma_start3A_67 = arith.constant 0 : i32
      %dma_start3A_68 = tpu.memref_slice %arg8[%run_scoped3A_39, %dma_start3A_66, %dma_start3A_67] : memref<2x128x128xf32, #tpu.memory_space<vmem>> -> memref<1x128x128xf32, #tpu.memory_space<vmem>>
      %dma_start3A_69 = tpu.memref_squeeze %dma_start3A_68 : memref<1x128x128xf32, #tpu.memory_space<vmem>> -> memref<128x128xf32, #tpu.memory_space<vmem>>
      tpu.enqueue_dma source(%dma_start3A_69 : memref<128x128xf32, #tpu.memory_space<vmem>>) target(%dma_start3A_65 : memref<128x128xf32, #tpu.memory_space<hbm>>) target_semaphore(%run_scoped3A_56 : memref<!tpu.dma_semaphore, #tpu.memory_space<semaphore_mem>>)
      %dma_wait3A = arith.constant 0 : i32
      %dma_wait3A_70 = arith.constant 0 : i32
      %dma_wait3A_71 = tpu.memref_slice %arg8[%run_scoped3A_39, %dma_wait3A, %dma_wait3A_70] : memref<2x128x128xf32, #tpu.memory_space<vmem>> -> memref<1x128x128xf32, #tpu.memory_space<vmem>>
      %dma_wait3A_72 = tpu.memref_squeeze %dma_wait3A_71 : memref<1x128x128xf32, #tpu.memory_space<vmem>> -> memref<128x128xf32, #tpu.memory_space<vmem>>
      %dma_wait3A_73 = arith.constant 0 : i32
      %dma_wait3A_74 = tpu.memref_slice %arg5[%arg0, %add3A_37, %dma_wait3A_73] : memref<2x10240x128xf32, #tpu.memory_space<hbm>> -> memref<1x128x128xf32, #tpu.memory_space<hbm>>
      %dma_wait3A_75 = tpu.memref_squeeze %dma_wait3A_74 : memref<1x128x128xf32, #tpu.memory_space<hbm>> -> memref<128x128xf32, #tpu.memory_space<hbm>>
      %dma_wait3A_76 = arith.constant 0 : i32
      %dma_wait3A_77 = tpu.memref_slice %arg5[%arg0, %add3A_37, %dma_wait3A_76] : memref<2x10240x128xf32, #tpu.memory_space<hbm>> -> memref<1x128x128xf32, #tpu.memory_space<hbm>>
      %dma_wait3A_78 = tpu.memref_squeeze %dma_wait3A_77 : memref<1x128x128xf32, #tpu.memory_space<hbm>> -> memref<128x128xf32, #tpu.memory_space<hbm>>
      %dma_wait3A_79 = arith.constant 0 : i32
      %dma_wait3A_80 = arith.constant 0 : i32
      %dma_wait3A_81 = tpu.memref_slice %arg8[%run_scoped3A_39, %dma_wait3A_79, %dma_wait3A_80] : memref<2x128x128xf32, #tpu.memory_space<vmem>> -> memref<1x128x128xf32, #tpu.memory_space<vmem>>
      %dma_wait3A_82 = tpu.memref_squeeze %dma_wait3A_81 : memref<1x128x128xf32, #tpu.memory_space<vmem>> -> memref<128x128xf32, #tpu.memory_space<vmem>>
      tpu.wait_dma2 semaphore(%run_scoped3A_56 : memref<!tpu.dma_semaphore, #tpu.memory_space<semaphore_mem>>) src(%dma_wait3A_82 : memref<128x128xf32, #tpu.memory_space<vmem>>) dst(%dma_wait3A_78 : memref<128x128xf32, #tpu.memory_space<hbm>>)
      tpu.yield
    }) : () -> ()
    %add3A_40 = arith.constant 128 : i32
    %add3A_41 = arith.addi %mul3A_1, %add3A_40 : i32
    %run_scoped3A_42 = arith.constant 0 : i32
    "tpu.region"() ({
      %run_scoped3A_56 = tpu.sem_alloc : memref<!tpu.dma_semaphore, #tpu.memory_space<semaphore_mem>>
      %dma_start3A = arith.constant 0 : i32
      %dma_start3A_57 = arith.constant 0 : i32
      %dma_start3A_58 = tpu.memref_slice %arg8[%run_scoped3A_42, %dma_start3A, %dma_start3A_57] : memref<2x128x128xf32, #tpu.memory_space<vmem>> -> memref<1x128x128xf32, #tpu.memory_space<vmem>>
      %dma_start3A_59 = tpu.memref_squeeze %dma_start3A_58 : memref<1x128x128xf32, #tpu.memory_space<vmem>> -> memref<128x128xf32, #tpu.memory_space<vmem>>
      %dma_start3A_60 = arith.constant 0 : i32
      %dma_start3A_61 = tpu.memref_slice %arg9[%add3A_41, %dma_start3A_60] : memref<10240x128xf32, #tpu.memory_space<vmem_shared>> -> memref<128x128xf32, #tpu.memory_space<vmem_shared>>
      %dma_start3A_62 = arith.constant 0 : i32
      %dma_start3A_63 = arith.constant 0 : i32
      %dma_start3A_64 = tpu.memref_slice %arg8[%run_scoped3A_42, %dma_start3A_62, %dma_start3A_63] : memref<2x128x128xf32, #tpu.memory_space<vmem>> -> memref<1x128x128xf32, #tpu.memory_space<vmem>>
      %dma_start3A_65 = tpu.memref_squeeze %dma_start3A_64 : memref<1x128x128xf32, #tpu.memory_space<vmem>> -> memref<128x128xf32, #tpu.memory_space<vmem>>
      %dma_start3A_66 = arith.constant 0 : i32
      %dma_start3A_67 = tpu.memref_slice %arg9[%add3A_41, %dma_start3A_66] : memref<10240x128xf32, #tpu.memory_space<vmem_shared>> -> memref<128x128xf32, #tpu.memory_space<vmem_shared>>
      tpu.enqueue_dma source(%dma_start3A_67 : memref<128x128xf32, #tpu.memory_space<vmem_shared>>) target(%dma_start3A_65 : memref<128x128xf32, #tpu.memory_space<vmem>>) target_semaphore(%run_scoped3A_56 : memref<!tpu.dma_semaphore, #tpu.memory_space<semaphore_mem>>)
      %dma_wait3A = arith.constant 0 : i32
      %dma_wait3A_68 = arith.constant 0 : i32
      %dma_wait3A_69 = tpu.memref_slice %arg8[%run_scoped3A_42, %dma_wait3A, %dma_wait3A_68] : memref<2x128x128xf32, #tpu.memory_space<vmem>> -> memref<1x128x128xf32, #tpu.memory_space<vmem>>
      %dma_wait3A_70 = tpu.memref_squeeze %dma_wait3A_69 : memref<1x128x128xf32, #tpu.memory_space<vmem>> -> memref<128x128xf32, #tpu.memory_space<vmem>>
      %dma_wait3A_71 = arith.constant 0 : i32
      %dma_wait3A_72 = tpu.memref_slice %arg9[%add3A_41, %dma_wait3A_71] : memref<10240x128xf32, #tpu.memory_space<vmem_shared>> -> memref<128x128xf32, #tpu.memory_space<vmem_shared>>
      %dma_wait3A_73 = arith.constant 0 : i32
      %dma_wait3A_74 = arith.constant 0 : i32
      %dma_wait3A_75 = tpu.memref_slice %arg8[%run_scoped3A_42, %dma_wait3A_73, %dma_wait3A_74] : memref<2x128x128xf32, #tpu.memory_space<vmem>> -> memref<1x128x128xf32, #tpu.memory_space<vmem>>
      %dma_wait3A_76 = tpu.memref_squeeze %dma_wait3A_75 : memref<1x128x128xf32, #tpu.memory_space<vmem>> -> memref<128x128xf32, #tpu.memory_space<vmem>>
      %dma_wait3A_77 = arith.constant 0 : i32
      %dma_wait3A_78 = tpu.memref_slice %arg9[%add3A_41, %dma_wait3A_77] : memref<10240x128xf32, #tpu.memory_space<vmem_shared>> -> memref<128x128xf32, #tpu.memory_space<vmem_shared>>
      tpu.wait_dma2 semaphore(%run_scoped3A_56 : memref<!tpu.dma_semaphore, #tpu.memory_space<semaphore_mem>>) src(%dma_wait3A_78 : memref<128x128xf32, #tpu.memory_space<vmem_shared>>) dst(%dma_wait3A_76 : memref<128x128xf32, #tpu.memory_space<vmem>>)
      tpu.yield
    }) : () -> ()
    %run_scoped3A_43 = arith.constant 0 : i32
    "tpu.region"() ({
      %run_scoped3A_56 = tpu.sem_alloc : memref<!tpu.dma_semaphore, #tpu.memory_space<semaphore_mem>>
      %dma_start3A = arith.constant 0 : i32
      %dma_start3A_57 = arith.constant 0 : i32
      %dma_start3A_58 = tpu.memref_slice %arg8[%run_scoped3A_43, %dma_start3A, %dma_start3A_57] : memref<2x128x128xf32, #tpu.memory_space<vmem>> -> memref<1x128x128xf32, #tpu.memory_space<vmem>>
      %dma_start3A_59 = tpu.memref_squeeze %dma_start3A_58 : memref<1x128x128xf32, #tpu.memory_space<vmem>> -> memref<128x128xf32, #tpu.memory_space<vmem>>
      %dma_start3A_60 = arith.constant 0 : i32
      %dma_start3A_61 = tpu.memref_slice %arg5[%arg0, %add3A_41, %dma_start3A_60] : memref<2x10240x128xf32, #tpu.memory_space<hbm>> -> memref<1x128x128xf32, #tpu.memory_space<hbm>>
      %dma_start3A_62 = tpu.memref_squeeze %dma_start3A_61 : memref<1x128x128xf32, #tpu.memory_space<hbm>> -> memref<128x128xf32, #tpu.memory_space<hbm>>
      %dma_start3A_63 = arith.constant 0 : i32
      %dma_start3A_64 = tpu.memref_slice %arg5[%arg0, %add3A_41, %dma_start3A_63] : memref<2x10240x128xf32, #tpu.memory_space<hbm>> -> memref<1x128x128xf32, #tpu.memory_space<hbm>>
      %dma_start3A_65 = tpu.memref_squeeze %dma_start3A_64 : memref<1x128x128xf32, #tpu.memory_space<hbm>> -> memref<128x128xf32, #tpu.memory_space<hbm>>
      %dma_start3A_66 = arith.constant 0 : i32
      %dma_start3A_67 = arith.constant 0 : i32
      %dma_start3A_68 = tpu.memref_slice %arg8[%run_scoped3A_43, %dma_start3A_66, %dma_start3A_67] : memref<2x128x128xf32, #tpu.memory_space<vmem>> -> memref<1x128x128xf32, #tpu.memory_space<vmem>>
      %dma_start3A_69 = tpu.memref_squeeze %dma_start3A_68 : memref<1x128x128xf32, #tpu.memory_space<vmem>> -> memref<128x128xf32, #tpu.memory_space<vmem>>
      tpu.enqueue_dma source(%dma_start3A_69 : memref<128x128xf32, #tpu.memory_space<vmem>>) target(%dma_start3A_65 : memref<128x128xf32, #tpu.memory_space<hbm>>) target_semaphore(%run_scoped3A_56 : memref<!tpu.dma_semaphore, #tpu.memory_space<semaphore_mem>>)
      %dma_wait3A = arith.constant 0 : i32
      %dma_wait3A_70 = arith.constant 0 : i32
      %dma_wait3A_71 = tpu.memref_slice %arg8[%run_scoped3A_43, %dma_wait3A, %dma_wait3A_70] : memref<2x128x128xf32, #tpu.memory_space<vmem>> -> memref<1x128x128xf32, #tpu.memory_space<vmem>>
      %dma_wait3A_72 = tpu.memref_squeeze %dma_wait3A_71 : memref<1x128x128xf32, #tpu.memory_space<vmem>> -> memref<128x128xf32, #tpu.memory_space<vmem>>
      %dma_wait3A_73 = arith.constant 0 : i32
      %dma_wait3A_74 = tpu.memref_slice %arg5[%arg0, %add3A_41, %dma_wait3A_73] : memref<2x10240x128xf32, #tpu.memory_space<hbm>> -> memref<1x128x128xf32, #tpu.memory_space<hbm>>
      %dma_wait3A_75 = tpu.memref_squeeze %dma_wait3A_74 : memref<1x128x128xf32, #tpu.memory_space<hbm>> -> memref<128x128xf32, #tpu.memory_space<hbm>>
      %dma_wait3A_76 = arith.constant 0 : i32
      %dma_wait3A_77 = tpu.memref_slice %arg5[%arg0, %add3A_41, %dma_wait3A_76] : memref<2x10240x128xf32, #tpu.memory_space<hbm>> -> memref<1x128x128xf32, #tpu.memory_space<hbm>>
      %dma_wait3A_78 = tpu.memref_squeeze %dma_wait3A_77 : memref<1x128x128xf32, #tpu.memory_space<hbm>> -> memref<128x128xf32, #tpu.memory_space<hbm>>
      %dma_wait3A_79 = arith.constant 0 : i32
      %dma_wait3A_80 = arith.constant 0 : i32
      %dma_wait3A_81 = tpu.memref_slice %arg8[%run_scoped3A_43, %dma_wait3A_79, %dma_wait3A_80] : memref<2x128x128xf32, #tpu.memory_space<vmem>> -> memref<1x128x128xf32, #tpu.memory_space<vmem>>
      %dma_wait3A_82 = tpu.memref_squeeze %dma_wait3A_81 : memref<1x128x128xf32, #tpu.memory_space<vmem>> -> memref<128x128xf32, #tpu.memory_space<vmem>>
      tpu.wait_dma2 semaphore(%run_scoped3A_56 : memref<!tpu.dma_semaphore, #tpu.memory_space<semaphore_mem>>) src(%dma_wait3A_82 : memref<128x128xf32, #tpu.memory_space<vmem>>) dst(%dma_wait3A_78 : memref<128x128xf32, #tpu.memory_space<hbm>>)
      tpu.yield
    }) : () -> ()
    %add3A_44 = arith.constant 256 : i32
    %add3A_45 = arith.addi %mul3A_1, %add3A_44 : i32
    %run_scoped3A_46 = arith.constant 0 : i32
    "tpu.region"() ({
      %run_scoped3A_56 = tpu.sem_alloc : memref<!tpu.dma_semaphore, #tpu.memory_space<semaphore_mem>>
      %dma_start3A = arith.constant 0 : i32
      %dma_start3A_57 = arith.constant 0 : i32
      %dma_start3A_58 = tpu.memref_slice %arg8[%run_scoped3A_46, %dma_start3A, %dma_start3A_57] : memref<2x128x128xf32, #tpu.memory_space<vmem>> -> memref<1x128x128xf32, #tpu.memory_space<vmem>>
      %dma_start3A_59 = tpu.memref_squeeze %dma_start3A_58 : memref<1x128x128xf32, #tpu.memory_space<vmem>> -> memref<128x128xf32, #tpu.memory_space<vmem>>
      %dma_start3A_60 = arith.constant 0 : i32
      %dma_start3A_61 = tpu.memref_slice %arg9[%add3A_45, %dma_start3A_60] : memref<10240x128xf32, #tpu.memory_space<vmem_shared>> -> memref<128x128xf32, #tpu.memory_space<vmem_shared>>
      %dma_start3A_62 = arith.constant 0 : i32
      %dma_start3A_63 = arith.constant 0 : i32
      %dma_start3A_64 = tpu.memref_slice %arg8[%run_scoped3A_46, %dma_start3A_62, %dma_start3A_63] : memref<2x128x128xf32, #tpu.memory_space<vmem>> -> memref<1x128x128xf32, #tpu.memory_space<vmem>>
      %dma_start3A_65 = tpu.memref_squeeze %dma_start3A_64 : memref<1x128x128xf32, #tpu.memory_space<vmem>> -> memref<128x128xf32, #tpu.memory_space<vmem>>
      %dma_start3A_66 = arith.constant 0 : i32
      %dma_start3A_67 = tpu.memref_slice %arg9[%add3A_45, %dma_start3A_66] : memref<10240x128xf32, #tpu.memory_space<vmem_shared>> -> memref<128x128xf32, #tpu.memory_space<vmem_shared>>
      tpu.enqueue_dma source(%dma_start3A_67 : memref<128x128xf32, #tpu.memory_space<vmem_shared>>) target(%dma_start3A_65 : memref<128x128xf32, #tpu.memory_space<vmem>>) target_semaphore(%run_scoped3A_56 : memref<!tpu.dma_semaphore, #tpu.memory_space<semaphore_mem>>)
      %dma_wait3A = arith.constant 0 : i32
      %dma_wait3A_68 = arith.constant 0 : i32
      %dma_wait3A_69 = tpu.memref_slice %arg8[%run_scoped3A_46, %dma_wait3A, %dma_wait3A_68] : memref<2x128x128xf32, #tpu.memory_space<vmem>> -> memref<1x128x128xf32, #tpu.memory_space<vmem>>
      %dma_wait3A_70 = tpu.memref_squeeze %dma_wait3A_69 : memref<1x128x128xf32, #tpu.memory_space<vmem>> -> memref<128x128xf32, #tpu.memory_space<vmem>>
      %dma_wait3A_71 = arith.constant 0 : i32
      %dma_wait3A_72 = tpu.memref_slice %arg9[%add3A_45, %dma_wait3A_71] : memref<10240x128xf32, #tpu.memory_space<vmem_shared>> -> memref<128x128xf32, #tpu.memory_space<vmem_shared>>
      %dma_wait3A_73 = arith.constant 0 : i32
      %dma_wait3A_74 = arith.constant 0 : i32
      %dma_wait3A_75 = tpu.memref_slice %arg8[%run_scoped3A_46, %dma_wait3A_73, %dma_wait3A_74] : memref<2x128x128xf32, #tpu.memory_space<vmem>> -> memref<1x128x128xf32, #tpu.memory_space<vmem>>
      %dma_wait3A_76 = tpu.memref_squeeze %dma_wait3A_75 : memref<1x128x128xf32, #tpu.memory_space<vmem>> -> memref<128x128xf32, #tpu.memory_space<vmem>>
      %dma_wait3A_77 = arith.constant 0 : i32
      %dma_wait3A_78 = tpu.memref_slice %arg9[%add3A_45, %dma_wait3A_77] : memref<10240x128xf32, #tpu.memory_space<vmem_shared>> -> memref<128x128xf32, #tpu.memory_space<vmem_shared>>
      tpu.wait_dma2 semaphore(%run_scoped3A_56 : memref<!tpu.dma_semaphore, #tpu.memory_space<semaphore_mem>>) src(%dma_wait3A_78 : memref<128x128xf32, #tpu.memory_space<vmem_shared>>) dst(%dma_wait3A_76 : memref<128x128xf32, #tpu.memory_space<vmem>>)
      tpu.yield
    }) : () -> ()
    %run_scoped3A_47 = arith.constant 0 : i32
    "tpu.region"() ({
      %run_scoped3A_56 = tpu.sem_alloc : memref<!tpu.dma_semaphore, #tpu.memory_space<semaphore_mem>>
      %dma_start3A = arith.constant 0 : i32
      %dma_start3A_57 = arith.constant 0 : i32
      %dma_start3A_58 = tpu.memref_slice %arg8[%run_scoped3A_47, %dma_start3A, %dma_start3A_57] : memref<2x128x128xf32, #tpu.memory_space<vmem>> -> memref<1x128x128xf32, #tpu.memory_space<vmem>>
      %dma_start3A_59 = tpu.memref_squeeze %dma_start3A_58 : memref<1x128x128xf32, #tpu.memory_space<vmem>> -> memref<128x128xf32, #tpu.memory_space<vmem>>
      %dma_start3A_60 = arith.constant 0 : i32
      %dma_start3A_61 = tpu.memref_slice %arg5[%arg0, %add3A_45, %dma_start3A_60] : memref<2x10240x128xf32, #tpu.memory_space<hbm>> -> memref<1x128x128xf32, #tpu.memory_space<hbm>>
      %dma_start3A_62 = tpu.memref_squeeze %dma_start3A_61 : memref<1x128x128xf32, #tpu.memory_space<hbm>> -> memref<128x128xf32, #tpu.memory_space<hbm>>
      %dma_start3A_63 = arith.constant 0 : i32
      %dma_start3A_64 = tpu.memref_slice %arg5[%arg0, %add3A_45, %dma_start3A_63] : memref<2x10240x128xf32, #tpu.memory_space<hbm>> -> memref<1x128x128xf32, #tpu.memory_space<hbm>>
      %dma_start3A_65 = tpu.memref_squeeze %dma_start3A_64 : memref<1x128x128xf32, #tpu.memory_space<hbm>> -> memref<128x128xf32, #tpu.memory_space<hbm>>
      %dma_start3A_66 = arith.constant 0 : i32
      %dma_start3A_67 = arith.constant 0 : i32
      %dma_start3A_68 = tpu.memref_slice %arg8[%run_scoped3A_47, %dma_start3A_66, %dma_start3A_67] : memref<2x128x128xf32, #tpu.memory_space<vmem>> -> memref<1x128x128xf32, #tpu.memory_space<vmem>>
      %dma_start3A_69 = tpu.memref_squeeze %dma_start3A_68 : memref<1x128x128xf32, #tpu.memory_space<vmem>> -> memref<128x128xf32, #tpu.memory_space<vmem>>
      tpu.enqueue_dma source(%dma_start3A_69 : memref<128x128xf32, #tpu.memory_space<vmem>>) target(%dma_start3A_65 : memref<128x128xf32, #tpu.memory_space<hbm>>) target_semaphore(%run_scoped3A_56 : memref<!tpu.dma_semaphore, #tpu.memory_space<semaphore_mem>>)
      %dma_wait3A = arith.constant 0 : i32
      %dma_wait3A_70 = arith.constant 0 : i32
      %dma_wait3A_71 = tpu.memref_slice %arg8[%run_scoped3A_47, %dma_wait3A, %dma_wait3A_70] : memref<2x128x128xf32, #tpu.memory_space<vmem>> -> memref<1x128x128xf32, #tpu.memory_space<vmem>>
      %dma_wait3A_72 = tpu.memref_squeeze %dma_wait3A_71 : memref<1x128x128xf32, #tpu.memory_space<vmem>> -> memref<128x128xf32, #tpu.memory_space<vmem>>
      %dma_wait3A_73 = arith.constant 0 : i32
      %dma_wait3A_74 = tpu.memref_slice %arg5[%arg0, %add3A_45, %dma_wait3A_73] : memref<2x10240x128xf32, #tpu.memory_space<hbm>> -> memref<1x128x128xf32, #tpu.memory_space<hbm>>
      %dma_wait3A_75 = tpu.memref_squeeze %dma_wait3A_74 : memref<1x128x128xf32, #tpu.memory_space<hbm>> -> memref<128x128xf32, #tpu.memory_space<hbm>>
      %dma_wait3A_76 = arith.constant 0 : i32
      %dma_wait3A_77 = tpu.memref_slice %arg5[%arg0, %add3A_45, %dma_wait3A_76] : memref<2x10240x128xf32, #tpu.memory_space<hbm>> -> memref<1x128x128xf32, #tpu.memory_space<hbm>>
      %dma_wait3A_78 = tpu.memref_squeeze %dma_wait3A_77 : memref<1x128x128xf32, #tpu.memory_space<hbm>> -> memref<128x128xf32, #tpu.memory_space<hbm>>
      %dma_wait3A_79 = arith.constant 0 : i32
      %dma_wait3A_80 = arith.constant 0 : i32
      %dma_wait3A_81 = tpu.memref_slice %arg8[%run_scoped3A_47, %dma_wait3A_79, %dma_wait3A_80] : memref<2x128x128xf32, #tpu.memory_space<vmem>> -> memref<1x128x128xf32, #tpu.memory_space<vmem>>
      %dma_wait3A_82 = tpu.memref_squeeze %dma_wait3A_81 : memref<1x128x128xf32, #tpu.memory_space<vmem>> -> memref<128x128xf32, #tpu.memory_space<vmem>>
      tpu.wait_dma2 semaphore(%run_scoped3A_56 : memref<!tpu.dma_semaphore, #tpu.memory_space<semaphore_mem>>) src(%dma_wait3A_82 : memref<128x128xf32, #tpu.memory_space<vmem>>) dst(%dma_wait3A_78 : memref<128x128xf32, #tpu.memory_space<hbm>>)
      tpu.yield
    }) : () -> ()
    %add3A_48 = arith.constant 384 : i32
    %add3A_49 = arith.addi %mul3A_1, %add3A_48 : i32
    %run_scoped3A_50 = arith.constant 0 : i32
    "tpu.region"() ({
      %run_scoped3A_56 = tpu.sem_alloc : memref<!tpu.dma_semaphore, #tpu.memory_space<semaphore_mem>>
      %dma_start3A = arith.constant 0 : i32
      %dma_start3A_57 = arith.constant 0 : i32
      %dma_start3A_58 = tpu.memref_slice %arg8[%run_scoped3A_50, %dma_start3A, %dma_start3A_57] : memref<2x128x128xf32, #tpu.memory_space<vmem>> -> memref<1x128x128xf32, #tpu.memory_space<vmem>>
      %dma_start3A_59 = tpu.memref_squeeze %dma_start3A_58 : memref<1x128x128xf32, #tpu.memory_space<vmem>> -> memref<128x128xf32, #tpu.memory_space<vmem>>
      %dma_start3A_60 = arith.constant 0 : i32
      %dma_start3A_61 = tpu.memref_slice %arg9[%add3A_49, %dma_start3A_60] : memref<10240x128xf32, #tpu.memory_space<vmem_shared>> -> memref<128x128xf32, #tpu.memory_space<vmem_shared>>
      %dma_start3A_62 = arith.constant 0 : i32
      %dma_start3A_63 = arith.constant 0 : i32
      %dma_start3A_64 = tpu.memref_slice %arg8[%run_scoped3A_50, %dma_start3A_62, %dma_start3A_63] : memref<2x128x128xf32, #tpu.memory_space<vmem>> -> memref<1x128x128xf32, #tpu.memory_space<vmem>>
      %dma_start3A_65 = tpu.memref_squeeze %dma_start3A_64 : memref<1x128x128xf32, #tpu.memory_space<vmem>> -> memref<128x128xf32, #tpu.memory_space<vmem>>
      %dma_start3A_66 = arith.constant 0 : i32
      %dma_start3A_67 = tpu.memref_slice %arg9[%add3A_49, %dma_start3A_66] : memref<10240x128xf32, #tpu.memory_space<vmem_shared>> -> memref<128x128xf32, #tpu.memory_space<vmem_shared>>
      tpu.enqueue_dma source(%dma_start3A_67 : memref<128x128xf32, #tpu.memory_space<vmem_shared>>) target(%dma_start3A_65 : memref<128x128xf32, #tpu.memory_space<vmem>>) target_semaphore(%run_scoped3A_56 : memref<!tpu.dma_semaphore, #tpu.memory_space<semaphore_mem>>)
      %dma_wait3A = arith.constant 0 : i32
      %dma_wait3A_68 = arith.constant 0 : i32
      %dma_wait3A_69 = tpu.memref_slice %arg8[%run_scoped3A_50, %dma_wait3A, %dma_wait3A_68] : memref<2x128x128xf32, #tpu.memory_space<vmem>> -> memref<1x128x128xf32, #tpu.memory_space<vmem>>
      %dma_wait3A_70 = tpu.memref_squeeze %dma_wait3A_69 : memref<1x128x128xf32, #tpu.memory_space<vmem>> -> memref<128x128xf32, #tpu.memory_space<vmem>>
      %dma_wait3A_71 = arith.constant 0 : i32
      %dma_wait3A_72 = tpu.memref_slice %arg9[%add3A_49, %dma_wait3A_71] : memref<10240x128xf32, #tpu.memory_space<vmem_shared>> -> memref<128x128xf32, #tpu.memory_space<vmem_shared>>
      %dma_wait3A_73 = arith.constant 0 : i32
      %dma_wait3A_74 = arith.constant 0 : i32
      %dma_wait3A_75 = tpu.memref_slice %arg8[%run_scoped3A_50, %dma_wait3A_73, %dma_wait3A_74] : memref<2x128x128xf32, #tpu.memory_space<vmem>> -> memref<1x128x128xf32, #tpu.memory_space<vmem>>
      %dma_wait3A_76 = tpu.memref_squeeze %dma_wait3A_75 : memref<1x128x128xf32, #tpu.memory_space<vmem>> -> memref<128x128xf32, #tpu.memory_space<vmem>>
      %dma_wait3A_77 = arith.constant 0 : i32
      %dma_wait3A_78 = tpu.memref_slice %arg9[%add3A_49, %dma_wait3A_77] : memref<10240x128xf32, #tpu.memory_space<vmem_shared>> -> memref<128x128xf32, #tpu.memory_space<vmem_shared>>
      tpu.wait_dma2 semaphore(%run_scoped3A_56 : memref<!tpu.dma_semaphore, #tpu.memory_space<semaphore_mem>>) src(%dma_wait3A_78 : memref<128x128xf32, #tpu.memory_space<vmem_shared>>) dst(%dma_wait3A_76 : memref<128x128xf32, #tpu.memory_space<vmem>>)
      tpu.yield
    }) : () -> ()
    %run_scoped3A_51 = arith.constant 0 : i32
    "tpu.region"() ({
      %run_scoped3A_56 = tpu.sem_alloc : memref<!tpu.dma_semaphore, #tpu.memory_space<semaphore_mem>>
      %dma_start3A = arith.constant 0 : i32
      %dma_start3A_57 = arith.constant 0 : i32
      %dma_start3A_58 = tpu.memref_slice %arg8[%run_scoped3A_51, %dma_start3A, %dma_start3A_57] : memref<2x128x128xf32, #tpu.memory_space<vmem>> -> memref<1x128x128xf32, #tpu.memory_space<vmem>>
      %dma_start3A_59 = tpu.memref_squeeze %dma_start3A_58 : memref<1x128x128xf32, #tpu.memory_space<vmem>> -> memref<128x128xf32, #tpu.memory_space<vmem>>
      %dma_start3A_60 = arith.constant 0 : i32
      %dma_start3A_61 = tpu.memref_slice %arg5[%arg0, %add3A_49, %dma_start3A_60] : memref<2x10240x128xf32, #tpu.memory_space<hbm>> -> memref<1x128x128xf32, #tpu.memory_space<hbm>>
      %dma_start3A_62 = tpu.memref_squeeze %dma_start3A_61 : memref<1x128x128xf32, #tpu.memory_space<hbm>> -> memref<128x128xf32, #tpu.memory_space<hbm>>
      %dma_start3A_63 = arith.constant 0 : i32
      %dma_start3A_64 = tpu.memref_slice %arg5[%arg0, %add3A_49, %dma_start3A_63] : memref<2x10240x128xf32, #tpu.memory_space<hbm>> -> memref<1x128x128xf32, #tpu.memory_space<hbm>>
      %dma_start3A_65 = tpu.memref_squeeze %dma_start3A_64 : memref<1x128x128xf32, #tpu.memory_space<hbm>> -> memref<128x128xf32, #tpu.memory_space<hbm>>
      %dma_start3A_66 = arith.constant 0 : i32
      %dma_start3A_67 = arith.constant 0 : i32
      %dma_start3A_68 = tpu.memref_slice %arg8[%run_scoped3A_51, %dma_start3A_66, %dma_start3A_67] : memref<2x128x128xf32, #tpu.memory_space<vmem>> -> memref<1x128x128xf32, #tpu.memory_space<vmem>>
      %dma_start3A_69 = tpu.memref_squeeze %dma_start3A_68 : memref<1x128x128xf32, #tpu.memory_space<vmem>> -> memref<128x128xf32, #tpu.memory_space<vmem>>
      tpu.enqueue_dma source(%dma_start3A_69 : memref<128x128xf32, #tpu.memory_space<vmem>>) target(%dma_start3A_65 : memref<128x128xf32, #tpu.memory_space<hbm>>) target_semaphore(%run_scoped3A_56 : memref<!tpu.dma_semaphore, #tpu.memory_space<semaphore_mem>>)
      %dma_wait3A = arith.constant 0 : i32
      %dma_wait3A_70 = arith.constant 0 : i32
      %dma_wait3A_71 = tpu.memref_slice %arg8[%run_scoped3A_51, %dma_wait3A, %dma_wait3A_70] : memref<2x128x128xf32, #tpu.memory_space<vmem>> -> memref<1x128x128xf32, #tpu.memory_space<vmem>>
      %dma_wait3A_72 = tpu.memref_squeeze %dma_wait3A_71 : memref<1x128x128xf32, #tpu.memory_space<vmem>> -> memref<128x128xf32, #tpu.memory_space<vmem>>
      %dma_wait3A_73 = arith.constant 0 : i32
      %dma_wait3A_74 = tpu.memref_slice %arg5[%arg0, %add3A_49, %dma_wait3A_73] : memref<2x10240x128xf32, #tpu.memory_space<hbm>> -> memref<1x128x128xf32, #tpu.memory_space<hbm>>
      %dma_wait3A_75 = tpu.memref_squeeze %dma_wait3A_74 : memref<1x128x128xf32, #tpu.memory_space<hbm>> -> memref<128x128xf32, #tpu.memory_space<hbm>>
      %dma_wait3A_76 = arith.constant 0 : i32
      %dma_wait3A_77 = tpu.memref_slice %arg5[%arg0, %add3A_49, %dma_wait3A_76] : memref<2x10240x128xf32, #tpu.memory_space<hbm>> -> memref<1x128x128xf32, #tpu.memory_space<hbm>>
      %dma_wait3A_78 = tpu.memref_squeeze %dma_wait3A_77 : memref<1x128x128xf32, #tpu.memory_space<hbm>> -> memref<128x128xf32, #tpu.memory_space<hbm>>
      %dma_wait3A_79 = arith.constant 0 : i32
      %dma_wait3A_80 = arith.constant 0 : i32
      %dma_wait3A_81 = tpu.memref_slice %arg8[%run_scoped3A_51, %dma_wait3A_79, %dma_wait3A_80] : memref<2x128x128xf32, #tpu.memory_space<vmem>> -> memref<1x128x128xf32, #tpu.memory_space<vmem>>
      %dma_wait3A_82 = tpu.memref_squeeze %dma_wait3A_81 : memref<1x128x128xf32, #tpu.memory_space<vmem>> -> memref<128x128xf32, #tpu.memory_space<vmem>>
      tpu.wait_dma2 semaphore(%run_scoped3A_56 : memref<!tpu.dma_semaphore, #tpu.memory_space<semaphore_mem>>) src(%dma_wait3A_82 : memref<128x128xf32, #tpu.memory_space<vmem>>) dst(%dma_wait3A_78 : memref<128x128xf32, #tpu.memory_space<hbm>>)
      tpu.yield
    }) : () -> ()
    %add3A_52 = arith.constant 512 : i32
    %add3A_53 = arith.addi %mul3A_1, %add3A_52 : i32
    %run_scoped3A_54 = arith.constant 0 : i32
    "tpu.region"() ({
      %run_scoped3A_56 = tpu.sem_alloc : memref<!tpu.dma_semaphore, #tpu.memory_space<semaphore_mem>>
      %dma_start3A = arith.constant 0 : i32
      %dma_start3A_57 = arith.constant 0 : i32
      %dma_start3A_58 = tpu.memref_slice %arg8[%run_scoped3A_54, %dma_start3A, %dma_start3A_57] : memref<2x128x128xf32, #tpu.memory_space<vmem>> -> memref<1x128x128xf32, #tpu.memory_space<vmem>>
      %dma_start3A_59 = tpu.memref_squeeze %dma_start3A_58 : memref<1x128x128xf32, #tpu.memory_space<vmem>> -> memref<128x128xf32, #tpu.memory_space<vmem>>
      %dma_start3A_60 = arith.constant 0 : i32
      %dma_start3A_61 = tpu.memref_slice %arg9[%add3A_53, %dma_start3A_60] : memref<10240x128xf32, #tpu.memory_space<vmem_shared>> -> memref<128x128xf32, #tpu.memory_space<vmem_shared>>
      %dma_start3A_62 = arith.constant 0 : i32
      %dma_start3A_63 = arith.constant 0 : i32
      %dma_start3A_64 = tpu.memref_slice %arg8[%run_scoped3A_54, %dma_start3A_62, %dma_start3A_63] : memref<2x128x128xf32, #tpu.memory_space<vmem>> -> memref<1x128x128xf32, #tpu.memory_space<vmem>>
      %dma_start3A_65 = tpu.memref_squeeze %dma_start3A_64 : memref<1x128x128xf32, #tpu.memory_space<vmem>> -> memref<128x128xf32, #tpu.memory_space<vmem>>
      %dma_start3A_66 = arith.constant 0 : i32
      %dma_start3A_67 = tpu.memref_slice %arg9[%add3A_53, %dma_start3A_66] : memref<10240x128xf32, #tpu.memory_space<vmem_shared>> -> memref<128x128xf32, #tpu.memory_space<vmem_shared>>
      tpu.enqueue_dma source(%dma_start3A_67 : memref<128x128xf32, #tpu.memory_space<vmem_shared>>) target(%dma_start3A_65 : memref<128x128xf32, #tpu.memory_space<vmem>>) target_semaphore(%run_scoped3A_56 : memref<!tpu.dma_semaphore, #tpu.memory_space<semaphore_mem>>)
      %dma_wait3A = arith.constant 0 : i32
      %dma_wait3A_68 = arith.constant 0 : i32
      %dma_wait3A_69 = tpu.memref_slice %arg8[%run_scoped3A_54, %dma_wait3A, %dma_wait3A_68] : memref<2x128x128xf32, #tpu.memory_space<vmem>> -> memref<1x128x128xf32, #tpu.memory_space<vmem>>
      %dma_wait3A_70 = tpu.memref_squeeze %dma_wait3A_69 : memref<1x128x128xf32, #tpu.memory_space<vmem>> -> memref<128x128xf32, #tpu.memory_space<vmem>>
      %dma_wait3A_71 = arith.constant 0 : i32
      %dma_wait3A_72 = tpu.memref_slice %arg9[%add3A_53, %dma_wait3A_71] : memref<10240x128xf32, #tpu.memory_space<vmem_shared>> -> memref<128x128xf32, #tpu.memory_space<vmem_shared>>
      %dma_wait3A_73 = arith.constant 0 : i32
      %dma_wait3A_74 = arith.constant 0 : i32
      %dma_wait3A_75 = tpu.memref_slice %arg8[%run_scoped3A_54, %dma_wait3A_73, %dma_wait3A_74] : memref<2x128x128xf32, #tpu.memory_space<vmem>> -> memref<1x128x128xf32, #tpu.memory_space<vmem>>
      %dma_wait3A_76 = tpu.memref_squeeze %dma_wait3A_75 : memref<1x128x128xf32, #tpu.memory_space<vmem>> -> memref<128x128xf32, #tpu.memory_space<vmem>>
      %dma_wait3A_77 = arith.constant 0 : i32
      %dma_wait3A_78 = tpu.memref_slice %arg9[%add3A_53, %dma_wait3A_77] : memref<10240x128xf32, #tpu.memory_space<vmem_shared>> -> memref<128x128xf32, #tpu.memory_space<vmem_shared>>
      tpu.wait_dma2 semaphore(%run_scoped3A_56 : memref<!tpu.dma_semaphore, #tpu.memory_space<semaphore_mem>>) src(%dma_wait3A_78 : memref<128x128xf32, #tpu.memory_space<vmem_shared>>) dst(%dma_wait3A_76 : memref<128x128xf32, #tpu.memory_space<vmem>>)
      tpu.yield
    }) : () -> ()
    %run_scoped3A_55 = arith.constant 0 : i32
    "tpu.region"() ({
      %run_scoped3A_56 = tpu.sem_alloc : memref<!tpu.dma_semaphore, #tpu.memory_space<semaphore_mem>>
      %dma_start3A = arith.constant 0 : i32
      %dma_start3A_57 = arith.constant 0 : i32
      %dma_start3A_58 = tpu.memref_slice %arg8[%run_scoped3A_55, %dma_start3A, %dma_start3A_57] : memref<2x128x128xf32, #tpu.memory_space<vmem>> -> memref<1x128x128xf32, #tpu.memory_space<vmem>>
      %dma_start3A_59 = tpu.memref_squeeze %dma_start3A_58 : memref<1x128x128xf32, #tpu.memory_space<vmem>> -> memref<128x128xf32, #tpu.memory_space<vmem>>
      %dma_start3A_60 = arith.constant 0 : i32
      %dma_start3A_61 = tpu.memref_slice %arg5[%arg0, %add3A_53, %dma_start3A_60] : memref<2x10240x128xf32, #tpu.memory_space<hbm>> -> memref<1x128x128xf32, #tpu.memory_space<hbm>>
      %dma_start3A_62 = tpu.memref_squeeze %dma_start3A_61 : memref<1x128x128xf32, #tpu.memory_space<hbm>> -> memref<128x128xf32, #tpu.memory_space<hbm>>
      %dma_start3A_63 = arith.constant 0 : i32
      %dma_start3A_64 = tpu.memref_slice %arg5[%arg0, %add3A_53, %dma_start3A_63] : memref<2x10240x128xf32, #tpu.memory_space<hbm>> -> memref<1x128x128xf32, #tpu.memory_space<hbm>>
      %dma_start3A_65 = tpu.memref_squeeze %dma_start3A_64 : memref<1x128x128xf32, #tpu.memory_space<hbm>> -> memref<128x128xf32, #tpu.memory_space<hbm>>
      %dma_start3A_66 = arith.constant 0 : i32
      %dma_start3A_67 = arith.constant 0 : i32
      %dma_start3A_68 = tpu.memref_slice %arg8[%run_scoped3A_55, %dma_start3A_66, %dma_start3A_67] : memref<2x128x128xf32, #tpu.memory_space<vmem>> -> memref<1x128x128xf32, #tpu.memory_space<vmem>>
      %dma_start3A_69 = tpu.memref_squeeze %dma_start3A_68 : memref<1x128x128xf32, #tpu.memory_space<vmem>> -> memref<128x128xf32, #tpu.memory_space<vmem>>
      tpu.enqueue_dma source(%dma_start3A_69 : memref<128x128xf32, #tpu.memory_space<vmem>>) target(%dma_start3A_65 : memref<128x128xf32, #tpu.memory_space<hbm>>) target_semaphore(%run_scoped3A_56 : memref<!tpu.dma_semaphore, #tpu.memory_space<semaphore_mem>>)
      %dma_wait3A = arith.constant 0 : i32
      %dma_wait3A_70 = arith.constant 0 : i32
      %dma_wait3A_71 = tpu.memref_slice %arg8[%run_scoped3A_55, %dma_wait3A, %dma_wait3A_70] : memref<2x128x128xf32, #tpu.memory_space<vmem>> -> memref<1x128x128xf32, #tpu.memory_space<vmem>>
      %dma_wait3A_72 = tpu.memref_squeeze %dma_wait3A_71 : memref<1x128x128xf32, #tpu.memory_space<vmem>> -> memref<128x128xf32, #tpu.memory_space<vmem>>
      %dma_wait3A_73 = arith.constant 0 : i32
      %dma_wait3A_74 = tpu.memref_slice %arg5[%arg0, %add3A_53, %dma_wait3A_73] : memref<2x10240x128xf32, #tpu.memory_space<hbm>> -> memref<1x128x128xf32, #tpu.memory_space<hbm>>
      %dma_wait3A_75 = tpu.memref_squeeze %dma_wait3A_74 : memref<1x128x128xf32, #tpu.memory_space<hbm>> -> memref<128x128xf32, #tpu.memory_space<hbm>>
      %dma_wait3A_76 = arith.constant 0 : i32
      %dma_wait3A_77 = tpu.memref_slice %arg5[%arg0, %add3A_53, %dma_wait3A_76] : memref<2x10240x128xf32, #tpu.memory_space<hbm>> -> memref<1x128x128xf32, #tpu.memory_space<hbm>>
      %dma_wait3A_78 = tpu.memref_squeeze %dma_wait3A_77 : memref<1x128x128xf32, #tpu.memory_space<hbm>> -> memref<128x128xf32, #tpu.memory_space<hbm>>
      %dma_wait3A_79 = arith.constant 0 : i32
      %dma_wait3A_80 = arith.constant 0 : i32
      %dma_wait3A_81 = tpu.memref_slice %arg8[%run_scoped3A_55, %dma_wait3A_79, %dma_wait3A_80] : memref<2x128x128xf32, #tpu.memory_space<vmem>> -> memref<1x128x128xf32, #tpu.memory_space<vmem>>
      %dma_wait3A_82 = tpu.memref_squeeze %dma_wait3A_81 : memref<1x128x128xf32, #tpu.memory_space<vmem>> -> memref<128x128xf32, #tpu.memory_space<vmem>>
      tpu.wait_dma2 semaphore(%run_scoped3A_56 : memref<!tpu.dma_semaphore, #tpu.memory_space<semaphore_mem>>) src(%dma_wait3A_82 : memref<128x128xf32, #tpu.memory_space<vmem>>) dst(%dma_wait3A_78 : memref<128x128xf32, #tpu.memory_space<hbm>>)
      tpu.yield
    }) : () -> ()
    return
  }
}

#map = affine_map<(d0, d1) -> (0, 0)>
#map1 = affine_map<(d0, d1) -> (0, 0, 0)>
module attributes {stable_mosaic.version = 14 : i64} {
  func.func @_sc_degree(%arg0: i32, %arg1: i32, %arg2: memref<1280x128xi32, #tpu.memory_space<hbm>>, %arg3: memref<2x10240x16xf32, #tpu.memory_space<hbm>>, %arg4: memref<40x128xi32, #tpu.memory_space<vmem>>, %arg5: memref<128x16xf32, #tpu.memory_space<vmem>>, %arg6: memref<10240x16xf32, #tpu.memory_space<vmem_shared>>, %arg7: memref<!tpu.dma_semaphore, #tpu.memory_space<semaphore_mem>>) attributes {dimension_semantics = [#tpu.dimension_semantics<core_parallel>, #tpu.dimension_semantics<subcore_parallel>], iteration_bounds = array<i64: 2, 16>, scalar_prefetch = 0 : i64, scratch_operands = 4 : i64, tpu.core_type = #tpu.core_type<sc_vector_subcore>, window_params = [{transform_indices = #map}, {transform_indices = #map1}]} {
    %broadcast_in_dim3A = arith.constant 0.000000e+00 : f32
    %broadcast_in_dim3A_0 = vector.broadcast %broadcast_in_dim3A : f32 to vector<16xf32>
    %broadcast_in_dim3A_1 = arith.constant 1.000000e+00 : f32
    %broadcast_in_dim3A_2 = vector.broadcast %broadcast_in_dim3A_1 : f32 to vector<16xf32>
    %mul3A = arith.constant 640 : i32
    %mul3A_3 = arith.muli %arg1, %mul3A : i32
    %mul3A_4 = arith.constant 16 : i32
    %mul3A_5 = arith.muli %arg0, %mul3A_4 : i32
    %add3A = arith.addi %mul3A_5, %arg1 : i32
    %mul3A_6 = arith.constant 40 : i32
    %mul3A_7 = arith.muli %add3A, %mul3A_6 : i32
    "tpu.region"() ({
      %run_scoped3A = tpu.sem_alloc : memref<!tpu.dma_semaphore, #tpu.memory_space<semaphore_mem>>
      %dma_start3A = arith.constant 0 : i32
      %dma_start3A_49 = tpu.memref_slice %arg2[%mul3A_7, %dma_start3A] : memref<1280x128xi32, #tpu.memory_space<hbm>> -> memref<40x128xi32, #tpu.memory_space<hbm>>
      %dma_start3A_50 = arith.constant 0 : i32
      %dma_start3A_51 = tpu.memref_slice %arg2[%mul3A_7, %dma_start3A_50] : memref<1280x128xi32, #tpu.memory_space<hbm>> -> memref<40x128xi32, #tpu.memory_space<hbm>>
      tpu.enqueue_dma source(%dma_start3A_51 : memref<40x128xi32, #tpu.memory_space<hbm>>) target(%arg4 : memref<40x128xi32, #tpu.memory_space<vmem>>) target_semaphore(%run_scoped3A : memref<!tpu.dma_semaphore, #tpu.memory_space<semaphore_mem>>)
      %dma_wait3A = arith.constant 0 : i32
      %dma_wait3A_52 = tpu.memref_slice %arg2[%mul3A_7, %dma_wait3A] : memref<1280x128xi32, #tpu.memory_space<hbm>> -> memref<40x128xi32, #tpu.memory_space<hbm>>
      %dma_wait3A_53 = arith.constant 0 : i32
      %dma_wait3A_54 = tpu.memref_slice %arg2[%mul3A_7, %dma_wait3A_53] : memref<1280x128xi32, #tpu.memory_space<hbm>> -> memref<40x128xi32, #tpu.memory_space<hbm>>
      tpu.wait_dma2 semaphore(%run_scoped3A : memref<!tpu.dma_semaphore, #tpu.memory_space<semaphore_mem>>) src(%dma_wait3A_54 : memref<40x128xi32, #tpu.memory_space<hbm>>) dst(%arg4 : memref<40x128xi32, #tpu.memory_space<vmem>>)
      tpu.yield
    }) : () -> ()
    %scan3A = arith.constant 0 : i32
    %scan3A_8 = arith.constant 0 : i32
    %scan3A_9 = arith.constant 128 : i32
    %scan3A_10 = arith.addi %scan3A_8, %scan3A_9 : i32
    %scan3A_11 = arith.constant 1 : i32
    %scan3A_12 = scf.for %scan3A_49 = %scan3A_8 to %scan3A_10 step %scan3A_11 iter_args(%scan3A_50 = %scan3A) -> (i32)  : i32 {
      %swap3A = arith.index_cast %scan3A_49 : i32 to index
      %swap3A_51 = arith.constant 0 : index
      %swap3A_52 = tpu.vector_load %arg5[%swap3A, %swap3A_51] {strides = array<i32>} : memref<128x16xf32, #tpu.memory_space<vmem>>, vector<1x16xf32>,
      %swap3A_53 = vector.shape_cast %swap3A_52 : vector<1x16xf32> to vector<16xf32>
      %swap3A_54 = vector.shape_cast %broadcast_in_dim3A_0 : vector<16xf32> to vector<1x16xf32>
      tpu.vector_store %arg5[%swap3A, %swap3A_51], %swap3A_54 {strides = array<i32>} : memref<128x16xf32, #tpu.memory_space<vmem>>, vector<1x16xf32>,
      %scan3A_55 = arith.constant 0 : i32
      scf.yield %scan3A_55 : i32
    }
    %scan3A_13 = arith.constant 128 : i32
    %add3A_14 = arith.constant 0 : i32
    %add3A_15 = arith.addi %mul3A_3, %add3A_14 : i32
    "tpu.region"() ({
      %run_scoped3A = tpu.sem_alloc : memref<!tpu.dma_semaphore, #tpu.memory_space<semaphore_mem>>
      %dma_start3A = arith.constant 0 : i32
      %dma_start3A_49 = tpu.memref_slice %arg6[%add3A_15, %dma_start3A] : memref<10240x16xf32, #tpu.memory_space<vmem_shared>> -> memref<128x16xf32, #tpu.memory_space<vmem_shared>>
      %dma_start3A_50 = arith.constant 0 : i32
      %dma_start3A_51 = tpu.memref_slice %arg6[%add3A_15, %dma_start3A_50] : memref<10240x16xf32, #tpu.memory_space<vmem_shared>> -> memref<128x16xf32, #tpu.memory_space<vmem_shared>>
      tpu.enqueue_dma source(%arg5 : memref<128x16xf32, #tpu.memory_space<vmem>>) target(%dma_start3A_51 : memref<128x16xf32, #tpu.memory_space<vmem_shared>>) target_semaphore(%run_scoped3A : memref<!tpu.dma_semaphore, #tpu.memory_space<semaphore_mem>>)
      %dma_wait3A = arith.constant 0 : i32
      %dma_wait3A_52 = tpu.memref_slice %arg6[%add3A_15, %dma_wait3A] : memref<10240x16xf32, #tpu.memory_space<vmem_shared>> -> memref<128x16xf32, #tpu.memory_space<vmem_shared>>
      %dma_wait3A_53 = arith.constant 0 : i32
      %dma_wait3A_54 = tpu.memref_slice %arg6[%add3A_15, %dma_wait3A_53] : memref<10240x16xf32, #tpu.memory_space<vmem_shared>> -> memref<128x16xf32, #tpu.memory_space<vmem_shared>>
      tpu.wait_dma2 semaphore(%run_scoped3A : memref<!tpu.dma_semaphore, #tpu.memory_space<semaphore_mem>>) src(%arg5 : memref<128x16xf32, #tpu.memory_space<vmem>>) dst(%dma_wait3A_54 : memref<128x16xf32, #tpu.memory_space<vmem_shared>>)
      tpu.yield
    }) : () -> ()
    %add3A_16 = arith.constant 128 : i32
    %add3A_17 = arith.addi %mul3A_3, %add3A_16 : i32
    "tpu.region"() ({
      %run_scoped3A = tpu.sem_alloc : memref<!tpu.dma_semaphore, #tpu.memory_space<semaphore_mem>>
      %dma_start3A = arith.constant 0 : i32
      %dma_start3A_49 = tpu.memref_slice %arg6[%add3A_17, %dma_start3A] : memref<10240x16xf32, #tpu.memory_space<vmem_shared>> -> memref<128x16xf32, #tpu.memory_space<vmem_shared>>
      %dma_start3A_50 = arith.constant 0 : i32
      %dma_start3A_51 = tpu.memref_slice %arg6[%add3A_17, %dma_start3A_50] : memref<10240x16xf32, #tpu.memory_space<vmem_shared>> -> memref<128x16xf32, #tpu.memory_space<vmem_shared>>
      tpu.enqueue_dma source(%arg5 : memref<128x16xf32, #tpu.memory_space<vmem>>) target(%dma_start3A_51 : memref<128x16xf32, #tpu.memory_space<vmem_shared>>) target_semaphore(%run_scoped3A : memref<!tpu.dma_semaphore, #tpu.memory_space<semaphore_mem>>)
      %dma_wait3A = arith.constant 0 : i32
      %dma_wait3A_52 = tpu.memref_slice %arg6[%add3A_17, %dma_wait3A] : memref<10240x16xf32, #tpu.memory_space<vmem_shared>> -> memref<128x16xf32, #tpu.memory_space<vmem_shared>>
      %dma_wait3A_53 = arith.constant 0 : i32
      %dma_wait3A_54 = tpu.memref_slice %arg6[%add3A_17, %dma_wait3A_53] : memref<10240x16xf32, #tpu.memory_space<vmem_shared>> -> memref<128x16xf32, #tpu.memory_space<vmem_shared>>
      tpu.wait_dma2 semaphore(%run_scoped3A : memref<!tpu.dma_semaphore, #tpu.memory_space<semaphore_mem>>) src(%arg5 : memref<128x16xf32, #tpu.memory_space<vmem>>) dst(%dma_wait3A_54 : memref<128x16xf32, #tpu.memory_space<vmem_shared>>)
      tpu.yield
    }) : () -> ()
    %add3A_18 = arith.constant 256 : i32
    %add3A_19 = arith.addi %mul3A_3, %add3A_18 : i32
    "tpu.region"() ({
      %run_scoped3A = tpu.sem_alloc : memref<!tpu.dma_semaphore, #tpu.memory_space<semaphore_mem>>
      %dma_start3A = arith.constant 0 : i32
      %dma_start3A_49 = tpu.memref_slice %arg6[%add3A_19, %dma_start3A] : memref<10240x16xf32, #tpu.memory_space<vmem_shared>> -> memref<128x16xf32, #tpu.memory_space<vmem_shared>>
      %dma_start3A_50 = arith.constant 0 : i32
      %dma_start3A_51 = tpu.memref_slice %arg6[%add3A_19, %dma_start3A_50] : memref<10240x16xf32, #tpu.memory_space<vmem_shared>> -> memref<128x16xf32, #tpu.memory_space<vmem_shared>>
      tpu.enqueue_dma source(%arg5 : memref<128x16xf32, #tpu.memory_space<vmem>>) target(%dma_start3A_51 : memref<128x16xf32, #tpu.memory_space<vmem_shared>>) target_semaphore(%run_scoped3A : memref<!tpu.dma_semaphore, #tpu.memory_space<semaphore_mem>>)
      %dma_wait3A = arith.constant 0 : i32
      %dma_wait3A_52 = tpu.memref_slice %arg6[%add3A_19, %dma_wait3A] : memref<10240x16xf32, #tpu.memory_space<vmem_shared>> -> memref<128x16xf32, #tpu.memory_space<vmem_shared>>
      %dma_wait3A_53 = arith.constant 0 : i32
      %dma_wait3A_54 = tpu.memref_slice %arg6[%add3A_19, %dma_wait3A_53] : memref<10240x16xf32, #tpu.memory_space<vmem_shared>> -> memref<128x16xf32, #tpu.memory_space<vmem_shared>>
      tpu.wait_dma2 semaphore(%run_scoped3A : memref<!tpu.dma_semaphore, #tpu.memory_space<semaphore_mem>>) src(%arg5 : memref<128x16xf32, #tpu.memory_space<vmem>>) dst(%dma_wait3A_54 : memref<128x16xf32, #tpu.memory_space<vmem_shared>>)
      tpu.yield
    }) : () -> ()
    %add3A_20 = arith.constant 384 : i32
    %add3A_21 = arith.addi %mul3A_3, %add3A_20 : i32
    "tpu.region"() ({
      %run_scoped3A = tpu.sem_alloc : memref<!tpu.dma_semaphore, #tpu.memory_space<semaphore_mem>>
      %dma_start3A = arith.constant 0 : i32
      %dma_start3A_49 = tpu.memref_slice %arg6[%add3A_21, %dma_start3A] : memref<10240x16xf32, #tpu.memory_space<vmem_shared>> -> memref<128x16xf32, #tpu.memory_space<vmem_shared>>
      %dma_start3A_50 = arith.constant 0 : i32
      %dma_start3A_51 = tpu.memref_slice %arg6[%add3A_21, %dma_start3A_50] : memref<10240x16xf32, #tpu.memory_space<vmem_shared>> -> memref<128x16xf32, #tpu.memory_space<vmem_shared>>
      tpu.enqueue_dma source(%arg5 : memref<128x16xf32, #tpu.memory_space<vmem>>) target(%dma_start3A_51 : memref<128x16xf32, #tpu.memory_space<vmem_shared>>) target_semaphore(%run_scoped3A : memref<!tpu.dma_semaphore, #tpu.memory_space<semaphore_mem>>)
      %dma_wait3A = arith.constant 0 : i32
      %dma_wait3A_52 = tpu.memref_slice %arg6[%add3A_21, %dma_wait3A] : memref<10240x16xf32, #tpu.memory_space<vmem_shared>> -> memref<128x16xf32, #tpu.memory_space<vmem_shared>>
      %dma_wait3A_53 = arith.constant 0 : i32
      %dma_wait3A_54 = tpu.memref_slice %arg6[%add3A_21, %dma_wait3A_53] : memref<10240x16xf32, #tpu.memory_space<vmem_shared>> -> memref<128x16xf32, #tpu.memory_space<vmem_shared>>
      tpu.wait_dma2 semaphore(%run_scoped3A : memref<!tpu.dma_semaphore, #tpu.memory_space<semaphore_mem>>) src(%arg5 : memref<128x16xf32, #tpu.memory_space<vmem>>) dst(%dma_wait3A_54 : memref<128x16xf32, #tpu.memory_space<vmem_shared>>)
      tpu.yield
    }) : () -> ()
    %add3A_22 = arith.constant 512 : i32
    %add3A_23 = arith.addi %mul3A_3, %add3A_22 : i32
    "tpu.region"() ({
      %run_scoped3A = tpu.sem_alloc : memref<!tpu.dma_semaphore, #tpu.memory_space<semaphore_mem>>
      %dma_start3A = arith.constant 0 : i32
      %dma_start3A_49 = tpu.memref_slice %arg6[%add3A_23, %dma_start3A] : memref<10240x16xf32, #tpu.memory_space<vmem_shared>> -> memref<128x16xf32, #tpu.memory_space<vmem_shared>>
      %dma_start3A_50 = arith.constant 0 : i32
      %dma_start3A_51 = tpu.memref_slice %arg6[%add3A_23, %dma_start3A_50] : memref<10240x16xf32, #tpu.memory_space<vmem_shared>> -> memref<128x16xf32, #tpu.memory_space<vmem_shared>>
      tpu.enqueue_dma source(%arg5 : memref<128x16xf32, #tpu.memory_space<vmem>>) target(%dma_start3A_51 : memref<128x16xf32, #tpu.memory_space<vmem_shared>>) target_semaphore(%run_scoped3A : memref<!tpu.dma_semaphore, #tpu.memory_space<semaphore_mem>>)
      %dma_wait3A = arith.constant 0 : i32
      %dma_wait3A_52 = tpu.memref_slice %arg6[%add3A_23, %dma_wait3A] : memref<10240x16xf32, #tpu.memory_space<vmem_shared>> -> memref<128x16xf32, #tpu.memory_space<vmem_shared>>
      %dma_wait3A_53 = arith.constant 0 : i32
      %dma_wait3A_54 = tpu.memref_slice %arg6[%add3A_23, %dma_wait3A_53] : memref<10240x16xf32, #tpu.memory_space<vmem_shared>> -> memref<128x16xf32, #tpu.memory_space<vmem_shared>>
      tpu.wait_dma2 semaphore(%run_scoped3A : memref<!tpu.dma_semaphore, #tpu.memory_space<semaphore_mem>>) src(%arg5 : memref<128x16xf32, #tpu.memory_space<vmem>>) dst(%dma_wait3A_54 : memref<128x16xf32, #tpu.memory_space<vmem_shared>>)
      tpu.yield
    }) : () -> ()
    %scan3A_24 = arith.constant 0 : i32
    %scan3A_25 = arith.constant 0 : i32
    %scan3A_26 = arith.constant 128 : i32
    %scan3A_27 = arith.addi %scan3A_25, %scan3A_26 : i32
    %scan3A_28 = arith.constant 1 : i32
    %scan3A_29 = scf.for %scan3A_49 = %scan3A_25 to %scan3A_27 step %scan3A_28 iter_args(%scan3A_50 = %scan3A_24) -> (i32)  : i32 {
      %swap3A = arith.index_cast %scan3A_49 : i32 to index
      %swap3A_51 = arith.constant 0 : index
      %swap3A_52 = tpu.vector_load %arg5[%swap3A, %swap3A_51] {strides = array<i32>} : memref<128x16xf32, #tpu.memory_space<vmem>>, vector<1x16xf32>,
      %swap3A_53 = vector.shape_cast %swap3A_52 : vector<1x16xf32> to vector<16xf32>
      %swap3A_54 = vector.shape_cast %broadcast_in_dim3A_2 : vector<16xf32> to vector<1x16xf32>
      tpu.vector_store %arg5[%swap3A, %swap3A_51], %swap3A_54 {strides = array<i32>} : memref<128x16xf32, #tpu.memory_space<vmem>>, vector<1x16xf32>,
      %scan3A_55 = arith.constant 0 : i32
      scf.yield %scan3A_55 : i32
    }
    %scan3A_30 = arith.constant 128 : i32
    %barrier3A = arith.constant 0 : index
    tpu.barrier barrier_id(%barrier3A)
    %scan3A_31 = arith.constant 0 : i32
    %scan3A_32 = arith.constant 0 : i32
    %scan3A_33 = arith.constant 5 : i32
    %scan3A_34 = arith.addi %scan3A_32, %scan3A_33 : i32
    %scan3A_35 = arith.constant 1 : i32
    %scan3A_36 = scf.for %scan3A_49 = %scan3A_32 to %scan3A_34 step %scan3A_35 iter_args(%scan3A_50 = %scan3A_31) -> (i32)  : i32 {
      %mul3A_51 = arith.constant 8 : i32
      %mul3A_52 = arith.muli %scan3A_49, %mul3A_51 : i32
      %add3A_53 = arith.constant 0 : i32
      %add3A_54 = arith.addi %mul3A_52, %add3A_53 : i32
      %dma_start3A = arith.constant 0 : i32
      %dma_start3A_55 = tpu.memref_slice %arg4[%add3A_54, %dma_start3A] : memref<40x128xi32, #tpu.memory_space<vmem>> -> memref<1x128xi32, #tpu.memory_space<vmem>>
      %dma_start3A_56 = tpu.memref_squeeze %dma_start3A_55 : memref<1x128xi32, #tpu.memory_space<vmem>> -> memref<128xi32, #tpu.memory_space<vmem>>
      %dma_start3A_57 = arith.constant 0 : i32
      %dma_start3A_58 = arith.constant 0 : i32
      %dma_start3A_59 = tpu.memref_slice %arg6[%dma_start3A_57, %dma_start3A_58] : memref<10240x16xf32, #tpu.memory_space<vmem_shared>> -> memref<10240x16xf32, #tpu.memory_space<vmem_shared>>
      tpu.enqueue_indirect_dma source(%arg5 : memref<128x16xf32, #tpu.memory_space<vmem>>) target(%dma_start3A_59 : memref<10240x16xf32, #tpu.memory_space<vmem_shared>>) offsets(%dma_start3A_56 : memref<128xi32, #tpu.memory_space<vmem>>) semaphore(%arg7 : memref<!tpu.dma_semaphore, #tpu.memory_space<semaphore_mem>>) {add = true}
      %add3A_60 = arith.constant 1 : i32
      %add3A_61 = arith.addi %mul3A_52, %add3A_60 : i32
      %dma_start3A_62 = arith.constant 0 : i32
      %dma_start3A_63 = tpu.memref_slice %arg4[%add3A_61, %dma_start3A_62] : memref<40x128xi32, #tpu.memory_space<vmem>> -> memref<1x128xi32, #tpu.memory_space<vmem>>
      %dma_start3A_64 = tpu.memref_squeeze %dma_start3A_63 : memref<1x128xi32, #tpu.memory_space<vmem>> -> memref<128xi32, #tpu.memory_space<vmem>>
      %dma_start3A_65 = arith.constant 0 : i32
      %dma_start3A_66 = arith.constant 0 : i32
      %dma_start3A_67 = tpu.memref_slice %arg6[%dma_start3A_65, %dma_start3A_66] : memref<10240x16xf32, #tpu.memory_space<vmem_shared>> -> memref<10240x16xf32, #tpu.memory_space<vmem_shared>>
      tpu.enqueue_indirect_dma source(%arg5 : memref<128x16xf32, #tpu.memory_space<vmem>>) target(%dma_start3A_67 : memref<10240x16xf32, #tpu.memory_space<vmem_shared>>) offsets(%dma_start3A_64 : memref<128xi32, #tpu.memory_space<vmem>>) semaphore(%arg7 : memref<!tpu.dma_semaphore, #tpu.memory_space<semaphore_mem>>) {add = true}
      %add3A_68 = arith.constant 2 : i32
      %add3A_69 = arith.addi %mul3A_52, %add3A_68 : i32
      %dma_start3A_70 = arith.constant 0 : i32
      %dma_start3A_71 = tpu.memref_slice %arg4[%add3A_69, %dma_start3A_70] : memref<40x128xi32, #tpu.memory_space<vmem>> -> memref<1x128xi32, #tpu.memory_space<vmem>>
      %dma_start3A_72 = tpu.memref_squeeze %dma_start3A_71 : memref<1x128xi32, #tpu.memory_space<vmem>> -> memref<128xi32, #tpu.memory_space<vmem>>
      %dma_start3A_73 = arith.constant 0 : i32
      %dma_start3A_74 = arith.constant 0 : i32
      %dma_start3A_75 = tpu.memref_slice %arg6[%dma_start3A_73, %dma_start3A_74] : memref<10240x16xf32, #tpu.memory_space<vmem_shared>> -> memref<10240x16xf32, #tpu.memory_space<vmem_shared>>
      tpu.enqueue_indirect_dma source(%arg5 : memref<128x16xf32, #tpu.memory_space<vmem>>) target(%dma_start3A_75 : memref<10240x16xf32, #tpu.memory_space<vmem_shared>>) offsets(%dma_start3A_72 : memref<128xi32, #tpu.memory_space<vmem>>) semaphore(%arg7 : memref<!tpu.dma_semaphore, #tpu.memory_space<semaphore_mem>>) {add = true}
      %add3A_76 = arith.constant 3 : i32
      %add3A_77 = arith.addi %mul3A_52, %add3A_76 : i32
      %dma_start3A_78 = arith.constant 0 : i32
      %dma_start3A_79 = tpu.memref_slice %arg4[%add3A_77, %dma_start3A_78] : memref<40x128xi32, #tpu.memory_space<vmem>> -> memref<1x128xi32, #tpu.memory_space<vmem>>
      %dma_start3A_80 = tpu.memref_squeeze %dma_start3A_79 : memref<1x128xi32, #tpu.memory_space<vmem>> -> memref<128xi32, #tpu.memory_space<vmem>>
      %dma_start3A_81 = arith.constant 0 : i32
      %dma_start3A_82 = arith.constant 0 : i32
      %dma_start3A_83 = tpu.memref_slice %arg6[%dma_start3A_81, %dma_start3A_82] : memref<10240x16xf32, #tpu.memory_space<vmem_shared>> -> memref<10240x16xf32, #tpu.memory_space<vmem_shared>>
      tpu.enqueue_indirect_dma source(%arg5 : memref<128x16xf32, #tpu.memory_space<vmem>>) target(%dma_start3A_83 : memref<10240x16xf32, #tpu.memory_space<vmem_shared>>) offsets(%dma_start3A_80 : memref<128xi32, #tpu.memory_space<vmem>>) semaphore(%arg7 : memref<!tpu.dma_semaphore, #tpu.memory_space<semaphore_mem>>) {add = true}
      %add3A_84 = arith.constant 4 : i32
      %add3A_85 = arith.addi %mul3A_52, %add3A_84 : i32
      %dma_start3A_86 = arith.constant 0 : i32
      %dma_start3A_87 = tpu.memref_slice %arg4[%add3A_85, %dma_start3A_86] : memref<40x128xi32, #tpu.memory_space<vmem>> -> memref<1x128xi32, #tpu.memory_space<vmem>>
      %dma_start3A_88 = tpu.memref_squeeze %dma_start3A_87 : memref<1x128xi32, #tpu.memory_space<vmem>> -> memref<128xi32, #tpu.memory_space<vmem>>
      %dma_start3A_89 = arith.constant 0 : i32
      %dma_start3A_90 = arith.constant 0 : i32
      %dma_start3A_91 = tpu.memref_slice %arg6[%dma_start3A_89, %dma_start3A_90] : memref<10240x16xf32, #tpu.memory_space<vmem_shared>> -> memref<10240x16xf32, #tpu.memory_space<vmem_shared>>
      tpu.enqueue_indirect_dma source(%arg5 : memref<128x16xf32, #tpu.memory_space<vmem>>) target(%dma_start3A_91 : memref<10240x16xf32, #tpu.memory_space<vmem_shared>>) offsets(%dma_start3A_88 : memref<128xi32, #tpu.memory_space<vmem>>) semaphore(%arg7 : memref<!tpu.dma_semaphore, #tpu.memory_space<semaphore_mem>>) {add = true}
      %add3A_92 = arith.constant 5 : i32
      %add3A_93 = arith.addi %mul3A_52, %add3A_92 : i32
      %dma_start3A_94 = arith.constant 0 : i32
      %dma_start3A_95 = tpu.memref_slice %arg4[%add3A_93, %dma_start3A_94] : memref<40x128xi32, #tpu.memory_space<vmem>> -> memref<1x128xi32, #tpu.memory_space<vmem>>
      %dma_start3A_96 = tpu.memref_squeeze %dma_start3A_95 : memref<1x128xi32, #tpu.memory_space<vmem>> -> memref<128xi32, #tpu.memory_space<vmem>>
      %dma_start3A_97 = arith.constant 0 : i32
      %dma_start3A_98 = arith.constant 0 : i32
      %dma_start3A_99 = tpu.memref_slice %arg6[%dma_start3A_97, %dma_start3A_98] : memref<10240x16xf32, #tpu.memory_space<vmem_shared>> -> memref<10240x16xf32, #tpu.memory_space<vmem_shared>>
      tpu.enqueue_indirect_dma source(%arg5 : memref<128x16xf32, #tpu.memory_space<vmem>>) target(%dma_start3A_99 : memref<10240x16xf32, #tpu.memory_space<vmem_shared>>) offsets(%dma_start3A_96 : memref<128xi32, #tpu.memory_space<vmem>>) semaphore(%arg7 : memref<!tpu.dma_semaphore, #tpu.memory_space<semaphore_mem>>) {add = true}
      %add3A_100 = arith.constant 6 : i32
      %add3A_101 = arith.addi %mul3A_52, %add3A_100 : i32
      %dma_start3A_102 = arith.constant 0 : i32
      %dma_start3A_103 = tpu.memref_slice %arg4[%add3A_101, %dma_start3A_102] : memref<40x128xi32, #tpu.memory_space<vmem>> -> memref<1x128xi32, #tpu.memory_space<vmem>>
      %dma_start3A_104 = tpu.memref_squeeze %dma_start3A_103 : memref<1x128xi32, #tpu.memory_space<vmem>> -> memref<128xi32, #tpu.memory_space<vmem>>
      %dma_start3A_105 = arith.constant 0 : i32
      %dma_start3A_106 = arith.constant 0 : i32
      %dma_start3A_107 = tpu.memref_slice %arg6[%dma_start3A_105, %dma_start3A_106] : memref<10240x16xf32, #tpu.memory_space<vmem_shared>> -> memref<10240x16xf32, #tpu.memory_space<vmem_shared>>
      tpu.enqueue_indirect_dma source(%arg5 : memref<128x16xf32, #tpu.memory_space<vmem>>) target(%dma_start3A_107 : memref<10240x16xf32, #tpu.memory_space<vmem_shared>>) offsets(%dma_start3A_104 : memref<128xi32, #tpu.memory_space<vmem>>) semaphore(%arg7 : memref<!tpu.dma_semaphore, #tpu.memory_space<semaphore_mem>>) {add = true}
      %add3A_108 = arith.constant 7 : i32
      %add3A_109 = arith.addi %mul3A_52, %add3A_108 : i32
      %dma_start3A_110 = arith.constant 0 : i32
      %dma_start3A_111 = tpu.memref_slice %arg4[%add3A_109, %dma_start3A_110] : memref<40x128xi32, #tpu.memory_space<vmem>> -> memref<1x128xi32, #tpu.memory_space<vmem>>
      %dma_start3A_112 = tpu.memref_squeeze %dma_start3A_111 : memref<1x128xi32, #tpu.memory_space<vmem>> -> memref<128xi32, #tpu.memory_space<vmem>>
      %dma_start3A_113 = arith.constant 0 : i32
      %dma_start3A_114 = arith.constant 0 : i32
      %dma_start3A_115 = tpu.memref_slice %arg6[%dma_start3A_113, %dma_start3A_114] : memref<10240x16xf32, #tpu.memory_space<vmem_shared>> -> memref<10240x16xf32, #tpu.memory_space<vmem_shared>>
      tpu.enqueue_indirect_dma source(%arg5 : memref<128x16xf32, #tpu.memory_space<vmem>>) target(%dma_start3A_115 : memref<10240x16xf32, #tpu.memory_space<vmem_shared>>) offsets(%dma_start3A_112 : memref<128xi32, #tpu.memory_space<vmem>>) semaphore(%arg7 : memref<!tpu.dma_semaphore, #tpu.memory_space<semaphore_mem>>) {add = true}
      %dma_wait3A = arith.constant 0 : i32
      %dma_wait3A_116 = tpu.memref_slice %arg4[%add3A_54, %dma_wait3A] : memref<40x128xi32, #tpu.memory_space<vmem>> -> memref<1x128xi32, #tpu.memory_space<vmem>>
      %dma_wait3A_117 = tpu.memref_squeeze %dma_wait3A_116 : memref<1x128xi32, #tpu.memory_space<vmem>> -> memref<128xi32, #tpu.memory_space<vmem>>
      %dma_wait3A_118 = arith.constant 0 : i32
      %dma_wait3A_119 = arith.constant 0 : i32
      %dma_wait3A_120 = tpu.memref_slice %arg6[%dma_wait3A_118, %dma_wait3A_119] : memref<10240x16xf32, #tpu.memory_space<vmem_shared>> -> memref<10240x16xf32, #tpu.memory_space<vmem_shared>>
      tpu.wait_indirect_dma semaphore(%arg7 : memref<!tpu.dma_semaphore, #tpu.memory_space<semaphore_mem>>) src(%arg5 : memref<128x16xf32, #tpu.memory_space<vmem>>) dst(%dma_wait3A_120 : memref<10240x16xf32, #tpu.memory_space<vmem_shared>>)
      %dma_wait3A_121 = arith.constant 0 : i32
      %dma_wait3A_122 = tpu.memref_slice %arg4[%add3A_61, %dma_wait3A_121] : memref<40x128xi32, #tpu.memory_space<vmem>> -> memref<1x128xi32, #tpu.memory_space<vmem>>
      %dma_wait3A_123 = tpu.memref_squeeze %dma_wait3A_122 : memref<1x128xi32, #tpu.memory_space<vmem>> -> memref<128xi32, #tpu.memory_space<vmem>>
      %dma_wait3A_124 = arith.constant 0 : i32
      %dma_wait3A_125 = arith.constant 0 : i32
      %dma_wait3A_126 = tpu.memref_slice %arg6[%dma_wait3A_124, %dma_wait3A_125] : memref<10240x16xf32, #tpu.memory_space<vmem_shared>> -> memref<10240x16xf32, #tpu.memory_space<vmem_shared>>
      tpu.wait_indirect_dma semaphore(%arg7 : memref<!tpu.dma_semaphore, #tpu.memory_space<semaphore_mem>>) src(%arg5 : memref<128x16xf32, #tpu.memory_space<vmem>>) dst(%dma_wait3A_126 : memref<10240x16xf32, #tpu.memory_space<vmem_shared>>)
      %dma_wait3A_127 = arith.constant 0 : i32
      %dma_wait3A_128 = tpu.memref_slice %arg4[%add3A_69, %dma_wait3A_127] : memref<40x128xi32, #tpu.memory_space<vmem>> -> memref<1x128xi32, #tpu.memory_space<vmem>>
      %dma_wait3A_129 = tpu.memref_squeeze %dma_wait3A_128 : memref<1x128xi32, #tpu.memory_space<vmem>> -> memref<128xi32, #tpu.memory_space<vmem>>
      %dma_wait3A_130 = arith.constant 0 : i32
      %dma_wait3A_131 = arith.constant 0 : i32
      %dma_wait3A_132 = tpu.memref_slice %arg6[%dma_wait3A_130, %dma_wait3A_131] : memref<10240x16xf32, #tpu.memory_space<vmem_shared>> -> memref<10240x16xf32, #tpu.memory_space<vmem_shared>>
      tpu.wait_indirect_dma semaphore(%arg7 : memref<!tpu.dma_semaphore, #tpu.memory_space<semaphore_mem>>) src(%arg5 : memref<128x16xf32, #tpu.memory_space<vmem>>) dst(%dma_wait3A_132 : memref<10240x16xf32, #tpu.memory_space<vmem_shared>>)
      %dma_wait3A_133 = arith.constant 0 : i32
      %dma_wait3A_134 = tpu.memref_slice %arg4[%add3A_77, %dma_wait3A_133] : memref<40x128xi32, #tpu.memory_space<vmem>> -> memref<1x128xi32, #tpu.memory_space<vmem>>
      %dma_wait3A_135 = tpu.memref_squeeze %dma_wait3A_134 : memref<1x128xi32, #tpu.memory_space<vmem>> -> memref<128xi32, #tpu.memory_space<vmem>>
      %dma_wait3A_136 = arith.constant 0 : i32
      %dma_wait3A_137 = arith.constant 0 : i32
      %dma_wait3A_138 = tpu.memref_slice %arg6[%dma_wait3A_136, %dma_wait3A_137] : memref<10240x16xf32, #tpu.memory_space<vmem_shared>> -> memref<10240x16xf32, #tpu.memory_space<vmem_shared>>
      tpu.wait_indirect_dma semaphore(%arg7 : memref<!tpu.dma_semaphore, #tpu.memory_space<semaphore_mem>>) src(%arg5 : memref<128x16xf32, #tpu.memory_space<vmem>>) dst(%dma_wait3A_138 : memref<10240x16xf32, #tpu.memory_space<vmem_shared>>)
      %dma_wait3A_139 = arith.constant 0 : i32
      %dma_wait3A_140 = tpu.memref_slice %arg4[%add3A_85, %dma_wait3A_139] : memref<40x128xi32, #tpu.memory_space<vmem>> -> memref<1x128xi32, #tpu.memory_space<vmem>>
      %dma_wait3A_141 = tpu.memref_squeeze %dma_wait3A_140 : memref<1x128xi32, #tpu.memory_space<vmem>> -> memref<128xi32, #tpu.memory_space<vmem>>
      %dma_wait3A_142 = arith.constant 0 : i32
      %dma_wait3A_143 = arith.constant 0 : i32
      %dma_wait3A_144 = tpu.memref_slice %arg6[%dma_wait3A_142, %dma_wait3A_143] : memref<10240x16xf32, #tpu.memory_space<vmem_shared>> -> memref<10240x16xf32, #tpu.memory_space<vmem_shared>>
      tpu.wait_indirect_dma semaphore(%arg7 : memref<!tpu.dma_semaphore, #tpu.memory_space<semaphore_mem>>) src(%arg5 : memref<128x16xf32, #tpu.memory_space<vmem>>) dst(%dma_wait3A_144 : memref<10240x16xf32, #tpu.memory_space<vmem_shared>>)
      %dma_wait3A_145 = arith.constant 0 : i32
      %dma_wait3A_146 = tpu.memref_slice %arg4[%add3A_93, %dma_wait3A_145] : memref<40x128xi32, #tpu.memory_space<vmem>> -> memref<1x128xi32, #tpu.memory_space<vmem>>
      %dma_wait3A_147 = tpu.memref_squeeze %dma_wait3A_146 : memref<1x128xi32, #tpu.memory_space<vmem>> -> memref<128xi32, #tpu.memory_space<vmem>>
      %dma_wait3A_148 = arith.constant 0 : i32
      %dma_wait3A_149 = arith.constant 0 : i32
      %dma_wait3A_150 = tpu.memref_slice %arg6[%dma_wait3A_148, %dma_wait3A_149] : memref<10240x16xf32, #tpu.memory_space<vmem_shared>> -> memref<10240x16xf32, #tpu.memory_space<vmem_shared>>
      tpu.wait_indirect_dma semaphore(%arg7 : memref<!tpu.dma_semaphore, #tpu.memory_space<semaphore_mem>>) src(%arg5 : memref<128x16xf32, #tpu.memory_space<vmem>>) dst(%dma_wait3A_150 : memref<10240x16xf32, #tpu.memory_space<vmem_shared>>)
      %dma_wait3A_151 = arith.constant 0 : i32
      %dma_wait3A_152 = tpu.memref_slice %arg4[%add3A_101, %dma_wait3A_151] : memref<40x128xi32, #tpu.memory_space<vmem>> -> memref<1x128xi32, #tpu.memory_space<vmem>>
      %dma_wait3A_153 = tpu.memref_squeeze %dma_wait3A_152 : memref<1x128xi32, #tpu.memory_space<vmem>> -> memref<128xi32, #tpu.memory_space<vmem>>
      %dma_wait3A_154 = arith.constant 0 : i32
      %dma_wait3A_155 = arith.constant 0 : i32
      %dma_wait3A_156 = tpu.memref_slice %arg6[%dma_wait3A_154, %dma_wait3A_155] : memref<10240x16xf32, #tpu.memory_space<vmem_shared>> -> memref<10240x16xf32, #tpu.memory_space<vmem_shared>>
      tpu.wait_indirect_dma semaphore(%arg7 : memref<!tpu.dma_semaphore, #tpu.memory_space<semaphore_mem>>) src(%arg5 : memref<128x16xf32, #tpu.memory_space<vmem>>) dst(%dma_wait3A_156 : memref<10240x16xf32, #tpu.memory_space<vmem_shared>>)
      %dma_wait3A_157 = arith.constant 0 : i32
      %dma_wait3A_158 = tpu.memref_slice %arg4[%add3A_109, %dma_wait3A_157] : memref<40x128xi32, #tpu.memory_space<vmem>> -> memref<1x128xi32, #tpu.memory_space<vmem>>
      %dma_wait3A_159 = tpu.memref_squeeze %dma_wait3A_158 : memref<1x128xi32, #tpu.memory_space<vmem>> -> memref<128xi32, #tpu.memory_space<vmem>>
      %dma_wait3A_160 = arith.constant 0 : i32
      %dma_wait3A_161 = arith.constant 0 : i32
      %dma_wait3A_162 = tpu.memref_slice %arg6[%dma_wait3A_160, %dma_wait3A_161] : memref<10240x16xf32, #tpu.memory_space<vmem_shared>> -> memref<10240x16xf32, #tpu.memory_space<vmem_shared>>
      tpu.wait_indirect_dma semaphore(%arg7 : memref<!tpu.dma_semaphore, #tpu.memory_space<semaphore_mem>>) src(%arg5 : memref<128x16xf32, #tpu.memory_space<vmem>>) dst(%dma_wait3A_162 : memref<10240x16xf32, #tpu.memory_space<vmem_shared>>)
      %scan3A_163 = arith.constant 0 : i32
      scf.yield %scan3A_163 : i32
    }
    %scan3A_37 = arith.constant 5 : i32
    %barrier3A_38 = arith.constant 0 : index
    tpu.barrier barrier_id(%barrier3A_38)
    %add3A_39 = arith.constant 0 : i32
    %add3A_40 = arith.addi %mul3A_3, %add3A_39 : i32
    "tpu.region"() ({
      %run_scoped3A = tpu.sem_alloc : memref<!tpu.dma_semaphore, #tpu.memory_space<semaphore_mem>>
      %dma_start3A = arith.constant 0 : i32
      %dma_start3A_49 = tpu.memref_slice %arg6[%add3A_40, %dma_start3A] : memref<10240x16xf32, #tpu.memory_space<vmem_shared>> -> memref<128x16xf32, #tpu.memory_space<vmem_shared>>
      %dma_start3A_50 = arith.constant 0 : i32
      %dma_start3A_51 = tpu.memref_slice %arg6[%add3A_40, %dma_start3A_50] : memref<10240x16xf32, #tpu.memory_space<vmem_shared>> -> memref<128x16xf32, #tpu.memory_space<vmem_shared>>
      tpu.enqueue_dma source(%dma_start3A_51 : memref<128x16xf32, #tpu.memory_space<vmem_shared>>) target(%arg5 : memref<128x16xf32, #tpu.memory_space<vmem>>) target_semaphore(%run_scoped3A : memref<!tpu.dma_semaphore, #tpu.memory_space<semaphore_mem>>)
      %dma_wait3A = arith.constant 0 : i32
      %dma_wait3A_52 = tpu.memref_slice %arg6[%add3A_40, %dma_wait3A] : memref<10240x16xf32, #tpu.memory_space<vmem_shared>> -> memref<128x16xf32, #tpu.memory_space<vmem_shared>>
      %dma_wait3A_53 = arith.constant 0 : i32
      %dma_wait3A_54 = tpu.memref_slice %arg6[%add3A_40, %dma_wait3A_53] : memref<10240x16xf32, #tpu.memory_space<vmem_shared>> -> memref<128x16xf32, #tpu.memory_space<vmem_shared>>
      tpu.wait_dma2 semaphore(%run_scoped3A : memref<!tpu.dma_semaphore, #tpu.memory_space<semaphore_mem>>) src(%dma_wait3A_54 : memref<128x16xf32, #tpu.memory_space<vmem_shared>>) dst(%arg5 : memref<128x16xf32, #tpu.memory_space<vmem>>)
      tpu.yield
    }) : () -> ()
    "tpu.region"() ({
      %run_scoped3A = tpu.sem_alloc : memref<!tpu.dma_semaphore, #tpu.memory_space<semaphore_mem>>
      %dma_start3A = arith.constant 0 : i32
      %dma_start3A_49 = tpu.memref_slice %arg3[%arg0, %add3A_40, %dma_start3A] : memref<2x10240x16xf32, #tpu.memory_space<hbm>> -> memref<1x128x16xf32, #tpu.memory_space<hbm>>
      %dma_start3A_50 = tpu.memref_squeeze %dma_start3A_49 : memref<1x128x16xf32, #tpu.memory_space<hbm>> -> memref<128x16xf32, #tpu.memory_space<hbm>>
      %dma_start3A_51 = arith.constant 0 : i32
      %dma_start3A_52 = tpu.memref_slice %arg3[%arg0, %add3A_40, %dma_start3A_51] : memref<2x10240x16xf32, #tpu.memory_space<hbm>> -> memref<1x128x16xf32, #tpu.memory_space<hbm>>
      %dma_start3A_53 = tpu.memref_squeeze %dma_start3A_52 : memref<1x128x16xf32, #tpu.memory_space<hbm>> -> memref<128x16xf32, #tpu.memory_space<hbm>>
      tpu.enqueue_dma source(%arg5 : memref<128x16xf32, #tpu.memory_space<vmem>>) target(%dma_start3A_53 : memref<128x16xf32, #tpu.memory_space<hbm>>) target_semaphore(%run_scoped3A : memref<!tpu.dma_semaphore, #tpu.memory_space<semaphore_mem>>)
      %dma_wait3A = arith.constant 0 : i32
      %dma_wait3A_54 = tpu.memref_slice %arg3[%arg0, %add3A_40, %dma_wait3A] : memref<2x10240x16xf32, #tpu.memory_space<hbm>> -> memref<1x128x16xf32, #tpu.memory_space<hbm>>
      %dma_wait3A_55 = tpu.memref_squeeze %dma_wait3A_54 : memref<1x128x16xf32, #tpu.memory_space<hbm>> -> memref<128x16xf32, #tpu.memory_space<hbm>>
      %dma_wait3A_56 = arith.constant 0 : i32
      %dma_wait3A_57 = tpu.memref_slice %arg3[%arg0, %add3A_40, %dma_wait3A_56] : memref<2x10240x16xf32, #tpu.memory_space<hbm>> -> memref<1x128x16xf32, #tpu.memory_space<hbm>>
      %dma_wait3A_58 = tpu.memref_squeeze %dma_wait3A_57 : memref<1x128x16xf32, #tpu.memory_space<hbm>> -> memref<128x16xf32, #tpu.memory_space<hbm>>
      tpu.wait_dma2 semaphore(%run_scoped3A : memref<!tpu.dma_semaphore, #tpu.memory_space<semaphore_mem>>) src(%arg5 : memref<128x16xf32, #tpu.memory_space<vmem>>) dst(%dma_wait3A_58 : memref<128x16xf32, #tpu.memory_space<hbm>>)
      tpu.yield
    }) : () -> ()
    %add3A_41 = arith.constant 128 : i32
    %add3A_42 = arith.addi %mul3A_3, %add3A_41 : i32
    "tpu.region"() ({
      %run_scoped3A = tpu.sem_alloc : memref<!tpu.dma_semaphore, #tpu.memory_space<semaphore_mem>>
      %dma_start3A = arith.constant 0 : i32
      %dma_start3A_49 = tpu.memref_slice %arg6[%add3A_42, %dma_start3A] : memref<10240x16xf32, #tpu.memory_space<vmem_shared>> -> memref<128x16xf32, #tpu.memory_space<vmem_shared>>
      %dma_start3A_50 = arith.constant 0 : i32
      %dma_start3A_51 = tpu.memref_slice %arg6[%add3A_42, %dma_start3A_50] : memref<10240x16xf32, #tpu.memory_space<vmem_shared>> -> memref<128x16xf32, #tpu.memory_space<vmem_shared>>
      tpu.enqueue_dma source(%dma_start3A_51 : memref<128x16xf32, #tpu.memory_space<vmem_shared>>) target(%arg5 : memref<128x16xf32, #tpu.memory_space<vmem>>) target_semaphore(%run_scoped3A : memref<!tpu.dma_semaphore, #tpu.memory_space<semaphore_mem>>)
      %dma_wait3A = arith.constant 0 : i32
      %dma_wait3A_52 = tpu.memref_slice %arg6[%add3A_42, %dma_wait3A] : memref<10240x16xf32, #tpu.memory_space<vmem_shared>> -> memref<128x16xf32, #tpu.memory_space<vmem_shared>>
      %dma_wait3A_53 = arith.constant 0 : i32
      %dma_wait3A_54 = tpu.memref_slice %arg6[%add3A_42, %dma_wait3A_53] : memref<10240x16xf32, #tpu.memory_space<vmem_shared>> -> memref<128x16xf32, #tpu.memory_space<vmem_shared>>
      tpu.wait_dma2 semaphore(%run_scoped3A : memref<!tpu.dma_semaphore, #tpu.memory_space<semaphore_mem>>) src(%dma_wait3A_54 : memref<128x16xf32, #tpu.memory_space<vmem_shared>>) dst(%arg5 : memref<128x16xf32, #tpu.memory_space<vmem>>)
      tpu.yield
    }) : () -> ()
    "tpu.region"() ({
      %run_scoped3A = tpu.sem_alloc : memref<!tpu.dma_semaphore, #tpu.memory_space<semaphore_mem>>
      %dma_start3A = arith.constant 0 : i32
      %dma_start3A_49 = tpu.memref_slice %arg3[%arg0, %add3A_42, %dma_start3A] : memref<2x10240x16xf32, #tpu.memory_space<hbm>> -> memref<1x128x16xf32, #tpu.memory_space<hbm>>
      %dma_start3A_50 = tpu.memref_squeeze %dma_start3A_49 : memref<1x128x16xf32, #tpu.memory_space<hbm>> -> memref<128x16xf32, #tpu.memory_space<hbm>>
      %dma_start3A_51 = arith.constant 0 : i32
      %dma_start3A_52 = tpu.memref_slice %arg3[%arg0, %add3A_42, %dma_start3A_51] : memref<2x10240x16xf32, #tpu.memory_space<hbm>> -> memref<1x128x16xf32, #tpu.memory_space<hbm>>
      %dma_start3A_53 = tpu.memref_squeeze %dma_start3A_52 : memref<1x128x16xf32, #tpu.memory_space<hbm>> -> memref<128x16xf32, #tpu.memory_space<hbm>>
      tpu.enqueue_dma source(%arg5 : memref<128x16xf32, #tpu.memory_space<vmem>>) target(%dma_start3A_53 : memref<128x16xf32, #tpu.memory_space<hbm>>) target_semaphore(%run_scoped3A : memref<!tpu.dma_semaphore, #tpu.memory_space<semaphore_mem>>)
      %dma_wait3A = arith.constant 0 : i32
      %dma_wait3A_54 = tpu.memref_slice %arg3[%arg0, %add3A_42, %dma_wait3A] : memref<2x10240x16xf32, #tpu.memory_space<hbm>> -> memref<1x128x16xf32, #tpu.memory_space<hbm>>
      %dma_wait3A_55 = tpu.memref_squeeze %dma_wait3A_54 : memref<1x128x16xf32, #tpu.memory_space<hbm>> -> memref<128x16xf32, #tpu.memory_space<hbm>>
      %dma_wait3A_56 = arith.constant 0 : i32
      %dma_wait3A_57 = tpu.memref_slice %arg3[%arg0, %add3A_42, %dma_wait3A_56] : memref<2x10240x16xf32, #tpu.memory_space<hbm>> -> memref<1x128x16xf32, #tpu.memory_space<hbm>>
      %dma_wait3A_58 = tpu.memref_squeeze %dma_wait3A_57 : memref<1x128x16xf32, #tpu.memory_space<hbm>> -> memref<128x16xf32, #tpu.memory_space<hbm>>
      tpu.wait_dma2 semaphore(%run_scoped3A : memref<!tpu.dma_semaphore, #tpu.memory_space<semaphore_mem>>) src(%arg5 : memref<128x16xf32, #tpu.memory_space<vmem>>) dst(%dma_wait3A_58 : memref<128x16xf32, #tpu.memory_space<hbm>>)
      tpu.yield
    }) : () -> ()
    %add3A_43 = arith.constant 256 : i32
    %add3A_44 = arith.addi %mul3A_3, %add3A_43 : i32
    "tpu.region"() ({
      %run_scoped3A = tpu.sem_alloc : memref<!tpu.dma_semaphore, #tpu.memory_space<semaphore_mem>>
      %dma_start3A = arith.constant 0 : i32
      %dma_start3A_49 = tpu.memref_slice %arg6[%add3A_44, %dma_start3A] : memref<10240x16xf32, #tpu.memory_space<vmem_shared>> -> memref<128x16xf32, #tpu.memory_space<vmem_shared>>
      %dma_start3A_50 = arith.constant 0 : i32
      %dma_start3A_51 = tpu.memref_slice %arg6[%add3A_44, %dma_start3A_50] : memref<10240x16xf32, #tpu.memory_space<vmem_shared>> -> memref<128x16xf32, #tpu.memory_space<vmem_shared>>
      tpu.enqueue_dma source(%dma_start3A_51 : memref<128x16xf32, #tpu.memory_space<vmem_shared>>) target(%arg5 : memref<128x16xf32, #tpu.memory_space<vmem>>) target_semaphore(%run_scoped3A : memref<!tpu.dma_semaphore, #tpu.memory_space<semaphore_mem>>)
      %dma_wait3A = arith.constant 0 : i32
      %dma_wait3A_52 = tpu.memref_slice %arg6[%add3A_44, %dma_wait3A] : memref<10240x16xf32, #tpu.memory_space<vmem_shared>> -> memref<128x16xf32, #tpu.memory_space<vmem_shared>>
      %dma_wait3A_53 = arith.constant 0 : i32
      %dma_wait3A_54 = tpu.memref_slice %arg6[%add3A_44, %dma_wait3A_53] : memref<10240x16xf32, #tpu.memory_space<vmem_shared>> -> memref<128x16xf32, #tpu.memory_space<vmem_shared>>
      tpu.wait_dma2 semaphore(%run_scoped3A : memref<!tpu.dma_semaphore, #tpu.memory_space<semaphore_mem>>) src(%dma_wait3A_54 : memref<128x16xf32, #tpu.memory_space<vmem_shared>>) dst(%arg5 : memref<128x16xf32, #tpu.memory_space<vmem>>)
      tpu.yield
    }) : () -> ()
    "tpu.region"() ({
      %run_scoped3A = tpu.sem_alloc : memref<!tpu.dma_semaphore, #tpu.memory_space<semaphore_mem>>
      %dma_start3A = arith.constant 0 : i32
      %dma_start3A_49 = tpu.memref_slice %arg3[%arg0, %add3A_44, %dma_start3A] : memref<2x10240x16xf32, #tpu.memory_space<hbm>> -> memref<1x128x16xf32, #tpu.memory_space<hbm>>
      %dma_start3A_50 = tpu.memref_squeeze %dma_start3A_49 : memref<1x128x16xf32, #tpu.memory_space<hbm>> -> memref<128x16xf32, #tpu.memory_space<hbm>>
      %dma_start3A_51 = arith.constant 0 : i32
      %dma_start3A_52 = tpu.memref_slice %arg3[%arg0, %add3A_44, %dma_start3A_51] : memref<2x10240x16xf32, #tpu.memory_space<hbm>> -> memref<1x128x16xf32, #tpu.memory_space<hbm>>
      %dma_start3A_53 = tpu.memref_squeeze %dma_start3A_52 : memref<1x128x16xf32, #tpu.memory_space<hbm>> -> memref<128x16xf32, #tpu.memory_space<hbm>>
      tpu.enqueue_dma source(%arg5 : memref<128x16xf32, #tpu.memory_space<vmem>>) target(%dma_start3A_53 : memref<128x16xf32, #tpu.memory_space<hbm>>) target_semaphore(%run_scoped3A : memref<!tpu.dma_semaphore, #tpu.memory_space<semaphore_mem>>)
      %dma_wait3A = arith.constant 0 : i32
      %dma_wait3A_54 = tpu.memref_slice %arg3[%arg0, %add3A_44, %dma_wait3A] : memref<2x10240x16xf32, #tpu.memory_space<hbm>> -> memref<1x128x16xf32, #tpu.memory_space<hbm>>
      %dma_wait3A_55 = tpu.memref_squeeze %dma_wait3A_54 : memref<1x128x16xf32, #tpu.memory_space<hbm>> -> memref<128x16xf32, #tpu.memory_space<hbm>>
      %dma_wait3A_56 = arith.constant 0 : i32
      %dma_wait3A_57 = tpu.memref_slice %arg3[%arg0, %add3A_44, %dma_wait3A_56] : memref<2x10240x16xf32, #tpu.memory_space<hbm>> -> memref<1x128x16xf32, #tpu.memory_space<hbm>>
      %dma_wait3A_58 = tpu.memref_squeeze %dma_wait3A_57 : memref<1x128x16xf32, #tpu.memory_space<hbm>> -> memref<128x16xf32, #tpu.memory_space<hbm>>
      tpu.wait_dma2 semaphore(%run_scoped3A : memref<!tpu.dma_semaphore, #tpu.memory_space<semaphore_mem>>) src(%arg5 : memref<128x16xf32, #tpu.memory_space<vmem>>) dst(%dma_wait3A_58 : memref<128x16xf32, #tpu.memory_space<hbm>>)
      tpu.yield
    }) : () -> ()
    %add3A_45 = arith.constant 384 : i32
    %add3A_46 = arith.addi %mul3A_3, %add3A_45 : i32
    "tpu.region"() ({
      %run_scoped3A = tpu.sem_alloc : memref<!tpu.dma_semaphore, #tpu.memory_space<semaphore_mem>>
      %dma_start3A = arith.constant 0 : i32
      %dma_start3A_49 = tpu.memref_slice %arg6[%add3A_46, %dma_start3A] : memref<10240x16xf32, #tpu.memory_space<vmem_shared>> -> memref<128x16xf32, #tpu.memory_space<vmem_shared>>
      %dma_start3A_50 = arith.constant 0 : i32
      %dma_start3A_51 = tpu.memref_slice %arg6[%add3A_46, %dma_start3A_50] : memref<10240x16xf32, #tpu.memory_space<vmem_shared>> -> memref<128x16xf32, #tpu.memory_space<vmem_shared>>
      tpu.enqueue_dma source(%dma_start3A_51 : memref<128x16xf32, #tpu.memory_space<vmem_shared>>) target(%arg5 : memref<128x16xf32, #tpu.memory_space<vmem>>) target_semaphore(%run_scoped3A : memref<!tpu.dma_semaphore, #tpu.memory_space<semaphore_mem>>)
      %dma_wait3A = arith.constant 0 : i32
      %dma_wait3A_52 = tpu.memref_slice %arg6[%add3A_46, %dma_wait3A] : memref<10240x16xf32, #tpu.memory_space<vmem_shared>> -> memref<128x16xf32, #tpu.memory_space<vmem_shared>>
      %dma_wait3A_53 = arith.constant 0 : i32
      %dma_wait3A_54 = tpu.memref_slice %arg6[%add3A_46, %dma_wait3A_53] : memref<10240x16xf32, #tpu.memory_space<vmem_shared>> -> memref<128x16xf32, #tpu.memory_space<vmem_shared>>
      tpu.wait_dma2 semaphore(%run_scoped3A : memref<!tpu.dma_semaphore, #tpu.memory_space<semaphore_mem>>) src(%dma_wait3A_54 : memref<128x16xf32, #tpu.memory_space<vmem_shared>>) dst(%arg5 : memref<128x16xf32, #tpu.memory_space<vmem>>)
      tpu.yield
    }) : () -> ()
    "tpu.region"() ({
      %run_scoped3A = tpu.sem_alloc : memref<!tpu.dma_semaphore, #tpu.memory_space<semaphore_mem>>
      %dma_start3A = arith.constant 0 : i32
      %dma_start3A_49 = tpu.memref_slice %arg3[%arg0, %add3A_46, %dma_start3A] : memref<2x10240x16xf32, #tpu.memory_space<hbm>> -> memref<1x128x16xf32, #tpu.memory_space<hbm>>
      %dma_start3A_50 = tpu.memref_squeeze %dma_start3A_49 : memref<1x128x16xf32, #tpu.memory_space<hbm>> -> memref<128x16xf32, #tpu.memory_space<hbm>>
      %dma_start3A_51 = arith.constant 0 : i32
      %dma_start3A_52 = tpu.memref_slice %arg3[%arg0, %add3A_46, %dma_start3A_51] : memref<2x10240x16xf32, #tpu.memory_space<hbm>> -> memref<1x128x16xf32, #tpu.memory_space<hbm>>
      %dma_start3A_53 = tpu.memref_squeeze %dma_start3A_52 : memref<1x128x16xf32, #tpu.memory_space<hbm>> -> memref<128x16xf32, #tpu.memory_space<hbm>>
      tpu.enqueue_dma source(%arg5 : memref<128x16xf32, #tpu.memory_space<vmem>>) target(%dma_start3A_53 : memref<128x16xf32, #tpu.memory_space<hbm>>) target_semaphore(%run_scoped3A : memref<!tpu.dma_semaphore, #tpu.memory_space<semaphore_mem>>)
      %dma_wait3A = arith.constant 0 : i32
      %dma_wait3A_54 = tpu.memref_slice %arg3[%arg0, %add3A_46, %dma_wait3A] : memref<2x10240x16xf32, #tpu.memory_space<hbm>> -> memref<1x128x16xf32, #tpu.memory_space<hbm>>
      %dma_wait3A_55 = tpu.memref_squeeze %dma_wait3A_54 : memref<1x128x16xf32, #tpu.memory_space<hbm>> -> memref<128x16xf32, #tpu.memory_space<hbm>>
      %dma_wait3A_56 = arith.constant 0 : i32
      %dma_wait3A_57 = tpu.memref_slice %arg3[%arg0, %add3A_46, %dma_wait3A_56] : memref<2x10240x16xf32, #tpu.memory_space<hbm>> -> memref<1x128x16xf32, #tpu.memory_space<hbm>>
      %dma_wait3A_58 = tpu.memref_squeeze %dma_wait3A_57 : memref<1x128x16xf32, #tpu.memory_space<hbm>> -> memref<128x16xf32, #tpu.memory_space<hbm>>
      tpu.wait_dma2 semaphore(%run_scoped3A : memref<!tpu.dma_semaphore, #tpu.memory_space<semaphore_mem>>) src(%arg5 : memref<128x16xf32, #tpu.memory_space<vmem>>) dst(%dma_wait3A_58 : memref<128x16xf32, #tpu.memory_space<hbm>>)
      tpu.yield
    }) : () -> ()
    %add3A_47 = arith.constant 512 : i32
    %add3A_48 = arith.addi %mul3A_3, %add3A_47 : i32
    "tpu.region"() ({
      %run_scoped3A = tpu.sem_alloc : memref<!tpu.dma_semaphore, #tpu.memory_space<semaphore_mem>>
      %dma_start3A = arith.constant 0 : i32
      %dma_start3A_49 = tpu.memref_slice %arg6[%add3A_48, %dma_start3A] : memref<10240x16xf32, #tpu.memory_space<vmem_shared>> -> memref<128x16xf32, #tpu.memory_space<vmem_shared>>
      %dma_start3A_50 = arith.constant 0 : i32
      %dma_start3A_51 = tpu.memref_slice %arg6[%add3A_48, %dma_start3A_50] : memref<10240x16xf32, #tpu.memory_space<vmem_shared>> -> memref<128x16xf32, #tpu.memory_space<vmem_shared>>
      tpu.enqueue_dma source(%dma_start3A_51 : memref<128x16xf32, #tpu.memory_space<vmem_shared>>) target(%arg5 : memref<128x16xf32, #tpu.memory_space<vmem>>) target_semaphore(%run_scoped3A : memref<!tpu.dma_semaphore, #tpu.memory_space<semaphore_mem>>)
      %dma_wait3A = arith.constant 0 : i32
      %dma_wait3A_52 = tpu.memref_slice %arg6[%add3A_48, %dma_wait3A] : memref<10240x16xf32, #tpu.memory_space<vmem_shared>> -> memref<128x16xf32, #tpu.memory_space<vmem_shared>>
      %dma_wait3A_53 = arith.constant 0 : i32
      %dma_wait3A_54 = tpu.memref_slice %arg6[%add3A_48, %dma_wait3A_53] : memref<10240x16xf32, #tpu.memory_space<vmem_shared>> -> memref<128x16xf32, #tpu.memory_space<vmem_shared>>
      tpu.wait_dma2 semaphore(%run_scoped3A : memref<!tpu.dma_semaphore, #tpu.memory_space<semaphore_mem>>) src(%dma_wait3A_54 : memref<128x16xf32, #tpu.memory_space<vmem_shared>>) dst(%arg5 : memref<128x16xf32, #tpu.memory_space<vmem>>)
      tpu.yield
    }) : () -> ()
    "tpu.region"() ({
      %run_scoped3A = tpu.sem_alloc : memref<!tpu.dma_semaphore, #tpu.memory_space<semaphore_mem>>
      %dma_start3A = arith.constant 0 : i32
      %dma_start3A_49 = tpu.memref_slice %arg3[%arg0, %add3A_48, %dma_start3A] : memref<2x10240x16xf32, #tpu.memory_space<hbm>> -> memref<1x128x16xf32, #tpu.memory_space<hbm>>
      %dma_start3A_50 = tpu.memref_squeeze %dma_start3A_49 : memref<1x128x16xf32, #tpu.memory_space<hbm>> -> memref<128x16xf32, #tpu.memory_space<hbm>>
      %dma_start3A_51 = arith.constant 0 : i32
      %dma_start3A_52 = tpu.memref_slice %arg3[%arg0, %add3A_48, %dma_start3A_51] : memref<2x10240x16xf32, #tpu.memory_space<hbm>> -> memref<1x128x16xf32, #tpu.memory_space<hbm>>
      %dma_start3A_53 = tpu.memref_squeeze %dma_start3A_52 : memref<1x128x16xf32, #tpu.memory_space<hbm>> -> memref<128x16xf32, #tpu.memory_space<hbm>>
      tpu.enqueue_dma source(%arg5 : memref<128x16xf32, #tpu.memory_space<vmem>>) target(%dma_start3A_53 : memref<128x16xf32, #tpu.memory_space<hbm>>) target_semaphore(%run_scoped3A : memref<!tpu.dma_semaphore, #tpu.memory_space<semaphore_mem>>)
      %dma_wait3A = arith.constant 0 : i32
      %dma_wait3A_54 = tpu.memref_slice %arg3[%arg0, %add3A_48, %dma_wait3A] : memref<2x10240x16xf32, #tpu.memory_space<hbm>> -> memref<1x128x16xf32, #tpu.memory_space<hbm>>
      %dma_wait3A_55 = tpu.memref_squeeze %dma_wait3A_54 : memref<1x128x16xf32, #tpu.memory_space<hbm>> -> memref<128x16xf32, #tpu.memory_space<hbm>>
      %dma_wait3A_56 = arith.constant 0 : i32
      %dma_wait3A_57 = tpu.memref_slice %arg3[%arg0, %add3A_48, %dma_wait3A_56] : memref<2x10240x16xf32, #tpu.memory_space<hbm>> -> memref<1x128x16xf32, #tpu.memory_space<hbm>>
      %dma_wait3A_58 = tpu.memref_squeeze %dma_wait3A_57 : memref<1x128x16xf32, #tpu.memory_space<hbm>> -> memref<128x16xf32, #tpu.memory_space<hbm>>
      tpu.wait_dma2 semaphore(%run_scoped3A : memref<!tpu.dma_semaphore, #tpu.memory_space<semaphore_mem>>) src(%arg5 : memref<128x16xf32, #tpu.memory_space<vmem>>) dst(%dma_wait3A_58 : memref<128x16xf32, #tpu.memory_space<hbm>>)
      tpu.yield
    }) : () -> ()
    return
  }
}

module attributes {stable_mosaic.version = 14 : i64} {
  func.func @_tc_body(%arg0: i32, %arg1: memref<1000x256xf32, #tpu.memory_space<vmem>>, %arg2: memref<1000x128xf32, #tpu.memory_space<vmem>>, %arg3: memref<1000x128xf32, #tpu.memory_space<vmem>>, %arg4: memref<1000x16xf32, #tpu.memory_space<vmem>>, %arg5: memref<1000x16xf32, #tpu.memory_space<vmem>>, %arg6: memref<256x256xf32, #tpu.memory_space<vmem>>, %arg7: memref<1x256xf32, #tpu.memory_space<vmem>>, %arg8: memref<256x256xf32, #tpu.memory_space<vmem>>, %arg9: memref<1x256xf32, #tpu.memory_space<vmem>>, %arg10: memref<1x1xf32, #tpu.memory_space<vmem>>, %arg11: memref<1000x256xf32, #tpu.memory_space<vmem>>) attributes {dimension_semantics = [#tpu.dimension_semantics<arbitrary>], iteration_bounds = array<i64: 10>, scalar_prefetch = 0 : i64, scratch_operands = 0 : i64, tpu.core_type = #tpu.core_type<tc>, window_params = [{transform_indices = @transform_0, window_bounds = array<i64: 1000, 256>}, {transform_indices = @transform_1, window_bounds = array<i64: 1000, 128>}, {transform_indices = @transform_2, window_bounds = array<i64: 1000, 128>}, {transform_indices = @transform_3, window_bounds = array<i64: 1000, 16>}, {transform_indices = @transform_4, window_bounds = array<i64: 1000, 16>}, {pipeline_mode = #tpu.pipeline_mode<synchronous>, transform_indices = @transform_5, window_bounds = array<i64: 256, 256>}, {pipeline_mode = #tpu.pipeline_mode<synchronous>, transform_indices = @transform_6, window_bounds = array<i64: 1, 256>}, {pipeline_mode = #tpu.pipeline_mode<synchronous>, transform_indices = @transform_7, window_bounds = array<i64: 256, 256>}, {pipeline_mode = #tpu.pipeline_mode<synchronous>, transform_indices = @transform_8, window_bounds = array<i64: 1, 256>}, {pipeline_mode = #tpu.pipeline_mode<synchronous>, transform_indices = @transform_9, window_bounds = array<i64: 1, 1>}, {transform_indices = @transform_10, window_bounds = array<i64: 1000, 256>}]} {
    %get3A = arith.constant 0 : index
    %get3A_0 = arith.constant 0 : index
    %get3A_1 = vector.load %arg4[%get3A, %get3A_0] : memref<1000x16xf32, #tpu.memory_space<vmem>>, vector<1000x1xf32>
    %get3A_2 = arith.constant 0 : index
    %get3A_3 = arith.constant 0 : index
    %get3A_4 = vector.load %arg5[%get3A_2, %get3A_3] : memref<1000x16xf32, #tpu.memory_space<vmem>>, vector<1000x1xf32>
    %add3A = arith.addf %get3A_1, %get3A_4 : vector<1000x1xf32>
    %max3A = arith.constant 1.000000e+00 : f32
    %max3A_5 = vector.broadcast %max3A : f32 to vector<1000x1xf32>
    %max3A_6 = arith.maximumf %add3A, %max3A_5 : vector<1000x1xf32>
    %get3A_7 = arith.constant 0 : index
    %get3A_8 = arith.constant 0 : index
    %get3A_9 = vector.load %arg2[%get3A_7, %get3A_8] : memref<1000x128xf32, #tpu.memory_space<vmem>>, vector<1000x128xf32>
    %get3A_10 = arith.constant 0 : index
    %get3A_11 = arith.constant 0 : index
    %get3A_12 = vector.load %arg3[%get3A_10, %get3A_11] : memref<1000x128xf32, #tpu.memory_space<vmem>>, vector<1000x128xf32>
    %concatenate3A = tpu.concatenate %get3A_9, %get3A_12 in 1 : vector<1000x128xf32>, vector<1000x128xf32> -> vector<1000x256xf32>
    %div3A = vector.broadcast %max3A_6 : vector<1000x1xf32> to vector<1000x256xf32>
    %div3A_13 = arith.divf %concatenate3A, %div3A : vector<1000x256xf32>
    %get3A_14 = arith.constant 0 : index
    %get3A_15 = arith.constant 0 : index
    %get3A_16 = vector.load %arg10[%get3A_14, %get3A_15] : memref<1x1xf32, #tpu.memory_space<vmem>>, vector<1x1xf32>
    %get3A_17 = vector.extract %get3A_16[0, 0] : f32 from vector<1x1xf32>
    %add3A_18 = arith.constant 1.000000e+00 : f32
    %add3A_19 = arith.addf %add3A_18, %get3A_17 : f32
    %get3A_20 = arith.constant 0 : index
    %get3A_21 = arith.constant 0 : index
    %get3A_22 = vector.load %arg1[%get3A_20, %get3A_21] : memref<1000x256xf32, #tpu.memory_space<vmem>>, vector<1000x256xf32>
    %mul3A = vector.broadcast %add3A_19 : f32 to vector<1000x256xf32>
    %mul3A_23 = arith.mulf %mul3A, %get3A_22 : vector<1000x256xf32>
    %add3A_24 = arith.addf %mul3A_23, %div3A_13 : vector<1000x256xf32>
    %get3A_25 = arith.constant 0 : index
    %get3A_26 = arith.constant 0 : index
    %get3A_27 = vector.load %arg6[%get3A_25, %get3A_26] : memref<256x256xf32, #tpu.memory_space<vmem>>, vector<256x256xf32>
    %dot_general3A = arith.constant dense<0.000000e+00> : vector<1000x256xf32>
    %dot_general3A_28 = tpu.matmul %add3A_24, %get3A_27, %dot_general3A {dimension_numbers = #tpu.dot_dimension_numbers<[1], [0], [0], [1], [0, 0, 1, 1], [], []>, transpose_lhs_hint = false} : vector<1000x256xf32>, vector<256x256xf32>, vector<1000x256xf32> -> vector<1000x256xf32>
    %get3A_29 = arith.constant 0 : index
    %get3A_30 = arith.constant 0 : index
    %get3A_31 = vector.load %arg7[%get3A_29, %get3A_30] : memref<1x256xf32, #tpu.memory_space<vmem>>, vector<1x256xf32>
    %add3A_32 = vector.broadcast %get3A_31 : vector<1x256xf32> to vector<1000x256xf32>
    %add3A_33 = arith.addf %dot_general3A_28, %add3A_32 : vector<1000x256xf32>
    %max3A_34 = arith.constant 0.000000e+00 : f32
    %max3A_35 = vector.broadcast %max3A_34 : f32 to vector<1000x256xf32>
    %max3A_36 = arith.maximumf %add3A_33, %max3A_35 : vector<1000x256xf32>
    %get3A_37 = arith.constant 0 : index
    %get3A_38 = arith.constant 0 : index
    %get3A_39 = vector.load %arg8[%get3A_37, %get3A_38] : memref<256x256xf32, #tpu.memory_space<vmem>>, vector<256x256xf32>
    %dot_general3A_40 = arith.constant dense<0.000000e+00> : vector<1000x256xf32>
    %dot_general3A_41 = tpu.matmul %max3A_36, %get3A_39, %dot_general3A_40 {dimension_numbers = #tpu.dot_dimension_numbers<[1], [0], [0], [1], [0, 0, 1, 1], [], []>, transpose_lhs_hint = false} : vector<1000x256xf32>, vector<256x256xf32>, vector<1000x256xf32> -> vector<1000x256xf32>
    %get3A_42 = arith.constant 0 : index
    %get3A_43 = arith.constant 0 : index
    %get3A_44 = vector.load %arg9[%get3A_42, %get3A_43] : memref<1x256xf32, #tpu.memory_space<vmem>>, vector<1x256xf32>
    %add3A_45 = vector.broadcast %get3A_44 : vector<1x256xf32> to vector<1000x256xf32>
    %add3A_46 = arith.addf %dot_general3A_41, %add3A_45 : vector<1000x256xf32>
    %swap3A = arith.constant 0 : index
    %swap3A_47 = arith.constant 0 : index
    %swap3A_48 = vector.load %arg11[%swap3A, %swap3A_47] : memref<1000x256xf32, #tpu.memory_space<vmem>>, vector<1000x256xf32>
    tpu.vector_store %arg11[%swap3A, %swap3A_47], %add3A_46 {strides = array<i32>} : memref<1000x256xf32, #tpu.memory_space<vmem>>, vector<1000x256xf32>,
    return
  }
  func.func @transform_0(%arg0: i32) -> (i32, i32) {
    %c0_i32 = arith.constant 0 : i32
    %c0_i32_0 = arith.constant 0 : i32
    return %arg0, %c0_i32 : i32, i32
  }
  func.func @transform_1(%arg0: i32) -> (i32, i32) {
    %c0_i32 = arith.constant 0 : i32
    %c0_i32_0 = arith.constant 0 : i32
    return %arg0, %c0_i32 : i32, i32
  }
  func.func @transform_2(%arg0: i32) -> (i32, i32) {
    %c0_i32 = arith.constant 0 : i32
    %c0_i32_0 = arith.constant 0 : i32
    return %arg0, %c0_i32 : i32, i32
  }
  func.func @transform_3(%arg0: i32) -> (i32, i32) {
    %c0_i32 = arith.constant 0 : i32
    %c0_i32_0 = arith.constant 0 : i32
    return %arg0, %c0_i32 : i32, i32
  }
  func.func @transform_4(%arg0: i32) -> (i32, i32) {
    %c0_i32 = arith.constant 0 : i32
    %c0_i32_0 = arith.constant 0 : i32
    return %arg0, %c0_i32 : i32, i32
  }
  func.func @transform_5(%arg0: i32) -> (i32, i32) {
    %c0_i32 = arith.constant 0 : i32
    %c0_i32_0 = arith.constant 0 : i32
    %c0_i32_1 = arith.constant 0 : i32
    return %c0_i32, %c0_i32_0 : i32, i32
  }
  func.func @transform_6(%arg0: i32) -> (i32, i32) {
    %c0_i32 = arith.constant 0 : i32
    %c0_i32_0 = arith.constant 0 : i32
    %c0_i32_1 = arith.constant 0 : i32
    return %c0_i32, %c0_i32_0 : i32, i32
  }
  func.func @transform_7(%arg0: i32) -> (i32, i32) {
    %c0_i32 = arith.constant 0 : i32
    %c0_i32_0 = arith.constant 0 : i32
    %c0_i32_1 = arith.constant 0 : i32
    return %c0_i32, %c0_i32_0 : i32, i32
  }
  func.func @transform_8(%arg0: i32) -> (i32, i32) {
    %c0_i32 = arith.constant 0 : i32
    %c0_i32_0 = arith.constant 0 : i32
    %c0_i32_1 = arith.constant 0 : i32
    return %c0_i32, %c0_i32_0 : i32, i32
  }
  func.func @transform_9(%arg0: i32) -> (i32, i32) {
    %c0_i32 = arith.constant 0 : i32
    %c0_i32_0 = arith.constant 0 : i32
    %c0_i32_1 = arith.constant 0 : i32
    return %c0_i32, %c0_i32_0 : i32, i32
  }
  func.func @transform_10(%arg0: i32) -> (i32, i32) {
    %c0_i32 = arith.constant 0 : i32
    %c0_i32_0 = arith.constant 0 : i32
    return %arg0, %c0_i32 : i32, i32
  }
}

</mosaic_0001>

<sc_bundles>
// kernel: kernel.5.cloned.1.call-start
scs
__scs_entry_jumppad:
0x0: {  	(pc) =	sbr.rel $0x88, $3  }
0x1: {  	(tag) =	ssettag $0x0;
	lr =	simm.s32 $0x1  }
0x2: {  	[smem:$0x3F98] =	sst lr;
	_ =	strace $0xD0000000  }
0x3: {  	_ = 	snop  }
0x4: {  	_ = 	snop  }
0x5: {  	_ = 	snop  }
0x6: {  	_ = 	snop  }
0x7: {  	_ = 	snop  }
__scs_overlays_trampoline_lowered:
0x8: {  	[smem:$0x3FA7] =	sst s0  }
0x9: {  	[smem:$0x3FA8] =	sst s1  }
0xa: {  	[smem:$0x3FA9] =	sst s2  }
0xb: {  	[smem:$0x3FAA] =	sst s3  }
0xc: {  	[smem:$0x3FAB] =	sst s4  }
0xd: {  	[smem:$0x3FAC] =	sst s5  }
0xe: {  	[smem:$0x3FAD] =	sst s6  }
0xf: {  	[smem:$0x3FAE] =	sst s7  }
0x10: {  	[smem:$0x3FAF] =	sst s8  }
0x11: {  	[smem:$0x3FB0] =	sst s9;
	s0 =	simm.s32 @!p0 $0x0  }
0x12: {  	s1 =	sld [smem:$0x3F96];
	s0 =	simm.s32 @p0 $0x1  }
0x13: {  	[smem:$0x3FB1] =	sst s0;
	s0 =	simm.s32 @!p1 $0x0  }
0x14: {  	s2 =	sld [smem:$0x3F95];
	s0 =	simm.s32 @p1 $0x1  }
0x15: {  	[smem:$0x3FB2] =	sst s0;
	s0 =	simm.s32 @!p2 $0x0  }
0x16: {  	s3 =	sld [smem:$0x3FDB];
	s0 =	simm.s32 @p2 $0x1  }
0x17: {  	s4 =	simm.s32 $0x1BF5;
	[smem:$0x3FB4] =	sst s0  }
0x18: {  	s0 =	sld [smem:$0x3F97];
	_ =	swait.ge [sflag:s4], $0x0  }
0x19: {  	s7 =	sld [smem:$0x3F98]  }
0x1a: {  	s8 =	sadd.s32 $0xFFFFE003, lr  }
0x1b: {  	s9 =	sadd.s32 $0xFFFFFEF7, lr;
	s5 =	simm.s32 $0xFFFFFFFF;
	p2 =	slt.u32 s8, $0xFFFFF086  }
0x1c: {  	p1 =	slt.u32 s9, $0xF7A;
	s5 =	simm.s32 @!p2 $0x0  }
0x1d: {  	s5 =	simm.s32 @p1 $0x1;
	p0 =	seq.s32 s7, s2  }
0x1e: {  	s7 =	smul.u32 @!p0 $0xF7A, s2;
	p2 =	seq.s32 @!p0 s5, $0x0  }
0x1f: {  	s9 =	smul.u32 $0xF7A, s1;
	s8 =	simm.s32 @!p0 $0x1BF5;
	p2 =	por !p2, p0  }
0x20: {  	[sflag:s8] =	ssyncset.s32 @!p0 $0xFFFFF086;
	s6 =	sadd.s32 @!p0 s3, s7;
	s7 =	simm.s32 @!p0 $0x108  }
0x21: {  	s3 =	sadd.s32 s3, s9;
	s6 =	sadd.s32 @!p0 $0x88, s6;
	s7 =	simm.s32 @p2 $0x1082  }
0x22: {  	[simem:s7], [sflag:s8] =	dma.local @!p0 [hbm:s6], $0xF7A  }
0x23: {  	s9 =	sor.u32 $0xD0000000, s2;
	s6 =	simm.s32 $0x108;
	_ =	swait.ge @!p0 [sflag:s8], $0x0  }
0x24: {  	s3 =	sadd.s32 $0x88, s3;
	s6 =	simm.s32 @!p1 $0x1082;
	[sflag:s4] =	ssyncset.s32 $0xFFFFF086  }
0x25: {  	[simem:s6], [sflag:s4] =	dma.local [hbm:s3], $0xF7A  }
0x26: {  	[smem:$0x3F98] =	sst s1;
	(tag) =	ssettag s2;
	_ =	strace s9  }
0x27: {  	s1 =	sld [smem:$0x3FA8]  }
0x28: {  	s2 =	sld [smem:$0x3FA9]  }
0x29: {  	s4 =	sld [smem:$0x3FAB]  }
0x2a: {  	p0 =	seq.s32 s5, $0x0;
	s5 =	sld [smem:$0x3FAC]  }
0x2b: {  	s6 =	sld [smem:$0x3FAD]  }
0x2c: {  	s7 =	sld [smem:$0x3FAE]  }
0x2d: {  	s3 =	simm.s32 $0x108;
	s8 =	sld [smem:$0x3FAF]  }
0x2e: {  	s3 =	simm.s32 @!p0 $0x1082;
	s9 =	sld [smem:$0x3FB0]  }
0x2f: {  	lr =	sadd.s32 s0, s3;
	s0 =	sld [smem:$0x3FA7]  }
0x30: {  	s3 =	sld [smem:$0x3FAA]  }
0x31: {  	[smem:$0x3FB3] =	sst s10  }
0x32: {  	s10 =	sld [smem:$0x3FB1];
	_ =	sdelay $0x3  }
0x33: {  	p0 =	seq.s32 s10, $0x1;
	s10 =	sld [smem:$0x3FB3];
	_ =	sdelay $0x3  }
0x34: {  	[smem:$0x3FB3] =	sst s10  }
0x35: {  	s10 =	sld [smem:$0x3FB2];
	_ =	sdelay $0x3  }
0x36: {  	p1 =	seq.s32 s10, $0x1;
	s10 =	sld [smem:$0x3FB3];
	_ =	sdelay $0x3  }
0x37: {  	[smem:$0x3FB3] =	sst s10  }
0x38: {  	s10 =	sld [smem:$0x3FB4]  }
0x39: {  	_ = 	snop;
	(pc) =	sbr.ind lr, $3  }
0x3a: {  	_ = 	snop  }
0x3b: {  	_ = 	snop  }
0x3c: {  	p2 =	seq.s32 s10, $0x1;
	s10 =	sld [smem:$0x3FB3]  }
0x3d: {  	_ =	shalt  }
0x3e: {  	_ =	shalt  }
0x3f: {  	_ =	shalt  }
0x40: {  	_ =	shalt  }
0x41: {  	_ =	shalt  }
0x42: {  	_ =	shalt  }
0x43: {  	_ =	shalt  }
0x44: {  	_ =	shalt  }
0x45: {  	_ =	shalt  }
0x46: {  	_ =	shalt  }
0x47: {  	_ =	shalt  }
0x48: {  	_ =	shalt  }
0x49: {  	_ =	shalt  }
0x4a: {  	_ =	shalt  }
0x4b: {  	_ =	shalt  }
0x4c: {  	_ =	shalt  }
0x4d: {  	_ =	shalt  }
0x4e: {  	_ =	shalt  }
0x4f: {  	_ =	shalt  }
0x50: {  	_ =	shalt  }
0x51: {  	_ =	shalt  }
0x52: {  	_ =	shalt  }
0x53: {  	_ =	shalt  }
0x54: {  	_ =	shalt  }
0x55: {  	_ =	shalt  }
0x56: {  	_ =	shalt  }
0x57: {  	_ =	shalt  }
0x58: {  	_ =	shalt  }
0x59: {  	_ =	shalt  }
0x5a: {  	_ =	shalt  }
0x5b: {  	_ =	shalt  }
0x5c: {  	_ =	shalt  }
0x5d: {  	_ =	shalt  }
0x5e: {  	_ =	shalt  }
0x5f: {  	_ =	shalt  }
0x60: {  	_ =	shalt  }
0x61: {  	_ =	shalt  }
0x62: {  	_ =	shalt  }
0x63: {  	_ =	shalt  }
0x64: {  	_ =	shalt  }
0x65: {  	_ =	shalt  }
0x66: {  	_ =	shalt  }
0x67: {  	_ =	shalt  }
0x68: {  	_ =	shalt  }
0x69: {  	_ =	shalt  }
0x6a: {  	_ =	shalt  }
0x6b: {  	_ =	shalt  }
0x6c: {  	_ =	shalt  }
0x6d: {  	_ =	shalt  }
0x6e: {  	_ =	shalt  }
0x6f: {  	_ =	shalt  }
0x70: {  	_ =	shalt  }
0x71: {  	_ =	shalt  }
0x72: {  	_ =	shalt  }
0x73: {  	_ =	shalt  }
0x74: {  	_ =	shalt  }
0x75: {  	_ =	shalt  }
0x76: {  	_ =	shalt  }
0x77: {  	_ =	shalt  }
0x78: {  	_ =	shalt  }
0x79: {  	_ =	shalt  }
0x7a: {  	_ =	shalt  }
0x7b: {  	_ =	shalt  }
0x7c: {  	_ =	shalt  }
0x7d: {  	_ =	shalt  }
0x7e: {  	_ =	shalt  }
0x7f: {  	_ =	shalt  }
0x80: {  	_ =	shalt  }
0x81: {  	_ =	shalt  }
0x82: {  	_ =	shalt  }
0x83: {  	_ =	shalt  }
0x84: {  	_ =	shalt  }
0x85: {  	_ =	shalt  }
0x86: {  	_ =	shalt  }
0x87: {  	_ =	shalt  }
.Lfunc_end0:
.L_simem_size_0:
called_computation_lowered:
.L_overlay_start_0:
0x88: {  	s2 =	sld [smem:$0x3FD9]  }
0x89: {  	s3 =	sld [smem:$0x3FFE];
	_ =	sdelay $0x1  }
0x8a: {  	s1 =	srdreg.scid  }
0x8b: {  	s0 =	sand.u32 $0x1, s1  }
0x8c: {  	s14 =	sshll.u32 s0, $0xA;
	s2 =	sadd.s32 s3, s2  }
0x8d: {  	s2 =	sadd.s32 s2, s14  }
0x8e: {  	[smem:$0x3FBF] =	sst s2  }
0x8f: {  	_ = 	snop  }
0x90: {  	s2 =	sld [smem:$0x3FD0];
	_ =	sdelay $0x2  }
0x91: {  	s15 =	simm.s32 $0xB;
	s4 =	simm.s32 $0x10  }
0x92: {  	[smem:s4], [sflag:s15] =	dma.local [hbm:s2], $0x1  }
0x93: {  	_ =	swait.eq [sflag:s15], $0x1  }
0x94: {  	[sflag:s15] =	ssyncset.done $0x0  }
0x95: {  	s16 =	sld [smem:$0x10];
	[sflag:s15] =	ssyncadd.s32 $0xFFFFFFFF  }
0x96: {  	s17 =	sld [smem:$0x12];
	(tm) =	ssettm $0x1  }
0x97: {  	s18 =	sld [smem:$0x3FFB];
	_ =	sdelay $0x3  }
0x98: {  	_ =	strace s18  }
0x99: {  	s4 =	sld [smem:$0x3FFC];
	_ =	sdelay $0x3  }
0x9a: {  	_ =	strace s4  }
0x9b: {  	s4 =	sld [smem:$0x3FFD];
	_ =	sdelay $0x3  }
0x9c: {  	_ =	strace s4  }
0x9d: {  	_ =	strace $0x8FFFFFFF  }
0x9e: {  	s19 =	sld [smem:$0x3FDB];
	_ =	sdelay $0x1  }
0x9f: {  	s5 =	simm.s32 $_scs_section_size  }
0xa0: {  	s6 =	simm.s32 $_size__tile_overlayer_lowered;
	s7 =	simm.s32 $_tile_overlayer_lowered  }
0xa1: {  	s22 =	simm.s32 $0x1BFF;
	s21 =	sshll.u32 s7, $0x1;
	s4 =	sadd.s32 s5, s19  }
0xa2: {  	s8 =	simm.s32 $0x0;
	s20 =	sshll.u32 s6, $0x1;
	s6 =	sadd.s32 s21, s4  }
0xa3: {  	[timem:s8], [sflag:s22] =	dma.local [hbm:s6], s20  }
0xa4: {  	_ =	swait.ge [sflag:s22], s20  }
0xa5: {  	s5 =	ssub.s32 $0x0, s20;
	[sflag:s22] =	ssyncset.done $0x0  }
0xa6: {  	[sflag:s22] =	ssyncadd.s32 s5;
	_ =	sdelay $0x1  }
0xa7: {  	s23 =	simm.s32 $0x1B8B  }
0xa8: {  	_ =	swait.ge [sflag:s23], $0x1  }
0xa9: {  	[sflag:s23] =	ssyncset.done $0x0  }
0xaa: {  	s25 =	simm.s32 $0x1B8E;
	s24 =	sld [smem:$0x3FFE];
	[sflag:s23] =	ssyncadd.s32 $0xFFFFFFFF  }
0xab: {  	s26 =	simm.s32 $execute0_lowered;
	[smem:$0x3FD2] =	sst s25  }
0xac: {  	s6 =	sshll.u32 s26, $0x1;
	_ =	strace $0x80000046;
	[dreg:$0x1] =	wrdreg $0xFFFFFFFF  }
0xad: {  	s28 =	simm.s32 $_size_execute0_lowered;
	s4 =	sadd.s32 s4, s6;
	[dreg:$0x0] =	wrdreg $0x0  }
0xae: {  	s6 =	sshll.u32 s28, $0x1;
	[dreg:$0x2] =	wrdreg s4  }
0xaf: {  	[dreg:$0x3] =	wrdreg s6  }
0xb0: {  	[dreg:$0x4] =	wrdreg $0xC0  }
0xb1: {  	_ =	task [dreg:s8], $0x5FFFF  }
0xb2: {  	[dreg:$0x1] =	wrdreg $0xFFFFFFFF  }
0xb3: {  	[dreg:$0x0] =	wrdreg $0x60  }
0xb4: {  	[dreg:$0x2] =	wrdreg s17  }
0xb5: {  	[dreg:$0x3] =	wrdreg s16  }
0xb6: {  	[dreg:$0x4] =	wrdreg s24  }
0xb7: {  	[dreg:$0x5] =	wrdreg $0xA8000  }
0xb8: {  	[dreg:$0x6] =	wrdreg $0x9  }
0xb9: {  	_ =	task.clear_ibuf [dreg:s8], $0x7FFFF;
	_ =	strace $0x90000046  }
0xba: {  	s29 =	simm.s32 $0x9;
	_ =	strace $0x80000048  }
0xbb: {  	_ =	swait.ge [sflag:s29], $0x1  }
0xbc: {  	[sflag:s29] =	ssyncadd.s32 $0xFFFFFFFF  }
0xbd: {  	_ =	strace $0x90000048  }
0xbe: {  	_ =	sfence  }
0xbf: {  	s30 =	sld [smem:$0x0];
	_ =	sdelay $0x2  }
0xc0: {  	s31 =	sshll.u32 s1, $0xD;
	s1 =	sshrl.u32 s1, $0x2  }
0xc1: {  	s3 =	sand.u32 $0x4000, s31;
	s1 =	sadd.s32 s1, s30  }
0xc2: {  	s0 =	sor.u32 s3, s0;
	s1 =	sshll.u32 s1, $0x11  }
0xc3: {  	s0 =	sor.u32 s1, s0  }
0xc4: {  	s0 =	sadd.s32 $0x8F2B, s0  }
0xc5: {  	[sflag:s0] =	ssyncadd.remote.s32 $0x1  }
0xc6: {  	_ =	sfence.sel $0xFFFF  }
0xc7: {  	[dreg:$0x0] =	wrdreg $0xFFFFFFFF;
	(pc) =	sbr.abs _section_cstart, $3  }
0xc8: {  	[dreg:$0x1] =	wrdreg $0xFFFFFFFF  }
0xc9: {  	_ =	task.clear_ibuf [dreg:s8], $0x2FFFF;
	_ =	strace $0x9FFFFFFF  }
0xca: {  	(tm) =	ssettm $0x7FFFFFFF  }
0xcb: {  	_ =	shalt  }
tec
execute0_lowered:
.L_overlay_start_1:
0x0: {  	(tag) =	ssettag $0x1  }
0x1: {  	s1 =	rddreg [dreg:$0x0]  }
0x2: {  	s10 =	rddreg [dreg:$0x1]  }
0x3: {  	s5 =	rddreg [dreg:$0x2]  }
0x4: {  	s3 =	rddreg [dreg:$0x3];
	s4 =	simm.s32 $0x0  }
0x5: {  	s2 =	stileid.u32;
	s6 =	srdreg.scid;
	s23 =	simm.s32 $0x80  }
0x6: {  	s24 =	simm.s32 $0x6800;
	s25 =	simm.s32 $0x1;
	s26 =	simm.s32 $0x2  }
0x7: {  	s28 =	simm.s32 $0x0;
	[smem:$0x7FF] =	sst s4;
	s8 =	smul.u32 $0x2800, s2  }
0x8: {  	s9 =	sand.u32 $0x1, s6;
	s12 =	smul.u32 $0x14000, s2;
	s18 =	sadd.s32 $0x6C00, s5  }
0x9: {  	_ =	strace $0x80000047;
	s7 =	ssub.s32 $0x2, s9;
	s11 =	smul.u32 $0x28000, s9  }
0xa: {  	s21 =	smul.u32 $0x140000, s9;
	s30 =	sshrl.u32 s8, $0x3;
	s31 =	sshrl.u32 s7, $0x1  }
0xb: {  	s14 =	sadd.s32 $0x4000, s12;
	s16 =	sadd.s32 $0x8000, s12;
	s17 =	sadd.s32 $0xC000, s12  }
0xc: {  	s20 =	sadd.s32 $0x10000, s12;
	s13 =	sadd.s32 s30, s5;
	s19 =	ssub.s32 s7, s31  }
0xd: {  	s5 =	sadd.s32 s12, s3;
	s6 =	sadd.s32 s14, s3;
	s7 =	sadd.s32 s16, s3  }
0xe: {  	s8 =	sadd.s32 s8, s11;
	s9 =	sadd.s32 s20, s3;
	s15 =	sadd.s32 s12, s21  }
0xf: {  	s14 =	sadd.s32 s21, s14;
	s16 =	sadd.s32 s21, s16;
	s20 =	sadd.s32 s21, s20  }
0x10: {  	s11 =	sshrl.u32 s8, $0x3;
	s8 =	sadd.s32 s17, s3;
	s15 =	sshrl.u32 s15, $0x3  }
0x11: {  	s22 =	sshrl.u32 s14, $0x3;
	s17 =	sadd.s32 s21, s17;
	s16 =	sshrl.u32 s16, $0x3  }
0x12: {  	s20 =	sshrl.u32 s20, $0x3;
	s19 =	smax.u32 s19, $0x1;
	s21 =	simm.s32 $0x3  }
0x13: {  	s10 =	sadd.s32 s10, s11;
	s11 =	sadd.s32 $0x1C00, s13;
	s13 =	sadd.s32 $0x1E80, s13  }
0x14: {  	s14 =	sadd.s32 s18, s15;
	s15 =	sadd.s32 s18, s22;
	s17 =	sshrl.u32 s17, $0x3  }
0x15: {  	s16 =	sadd.s32 s18, s16;
	s22 =	simm.s32 $0x1400;
	s12 =	sadd.s32 $0x280, s10  }
0x16: {  	v0 =	vimm.f32 $0.0e+00;
	s17 =	sadd.s32 s18, s17;
	s18 =	sadd.s32 s18, s20;
	s20 =	simm.s32 $0x2800  }
.LBB2_1:
0x17: {  	s29 =	simm.s32 $0x0;
	s30 =	simm.s32 $0x200  }
.LBB2_2:
0x18: {  	p0 =	sne.s32 s30, $0xFE00;
	[tilespmem:s29+$0x2870] =	vst v0  }
0x19: {  	[tilespmem:s29+$0x2800] =	vst v0  }
0x1a: {  	[tilespmem:s29+$0x2810] =	vst v0  }
.Ltmp0:
0x1b: {  	[tilespmem:s29+$0x2820] =	vst v0;
	(pc) =	sbr.rel @p0 .LBB2_2-.Ltmp0, $4  }
0x1c: {  	[tilespmem:s29+$0x2830] =	vst v0  }
0x1d: {  	[tilespmem:s29+$0x2840] =	vst v0  }
0x1e: {  	[tilespmem:s29+$0x2850] =	vst v0  }
0x1f: {  	[tilespmem:s29+$0x2860] =	vst v0;
	s29 =	sshra.s32 s30, $0x2;
	s30 =	sadd.s32 $0x200, s30  }
0x20: {  	[tilespmem:s29+$0x2870] =	vst v0  }
0x21: {  	[tilespmem:s29+$0x2800] =	vst v0  }
0x22: {  	[tilespmem:s29+$0x2810] =	vst v0  }
0x23: {  	[tilespmem:s29+$0x2820] =	vst v0  }
0x24: {  	[tilespmem:s29+$0x2830] =	vst v0  }
0x25: {  	[tilespmem:s29+$0x2840] =	vst v0  }
0x26: {  	[tilespmem:s29+$0x2850] =	vst v0  }
0x27: {  	[tilespmem:s29+$0x2860] =	vst v0  }
0x28: {  	[spmem:s5] =	stream.linear.scatter [tilespmem:s20], [sflag:$0x3], $0x4000, $0x38;
	[tilespmem:$0x1E800] =	vst v63  }
0x29: {  	_ =	swait.ge [sflag:s21], $0x4000  }
0x2a: {  	[sflag:s21] =	ssyncset.done $0x0  }
0x2b: {  	[sflag:s21] =	ssyncadd.s32 $0xFFFFC000  }
0x2c: {  	[spmem:s6] =	stream.linear.scatter [tilespmem:s20], [sflag:$0x3], $0x4000, $0x38;
	[tilespmem:$0x1E800] =	vst v63  }
0x2d: {  	_ =	swait.ge [sflag:s21], $0x4000  }
0x2e: {  	[sflag:s21] =	ssyncset.done $0x0  }
0x2f: {  	[sflag:s21] =	ssyncadd.s32 $0xFFFFC000  }
0x30: {  	[spmem:s7] =	stream.linear.scatter [tilespmem:s20], [sflag:$0x3], $0x4000, $0x38;
	[tilespmem:$0x1E800] =	vst v63  }
0x31: {  	_ =	swait.ge [sflag:s21], $0x4000  }
0x32: {  	[sflag:s21] =	ssyncset.done $0x0  }
0x33: {  	[sflag:s21] =	ssyncadd.s32 $0xFFFFC000  }
0x34: {  	[spmem:s8] =	stream.linear.scatter [tilespmem:s20], [sflag:$0x3], $0x4000, $0x38;
	[tilespmem:$0x1E800] =	vst v63  }
0x35: {  	_ =	swait.ge [sflag:s21], $0x4000  }
0x36: {  	[sflag:s21] =	ssyncset.done $0x0  }
0x37: {  	[sflag:s21] =	ssyncadd.s32 $0xFFFFC000  }
0x38: {  	[spmem:s9] =	stream.linear.scatter [tilespmem:s20], [sflag:$0x3], $0x4000, $0x38;
	[tilespmem:$0x1E800] =	vst v63  }
0x39: {  	_ =	swait.ge [sflag:s21], $0x4000  }
0x3a: {  	[sflag:s21] =	ssyncset.done $0x0  }
0x3b: {  	[sflag:s21] =	ssyncadd.s32 $0xFFFFC000  }
0x3c: {  	s29 =	simm.s32 $0x0;
	[bflag:$0x0] =	sbarrier.arrive $0xFFFF  }
0x3d: {  	[tilespmem:s29], [sflag:$0x3] =	stream.linear.gather [hbm4b:s10+s29], $0x1400, $0x38;
	[tilespmem:$0x1E800] =	vst v63  }
0x3e: {  	_ =	swait.ge [sflag:s21], $0x1400  }
0x3f: {  	[sflag:s21] =	ssyncset.done $0x0  }
0x40: {  	[sflag:s21] =	ssyncadd.s32 $0xFFFFEC00  }
0x41: {  	[tilespmem:s22], [sflag:$0x3] =	stream.linear.gather [hbm4b:s11+s29], $0x1400, $0x38;
	[tilespmem:$0x1E800] =	vst v63  }
0x42: {  	_ =	swait.ge [sflag:s21], $0x1400  }
0x43: {  	[sflag:s21] =	ssyncset.done $0x0  }
0x44: {  	s29 =	simm.s32 $0x0;
	[sflag:s21] =	ssyncadd.s32 $0xFFFFEC00  }
0x45: {  	[tilespmem:s20], [sflag:$0x1] =	stream.indirect.gather [hbm4b:s1+s23], $0x80, s29, s23, $0xb8;
	[tilespmem:$0x1E800] =	vst v63  }
0x46: {  	s29 =	simm.s32 $0x80  }
0x47: {  	[tilespmem:s24], [sflag:$0x1] =	stream.indirect.gather [hbm4b:s1+s23], $0x80, s29, s23, $0xb8;
	[tilespmem:$0x1E800] =	vst v63  }
0x48: {  	_ =	swait.ge [sflag:s25], $0x4000  }
0x49: {  	[sflag:s25] =	ssyncset.done $0x0  }
0x4a: {  	s29 =	simm.s32 $0x1400;
	[sflag:s25] =	ssyncadd.s32 $0xFFFFC000  }
0x4b: {  	[spmem:s3] =	stream.indirect.scatter.add.f32 [tilespmem:s20], [sflag:$0x2], $0x80, s29, s23, $0xb8;
	[tilespmem:$0x1E800] =	vst v63  }
0x4c: {  	_ =	swait.ge [sflag:s25], $0x4000  }
0x4d: {  	[sflag:s25] =	ssyncset.done $0x0  }
0x4e: {  	s29 =	simm.s32 $0x1480;
	[sflag:s25] =	ssyncadd.s32 $0xFFFFC000  }
0x4f: {  	[spmem:s3] =	stream.indirect.scatter.add.f32 [tilespmem:s24], [sflag:$0x2], $0x80, s29, s23, $0xb8;
	[tilespmem:$0x1E800] =	vst v63  }
0x50: {  	_ =	swait.ge [sflag:s26], $0x4000  }
0x51: {  	[sflag:s26] =	ssyncset.done $0x0  }
0x52: {  	[sflag:s26] =	ssyncadd.s32 $0xFFFFC000  }
0x53: {  	_ =	swait.ge [sflag:s26], $0x4000  }
0x54: {  	s30 =	simm.s32 $0x800;
	s29 =	simm.s32 $0x400;
	[sflag:s26] =	ssyncset.done $0x0  }
.LBB2_4:
0x55: {  	s31 =	sshra.s32 s29, $0x2  }
0x56: {  	[sflag:s26] =	ssyncadd.s32 $0xFFFFC000;
	s29 =	smov.u32 s30;
	s0 =	sadd.s32 $0x400, s30  }
0x57: {  	[tilespmem:s20], [sflag:$0x1] =	stream.indirect.gather [hbm4b:s1+s23], $0x80, s31, s23, $0xb8;
	[tilespmem:$0x1E800] =	vst v63  }
0x58: {  	p0 =	sne.s32 s30, $0x4C00;
	s30 =	sadd.s32 $0x80, s31  }
0x59: {  	[tilespmem:s24], [sflag:$0x1] =	stream.indirect.gather [hbm4b:s1+s23], $0x80, s30, s23, $0xb8;
	[tilespmem:$0x1E800] =	vst v63  }
0x5a: {  	_ =	swait.ge [sflag:s25], $0x4000  }
0x5b: {  	[sflag:s25] =	ssyncset.done $0x0  }
0x5c: {  	s30 =	sadd.s32 $0x1400, s31;
	[sflag:s25] =	ssyncadd.s32 $0xFFFFC000  }
0x5d: {  	[spmem:s3] =	stream.indirect.scatter.add.f32 [tilespmem:s20], [sflag:$0x2], $0x80, s30, s23, $0xb8;
	[tilespmem:$0x1E800] =	vst v63  }
0x5e: {  	_ =	swait.ge [sflag:s25], $0x4000  }
0x5f: {  	[sflag:s25] =	ssyncset.done $0x0  }
0x60: {  	s30 =	sadd.s32 $0x1480, s31;
	[sflag:s25] =	ssyncadd.s32 $0xFFFFC000  }
0x61: {  	[spmem:s3] =	stream.indirect.scatter.add.f32 [tilespmem:s24], [sflag:$0x2], $0x80, s30, s23, $0xb8;
	[tilespmem:$0x1E800] =	vst v63  }
.Ltmp1:
0x62: {  	_ =	swait.ge [sflag:s26], $0x4000;
	(pc) =	sbr.rel @p0 .LBB2_4-.Ltmp1, $4  }
0x63: {  	[sflag:s26] =	ssyncset.done $0x0  }
0x64: {  	[sflag:s26] =	ssyncadd.s32 $0xFFFFC000  }
0x65: {  	_ =	swait.ge [sflag:s26], $0x4000  }
0x66: {  	s30 =	smov.u32 s0;
	[sflag:s26] =	ssyncset.done $0x0  }
0x67: {  	s0 =	sshra.s32 s29, $0x2;
	[sflag:s26] =	ssyncadd.s32 $0xFFFFC000  }
0x68: {  	[tilespmem:s20], [sflag:$0x1] =	stream.indirect.gather [hbm4b:s1+s23], $0x80, s0, s23, $0xb8;
	[tilespmem:$0x1E800] =	vst v63  }
0x69: {  	s29 =	sadd.s32 $0x80, s0  }
0x6a: {  	[tilespmem:s24], [sflag:$0x1] =	stream.indirect.gather [hbm4b:s1+s23], $0x80, s29, s23, $0xb8;
	[tilespmem:$0x1E800] =	vst v63  }
0x6b: {  	_ =	swait.ge [sflag:s25], $0x4000  }
0x6c: {  	[sflag:s25] =	ssyncset.done $0x0  }
0x6d: {  	s29 =	sadd.s32 $0x1400, s0;
	[sflag:s25] =	ssyncadd.s32 $0xFFFFC000  }
0x6e: {  	[spmem:s3] =	stream.indirect.scatter.add.f32 [tilespmem:s20], [sflag:$0x2], $0x80, s29, s23, $0xb8;
	[tilespmem:$0x1E800] =	vst v63  }
0x6f: {  	_ =	swait.ge [sflag:s25], $0x4000  }
0x70: {  	[sflag:s25] =	ssyncset.done $0x0  }
0x71: {  	s0 =	sadd.s32 $0x1480, s0;
	[sflag:s25] =	ssyncadd.s32 $0xFFFFC000  }
0x72: {  	[spmem:s3] =	stream.indirect.scatter.add.f32 [tilespmem:s24], [sflag:$0x2], $0x80, s0, s23, $0xb8;
	[tilespmem:$0x1E800] =	vst v63  }
0x73: {  	_ =	swait.ge [sflag:s26], $0x4000  }
0x74: {  	[sflag:s26] =	ssyncset.done $0x0  }
0x75: {  	[sflag:s26] =	ssyncadd.s32 $0xFFFFC000  }
0x76: {  	_ =	swait.ge [sflag:s26], $0x4000  }
0x77: {  	[sflag:s26] =	ssyncset.done $0x0  }
0x78: {  	s31 =	simm.s32 $0x0;
	[sflag:s26] =	ssyncadd.s32 $0xFFFFC000  }
0x79: {  	[tilespmem:s31], [sflag:$0x3] =	stream.linear.gather [hbm4b:s12+s31], $0x1400, $0x38;
	[tilespmem:$0x1E800] =	vst v63  }
0x7a: {  	_ =	swait.ge [sflag:s21], $0x1400  }
0x7b: {  	[sflag:s21] =	ssyncset.done $0x0  }
0x7c: {  	[sflag:s21] =	ssyncadd.s32 $0xFFFFEC00  }
0x7d: {  	[tilespmem:s22], [sflag:$0x3] =	stream.linear.gather [hbm4b:s13+s31], $0x1400, $0x38;
	[tilespmem:$0x1E800] =	vst v63  }
0x7e: {  	_ =	swait.ge [sflag:s21], $0x1400  }
0x7f: {  	[sflag:s21] =	ssyncset.done $0x0  }
0x80: {  	s31 =	simm.s32 $0x0;
	[sflag:s21] =	ssyncadd.s32 $0xFFFFEC00  }
0x81: {  	[tilespmem:s20], [sflag:$0x1] =	stream.indirect.gather [hbm4b:s1+s23], $0x80, s31, s23, $0xb8;
	[tilespmem:$0x1E800] =	vst v63  }
0x82: {  	s31 =	simm.s32 $0x80  }
0x83: {  	[tilespmem:s24], [sflag:$0x1] =	stream.indirect.gather [hbm4b:s1+s23], $0x80, s31, s23, $0xb8;
	[tilespmem:$0x1E800] =	vst v63  }
0x84: {  	_ =	swait.ge [sflag:s25], $0x4000  }
0x85: {  	[sflag:s25] =	ssyncset.done $0x0  }
0x86: {  	s31 =	simm.s32 $0x1400;
	[sflag:s25] =	ssyncadd.s32 $0xFFFFC000  }
0x87: {  	[spmem:s3] =	stream.indirect.scatter.add.f32 [tilespmem:s20], [sflag:$0x2], $0x80, s31, s23, $0xb8;
	[tilespmem:$0x1E800] =	vst v63  }
0x88: {  	_ =	swait.ge [sflag:s25], $0x4000  }
0x89: {  	[sflag:s25] =	ssyncset.done $0x0  }
0x8a: {  	s31 =	simm.s32 $0x1480;
	[sflag:s25] =	ssyncadd.s32 $0xFFFFC000  }
0x8b: {  	[spmem:s3] =	stream.indirect.scatter.add.f32 [tilespmem:s24], [sflag:$0x2], $0x80, s31, s23, $0xb8;
	[tilespmem:$0x1E800] =	vst v63  }
0x8c: {  	_ =	swait.ge [sflag:s26], $0x4000  }
0x8d: {  	[sflag:s26] =	ssyncset.done $0x0  }
0x8e: {  	[sflag:s26] =	ssyncadd.s32 $0xFFFFC000  }
0x8f: {  	_ =	swait.ge [sflag:s26], $0x4000  }
0x90: {  	s30 =	simm.s32 $0x800;
	s29 =	simm.s32 $0x400;
	[sflag:s26] =	ssyncset.done $0x0  }
.LBB2_6:
0x91: {  	s0 =	sshra.s32 s29, $0x2  }
0x92: {  	[sflag:s26] =	ssyncadd.s32 $0xFFFFC000;
	s29 =	smov.u32 s30;
	s31 =	sadd.s32 $0x400, s30  }
0x93: {  	[tilespmem:s20], [sflag:$0x1] =	stream.indirect.gather [hbm4b:s1+s23], $0x80, s0, s23, $0xb8;
	[tilespmem:$0x1E800] =	vst v63  }
0x94: {  	p0 =	sne.s32 s30, $0x4C00;
	s30 =	sadd.s32 $0x80, s0  }
0x95: {  	[tilespmem:s24], [sflag:$0x1] =	stream.indirect.gather [hbm4b:s1+s23], $0x80, s30, s23, $0xb8;
	[tilespmem:$0x1E800] =	vst v63  }
0x96: {  	_ =	swait.ge [sflag:s25], $0x4000  }
0x97: {  	[sflag:s25] =	ssyncset.done $0x0  }
0x98: {  	s30 =	sadd.s32 $0x1400, s0;
	[sflag:s25] =	ssyncadd.s32 $0xFFFFC000  }
0x99: {  	[spmem:s3] =	stream.indirect.scatter.add.f32 [tilespmem:s20], [sflag:$0x2], $0x80, s30, s23, $0xb8;
	[tilespmem:$0x1E800] =	vst v63  }
0x9a: {  	_ =	swait.ge [sflag:s25], $0x4000  }
0x9b: {  	[sflag:s25] =	ssyncset.done $0x0  }
0x9c: {  	s0 =	sadd.s32 $0x1480, s0;
	[sflag:s25] =	ssyncadd.s32 $0xFFFFC000  }
0x9d: {  	[spmem:s3] =	stream.indirect.scatter.add.f32 [tilespmem:s24], [sflag:$0x2], $0x80, s0, s23, $0xb8;
	[tilespmem:$0x1E800] =	vst v63  }
.Ltmp2:
0x9e: {  	_ =	swait.ge [sflag:s26], $0x4000;
	(pc) =	sbr.rel @p0 .LBB2_6-.Ltmp2, $4  }
0x9f: {  	[sflag:s26] =	ssyncset.done $0x0  }
0xa0: {  	[sflag:s26] =	ssyncadd.s32 $0xFFFFC000  }
0xa1: {  	_ =	swait.ge [sflag:s26], $0x4000  }
0xa2: {  	s30 =	smov.u32 s31;
	[sflag:s26] =	ssyncset.done $0x0  }
0xa3: {  	s0 =	sshra.s32 s29, $0x2;
	[sflag:s26] =	ssyncadd.s32 $0xFFFFC000  }
0xa4: {  	[tilespmem:s20], [sflag:$0x1] =	stream.indirect.gather [hbm4b:s1+s23], $0x80, s0, s23, $0xb8;
	[tilespmem:$0x1E800] =	vst v63  }
0xa5: {  	s29 =	sadd.s32 $0x80, s0  }
0xa6: {  	[tilespmem:s24], [sflag:$0x1] =	stream.indirect.gather [hbm4b:s1+s23], $0x80, s29, s23, $0xb8;
	[tilespmem:$0x1E800] =	vst v63  }
0xa7: {  	_ =	swait.ge [sflag:s25], $0x4000  }
0xa8: {  	[sflag:s25] =	ssyncset.done $0x0  }
0xa9: {  	s31 =	sadd.s32 $0x1400, s0;
	[sflag:s25] =	ssyncadd.s32 $0xFFFFC000  }
0xaa: {  	[spmem:s3] =	stream.indirect.scatter.add.f32 [tilespmem:s20], [sflag:$0x2], $0x80, s31, s23, $0xb8;
	[tilespmem:$0x1E800] =	vst v63  }
0xab: {  	_ =	swait.ge [sflag:s25], $0x4000  }
0xac: {  	[sflag:s25] =	ssyncset.done $0x0  }
0xad: {  	s0 =	sadd.s32 $0x1480, s0;
	[sflag:s25] =	ssyncadd.s32 $0xFFFFC000  }
0xae: {  	[spmem:s3] =	stream.indirect.scatter.add.f32 [tilespmem:s24], [sflag:$0x2], $0x80, s0, s23, $0xb8;
	[tilespmem:$0x1E800] =	vst v63  }
0xaf: {  	_ =	swait.ge [sflag:s26], $0x4000  }
0xb0: {  	[sflag:s26] =	ssyncset.done $0x0  }
0xb1: {  	[sflag:s26] =	ssyncadd.s32 $0xFFFFC000  }
0xb2: {  	_ =	swait.ge [sflag:s26], $0x4000  }
0xb3: {  	[sflag:s26] =	ssyncset.done $0x0  }
0xb4: {  	[sflag:s26] =	ssyncadd.s32 $0xFFFFC000  }
0xb5: {  	[bflag:$0x0] =	sbarrier.arrive $0xFFFF  }
0xb6: {  	[tilespmem:s20], [sflag:$0x3] =	stream.linear.gather [spmem:s5], $0x4000, $0x38;
	[tilespmem:$0x1E800] =	vst v63  }
0xb7: {  	_ =	swait.ge [sflag:s21], $0x4000  }
0xb8: {  	[sflag:s21] =	ssyncset.done $0x0  }
0xb9: {  	[sflag:s21] =	ssyncadd.s32 $0xFFFFC000  }
0xba: {  	[hbm4b:s14+s4] =	stream.linear.scatter [tilespmem:s20], [sflag:$0x3], $0x4000, $0x38;
	[tilespmem:$0x1E800] =	vst v63  }
0xbb: {  	_ =	swait.ge [sflag:s21], $0x4000  }
0xbc: {  	[sflag:s21] =	ssyncset.done $0x0  }
0xbd: {  	[sflag:s21] =	ssyncadd.s32 $0xFFFFC000  }
0xbe: {  	[tilespmem:s20], [sflag:$0x3] =	stream.linear.gather [spmem:s6], $0x4000, $0x38;
	[tilespmem:$0x1E800] =	vst v63  }
0xbf: {  	_ =	swait.ge [sflag:s21], $0x4000  }
0xc0: {  	[sflag:s21] =	ssyncset.done $0x0  }
0xc1: {  	[sflag:s21] =	ssyncadd.s32 $0xFFFFC000  }
0xc2: {  	[hbm4b:s15+s4] =	stream.linear.scatter [tilespmem:s20], [sflag:$0x3], $0x4000, $0x38;
	[tilespmem:$0x1E800] =	vst v63  }
0xc3: {  	_ =	swait.ge [sflag:s21], $0x4000  }
0xc4: {  	[sflag:s21] =	ssyncset.done $0x0  }
0xc5: {  	[sflag:s21] =	ssyncadd.s32 $0xFFFFC000  }
0xc6: {  	[tilespmem:s20], [sflag:$0x3] =	stream.linear.gather [spmem:s7], $0x4000, $0x38;
	[tilespmem:$0x1E800] =	vst v63  }
0xc7: {  	_ =	swait.ge [sflag:s21], $0x4000  }
0xc8: {  	[sflag:s21] =	ssyncset.done $0x0  }
0xc9: {  	[sflag:s21] =	ssyncadd.s32 $0xFFFFC000  }
0xca: {  	[hbm4b:s16+s4] =	stream.linear.scatter [tilespmem:s20], [sflag:$0x3], $0x4000, $0x38;
	[tilespmem:$0x1E800] =	vst v63  }
0xcb: {  	_ =	swait.ge [sflag:s21], $0x4000  }
0xcc: {  	[sflag:s21] =	ssyncset.done $0x0  }
0xcd: {  	[sflag:s21] =	ssyncadd.s32 $0xFFFFC000  }
0xce: {  	[tilespmem:s20], [sflag:$0x3] =	stream.linear.gather [spmem:s8], $0x4000, $0x38;
	[tilespmem:$0x1E800] =	vst v63  }
0xcf: {  	_ =	swait.ge [sflag:s21], $0x4000  }
0xd0: {  	[sflag:s21] =	ssyncset.done $0x0  }
0xd1: {  	[sflag:s21] =	ssyncadd.s32 $0xFFFFC000  }
0xd2: {  	[hbm4b:s17+s4] =	stream.linear.scatter [tilespmem:s20], [sflag:$0x3], $0x4000, $0x38;
	[tilespmem:$0x1E800] =	vst v63  }
0xd3: {  	_ =	swait.ge [sflag:s21], $0x4000  }
0xd4: {  	[sflag:s21] =	ssyncset.done $0x0  }
0xd5: {  	[sflag:s21] =	ssyncadd.s32 $0xFFFFC000  }
0xd6: {  	[tilespmem:s20], [sflag:$0x3] =	stream.linear.gather [spmem:s9], $0x4000, $0x38;
	[tilespmem:$0x1E800] =	vst v63  }
0xd7: {  	s28 =	sadd.s32 $0x1, s28;
	_ =	swait.ge [sflag:s21], $0x4000  }
0xd8: {  	p0 =	sne.s32 s28, s19;
	[sflag:s21] =	ssyncset.done $0x0  }
.Ltmp3:
0xd9: {  	[sflag:s21] =	ssyncadd.s32 $0xFFFFC000;
	(pc) =	sbr.rel @p0 .LBB2_1-.Ltmp3, $4  }
0xda: {  	[hbm4b:s18+s4] =	stream.linear.scatter [tilespmem:s20], [sflag:$0x3], $0x4000, $0x38;
	[tilespmem:$0x1E800] =	vst v63  }
0xdb: {  	_ =	swait.ge [sflag:s21], $0x4000  }
0xdc: {  	[sflag:s21] =	ssyncset.done $0x0  }
0xdd: {  	[sflag:s21] =	ssyncadd.s32 $0xFFFFC000  }
0xde: {  	_ =	sfence.sel $0x180000  }
0xdf: {  	[bflag:$0x0] =	sbarrier.arrive $0xFFFF  }
0xe0: {  	_ =	strace $0x90000047  }
0xe1: {  	[bflag:$0x2] =	sbarrier.arrive $0xFFFF  }
0xe2: {  	p0 =	sne.s32 s2, $0x0;
	s0 =	rddreg [dreg:$0x4]  }
0xe3: {  	s0 =	sadd.s32 @!p0 $0x100000, s0  }
0xe4: {  	[sflag:s0] =	ssyncadd.tile.s32 @!p0 $0x1;
	_ =	shalt  }
.Lfunc_end2:
_tile_overlayer_lowered:
.L_overlay_start_2:
0xe5: {  	(tag) =	ssettag $0x2  }
0xe6: {  	s0 =	rddreg [dreg:$0x0];
	s2 =	stileid.u32  }
0xe7: {  	s1 =	rddreg [dreg:$0x1];
	p0 =	sne.s32 s2, $0x0  }
0xe8: {  	s3 =	rddreg [dreg:$0x2];
	[bflag:$0x3] =	sbarrier.arrive $0xFFFF;
	s2 =	simm.s32 @!p0 $0x1C03  }
0xe9: {  	[timem:s3], [sflag:s2] =	dma.local @!p0 [hbm:s0], s1  }
0xea: {  	s0 =	simm.s32 @!p0 $0x3  }
0xeb: {  	_ =	swait.ge @!p0 [sflag:s0], s1  }
0xec: {  	s1 =	ssub.s32 @!p0 $0x0, s1;
	[sflag:s0] =	ssyncset.done @!p0 $0x0  }
0xed: {  	[sflag:s0] =	ssyncadd.s32 @!p0 s1  }
0xee: {  	[bflag:$0x3] =	sbarrier.arrive $0xFFFF  }
0xef: {  	_ =	shalt  }

// kernel: kernel.8.cloned.1.call-start
scs
__scs_entry_jumppad:
0x0: {  	(pc) =	sbr.rel $0x88, $3  }
0x1: {  	(tag) =	ssettag $0x0;
	lr =	simm.s32 $0x1  }
0x2: {  	[smem:$0x3F98] =	sst lr;
	_ =	strace $0xD0000000  }
0x3: {  	_ = 	snop  }
0x4: {  	_ = 	snop  }
0x5: {  	_ = 	snop  }
0x6: {  	_ = 	snop  }
0x7: {  	_ = 	snop  }
__scs_overlays_trampoline_lowered:
0x8: {  	[smem:$0x3FA7] =	sst s0  }
0x9: {  	[smem:$0x3FA8] =	sst s1  }
0xa: {  	[smem:$0x3FA9] =	sst s2  }
0xb: {  	[smem:$0x3FAA] =	sst s3  }
0xc: {  	[smem:$0x3FAB] =	sst s4  }
0xd: {  	[smem:$0x3FAC] =	sst s5  }
0xe: {  	[smem:$0x3FAD] =	sst s6  }
0xf: {  	[smem:$0x3FAE] =	sst s7  }
0x10: {  	[smem:$0x3FAF] =	sst s8  }
0x11: {  	[smem:$0x3FB0] =	sst s9;
	s0 =	simm.s32 @!p0 $0x0  }
0x12: {  	s1 =	sld [smem:$0x3F96];
	s0 =	simm.s32 @p0 $0x1  }
0x13: {  	[smem:$0x3FB1] =	sst s0;
	s0 =	simm.s32 @!p1 $0x0  }
0x14: {  	s2 =	sld [smem:$0x3F95];
	s0 =	simm.s32 @p1 $0x1  }
0x15: {  	[smem:$0x3FB2] =	sst s0;
	s0 =	simm.s32 @!p2 $0x0  }
0x16: {  	s3 =	sld [smem:$0x3FDB];
	s0 =	simm.s32 @p2 $0x1  }
0x17: {  	s4 =	simm.s32 $0x1BF5;
	[smem:$0x3FB4] =	sst s0  }
0x18: {  	s0 =	sld [smem:$0x3F97];
	_ =	swait.ge [sflag:s4], $0x0  }
0x19: {  	s7 =	sld [smem:$0x3F98]  }
0x1a: {  	s8 =	sadd.s32 $0xFFFFE003, lr  }
0x1b: {  	s9 =	sadd.s32 $0xFFFFFEF7, lr;
	s5 =	simm.s32 $0xFFFFFFFF;
	p2 =	slt.u32 s8, $0xFFFFF086  }
0x1c: {  	p1 =	slt.u32 s9, $0xF7A;
	s5 =	simm.s32 @!p2 $0x0  }
0x1d: {  	s5 =	simm.s32 @p1 $0x1;
	p0 =	seq.s32 s7, s2  }
0x1e: {  	s7 =	smul.u32 @!p0 $0xF7A, s2;
	p2 =	seq.s32 @!p0 s5, $0x0  }
0x1f: {  	s9 =	smul.u32 $0xF7A, s1;
	s8 =	simm.s32 @!p0 $0x1BF5;
	p2 =	por !p2, p0  }
0x20: {  	[sflag:s8] =	ssyncset.s32 @!p0 $0xFFFFF086;
	s6 =	sadd.s32 @!p0 s3, s7;
	s7 =	simm.s32 @!p0 $0x108  }
0x21: {  	s3 =	sadd.s32 s3, s9;
	s6 =	sadd.s32 @!p0 $0x88, s6;
	s7 =	simm.s32 @p2 $0x1082  }
0x22: {  	[simem:s7], [sflag:s8] =	dma.local @!p0 [hbm:s6], $0xF7A  }
0x23: {  	s9 =	sor.u32 $0xD0000000, s2;
	s6 =	simm.s32 $0x108;
	_ =	swait.ge @!p0 [sflag:s8], $0x0  }
0x24: {  	s3 =	sadd.s32 $0x88, s3;
	s6 =	simm.s32 @!p1 $0x1082;
	[sflag:s4] =	ssyncset.s32 $0xFFFFF086  }
0x25: {  	[simem:s6], [sflag:s4] =	dma.local [hbm:s3], $0xF7A  }
0x26: {  	[smem:$0x3F98] =	sst s1;
	(tag) =	ssettag s2;
	_ =	strace s9  }
0x27: {  	s1 =	sld [smem:$0x3FA8]  }
0x28: {  	s2 =	sld [smem:$0x3FA9]  }
0x29: {  	s4 =	sld [smem:$0x3FAB]  }
0x2a: {  	p0 =	seq.s32 s5, $0x0;
	s5 =	sld [smem:$0x3FAC]  }
0x2b: {  	s6 =	sld [smem:$0x3FAD]  }
0x2c: {  	s7 =	sld [smem:$0x3FAE]  }
0x2d: {  	s3 =	simm.s32 $0x108;
	s8 =	sld [smem:$0x3FAF]  }
0x2e: {  	s3 =	simm.s32 @!p0 $0x1082;
	s9 =	sld [smem:$0x3FB0]  }
0x2f: {  	lr =	sadd.s32 s0, s3;
	s0 =	sld [smem:$0x3FA7]  }
0x30: {  	s3 =	sld [smem:$0x3FAA]  }
0x31: {  	[smem:$0x3FB3] =	sst s10  }
0x32: {  	s10 =	sld [smem:$0x3FB1];
	_ =	sdelay $0x3  }
0x33: {  	p0 =	seq.s32 s10, $0x1;
	s10 =	sld [smem:$0x3FB3];
	_ =	sdelay $0x3  }
0x34: {  	[smem:$0x3FB3] =	sst s10  }
0x35: {  	s10 =	sld [smem:$0x3FB2];
	_ =	sdelay $0x3  }
0x36: {  	p1 =	seq.s32 s10, $0x1;
	s10 =	sld [smem:$0x3FB3];
	_ =	sdelay $0x3  }
0x37: {  	[smem:$0x3FB3] =	sst s10  }
0x38: {  	s10 =	sld [smem:$0x3FB4]  }
0x39: {  	_ = 	snop;
	(pc) =	sbr.ind lr, $3  }
0x3a: {  	_ = 	snop  }
0x3b: {  	_ = 	snop  }
0x3c: {  	p2 =	seq.s32 s10, $0x1;
	s10 =	sld [smem:$0x3FB3]  }
0x3d: {  	_ =	shalt  }
0x3e: {  	_ =	shalt  }
0x3f: {  	_ =	shalt  }
0x40: {  	_ =	shalt  }
0x41: {  	_ =	shalt  }
0x42: {  	_ =	shalt  }
0x43: {  	_ =	shalt  }
0x44: {  	_ =	shalt  }
0x45: {  	_ =	shalt  }
0x46: {  	_ =	shalt  }
0x47: {  	_ =	shalt  }
0x48: {  	_ =	shalt  }
0x49: {  	_ =	shalt  }
0x4a: {  	_ =	shalt  }
0x4b: {  	_ =	shalt  }
0x4c: {  	_ =	shalt  }
0x4d: {  	_ =	shalt  }
0x4e: {  	_ =	shalt  }
0x4f: {  	_ =	shalt  }
0x50: {  	_ =	shalt  }
0x51: {  	_ =	shalt  }
0x52: {  	_ =	shalt  }
0x53: {  	_ =	shalt  }
0x54: {  	_ =	shalt  }
0x55: {  	_ =	shalt  }
0x56: {  	_ =	shalt  }
0x57: {  	_ =	shalt  }
0x58: {  	_ =	shalt  }
0x59: {  	_ =	shalt  }
0x5a: {  	_ =	shalt  }
0x5b: {  	_ =	shalt  }
0x5c: {  	_ =	shalt  }
0x5d: {  	_ =	shalt  }
0x5e: {  	_ =	shalt  }
0x5f: {  	_ =	shalt  }
0x60: {  	_ =	shalt  }
0x61: {  	_ =	shalt  }
0x62: {  	_ =	shalt  }
0x63: {  	_ =	shalt  }
0x64: {  	_ =	shalt  }
0x65: {  	_ =	shalt  }
0x66: {  	_ =	shalt  }
0x67: {  	_ =	shalt  }
0x68: {  	_ =	shalt  }
0x69: {  	_ =	shalt  }
0x6a: {  	_ =	shalt  }
0x6b: {  	_ =	shalt  }
0x6c: {  	_ =	shalt  }
0x6d: {  	_ =	shalt  }
0x6e: {  	_ =	shalt  }
0x6f: {  	_ =	shalt  }
0x70: {  	_ =	shalt  }
0x71: {  	_ =	shalt  }
0x72: {  	_ =	shalt  }
0x73: {  	_ =	shalt  }
0x74: {  	_ =	shalt  }
0x75: {  	_ =	shalt  }
0x76: {  	_ =	shalt  }
0x77: {  	_ =	shalt  }
0x78: {  	_ =	shalt  }
0x79: {  	_ =	shalt  }
0x7a: {  	_ =	shalt  }
0x7b: {  	_ =	shalt  }
0x7c: {  	_ =	shalt  }
0x7d: {  	_ =	shalt  }
0x7e: {  	_ =	shalt  }
0x7f: {  	_ =	shalt  }
0x80: {  	_ =	shalt  }
0x81: {  	_ =	shalt  }
0x82: {  	_ =	shalt  }
0x83: {  	_ =	shalt  }
0x84: {  	_ =	shalt  }
0x85: {  	_ =	shalt  }
0x86: {  	_ =	shalt  }
0x87: {  	_ =	shalt  }
.Lfunc_end0:
.L_simem_size_0:
called_computation.1_lowered:
.L_overlay_start_0:
0x88: {  	s2 =	sld [smem:$0x3FD9]  }
0x89: {  	s3 =	sld [smem:$0x3FFE];
	_ =	sdelay $0x1  }
0x8a: {  	s1 =	srdreg.scid  }
0x8b: {  	s0 =	sand.u32 $0x1, s1  }
0x8c: {  	s17 =	sshll.u32 s0, $0xA;
	s2 =	sadd.s32 s3, s2  }
0x8d: {  	s2 =	sadd.s32 s2, s17  }
0x8e: {  	[smem:$0x3FBF] =	sst s2  }
0x8f: {  	_ = 	snop  }
0x90: {  	(tm) =	ssettm $0x1  }
0x91: {  	s18 =	sld [smem:$0x3FFB];
	_ =	sdelay $0x3  }
0x92: {  	_ =	strace s18  }
0x93: {  	s2 =	sld [smem:$0x3FFC];
	_ =	sdelay $0x3  }
0x94: {  	_ =	strace s2  }
0x95: {  	s2 =	sld [smem:$0x3FFD];
	_ =	sdelay $0x3  }
0x96: {  	_ =	strace s2  }
0x97: {  	_ =	strace $0x8FFFFFFF  }
0x98: {  	s19 =	sld [smem:$0x3FDB];
	_ =	sdelay $0x1  }
0x99: {  	s20 =	simm.s32 $_scs_section_size  }
0x9a: {  	s4 =	simm.s32 $_size__tile_overlayer_lowered;
	s5 =	simm.s32 $_tile_overlayer_lowered  }
0x9b: {  	s6 =	simm.s32 $0x1BFF;
	s21 =	sshll.u32 s5, $0x1;
	s3 =	sadd.s32 s20, s19  }
0x9c: {  	s22 =	simm.s32 $0x0;
	s4 =	sshll.u32 s4, $0x1;
	s5 =	sadd.s32 s21, s3  }
0x9d: {  	[timem:s22], [sflag:s6] =	dma.local [hbm:s5], s4  }
0x9e: {  	_ =	swait.ge [sflag:s6], s4  }
0x9f: {  	s4 =	ssub.s32 $0x0, s4;
	[sflag:s6] =	ssyncset.done $0x0  }
0xa0: {  	[sflag:s6] =	ssyncadd.s32 s4;
	_ =	sdelay $0x1  }
0xa1: {  	s23 =	simm.s32 $0x1B8B  }
0xa2: {  	_ =	swait.ge [sflag:s23], $0x1  }
0xa3: {  	[sflag:s23] =	ssyncset.done $0x0  }
0xa4: {  	[sflag:s23] =	ssyncadd.s32 $0xFFFFFFFF  }
0xa5: {  	s4 =	sld [smem:$0x0]  }
0xa6: {  	s5 =	sand.u32 $0xFFFFFFFE, s1  }
0xa7: {  	p0 =	sne.s32 s1, s5  }
0xa8: {  	s5 =	sshll.u32 @p0 s5, $0xE  }
0xa9: {  	s5 =	sadd.s32 @p0 $0x11B8D, s5;
	s6 =	sshll.u32 @p0 s4, $0x11  }
0xaa: {  	s5 =	sor.u32 @p0 s6, s5  }
0xab: {  	[sflag:s5] =	ssyncadd.remote.s32 @p0 $0x1;
	_ =	sdelay $0x1  }
0xac: {  	s5 =	simm.s32 @p0 $0x1B8D  }
0xad: {  	_ =	swait.eq @p0 [sflag:s5], $0x1  }
0xae: {  	[sflag:s5] =	ssyncadd.s32 @p0 $0xFFFFFFFF  }
0xaf: {  	s6 =	sshll.u32 @!p0 s1, $0xE  }
0xb0: {  	s6 =	sor.u32 @!p0 $0x4000, s6;
	s5 =	simm.s32 @!p0 $0x1B8D  }
0xb1: {  	s4 =	sshll.u32 @!p0 s4, $0x11;
	s6 =	sadd.s32 @!p0 $0x11B8D, s6;
	_ =	swait.eq @!p0 [sflag:s5], $0x1  }
0xb2: {  	s4 =	sor.u32 @!p0 s4, s6;
	[sflag:s5] =	ssyncadd.s32 @!p0 $0xFFFFFFFF  }
0xb3: {  	s25 =	simm.s32 $0x1B8E;
	s24 =	sld [smem:$0x3FFE];
	[sflag:s4] =	ssyncadd.remote.s32 @!p0 $0x1  }
0xb4: {  	s26 =	simm.s32 $execute0_lowered;
	[smem:$0x3FD2] =	sst s25  }
0xb5: {  	s5 =	sshll.u32 s26, $0x1;
	_ =	strace $0x80000049;
	[dreg:$0x1] =	wrdreg $0xFFFFFFFF  }
0xb6: {  	s28 =	simm.s32 $_size_execute0_lowered;
	s3 =	sadd.s32 s3, s5;
	[dreg:$0x0] =	wrdreg $0x0  }
0xb7: {  	s5 =	sshll.u32 s28, $0x1;
	[dreg:$0x2] =	wrdreg s3  }
0xb8: {  	[dreg:$0x3] =	wrdreg s5  }
0xb9: {  	[dreg:$0x4] =	wrdreg $0xC0  }
0xba: {  	_ =	task [dreg:s22], $0x5FFFF  }
0xbb: {  	[dreg:$0x1] =	wrdreg $0xFFFFFFFF  }
0xbc: {  	[dreg:$0x0] =	wrdreg $0x60  }
0xbd: {  	[dreg:$0x2] =	wrdreg s24  }
0xbe: {  	[dreg:$0x3] =	wrdreg $0x1C000  }
0xbf: {  	[dreg:$0x4] =	wrdreg $0xA  }
0xc0: {  	_ =	task.clear_ibuf [dreg:s22], $0x5FFFF;
	_ =	strace $0x90000049  }
0xc1: {  	s29 =	simm.s32 $0xA;
	_ =	strace $0x8000004B  }
0xc2: {  	_ =	swait.ge [sflag:s29], $0x1  }
0xc3: {  	[sflag:s29] =	ssyncadd.s32 $0xFFFFFFFF  }
0xc4: {  	_ =	strace $0x9000004B  }
0xc5: {  	_ =	sfence  }
0xc6: {  	s30 =	sld [smem:$0x0];
	_ =	sdelay $0x2  }
0xc7: {  	s31 =	sshll.u32 s1, $0xD;
	s1 =	sshrl.u32 s1, $0x2  }
0xc8: {  	s4 =	sand.u32 $0x4000, s31;
	s1 =	sadd.s32 s1, s30  }
0xc9: {  	s0 =	sor.u32 s4, s0;
	s1 =	sshll.u32 s1, $0x11  }
0xca: {  	s0 =	sor.u32 s1, s0  }
0xcb: {  	s0 =	sadd.s32 $0x8F2B, s0  }
0xcc: {  	[sflag:s0] =	ssyncadd.remote.s32 $0x1  }
0xcd: {  	_ =	sfence.sel $0xFFFF  }
0xce: {  	[dreg:$0x0] =	wrdreg $0xFFFFFFFF;
	(pc) =	sbr.abs _section_cstart, $3  }
0xcf: {  	[dreg:$0x1] =	wrdreg $0xFFFFFFFF  }
0xd0: {  	_ =	task.clear_ibuf [dreg:s22], $0x2FFFF;
	_ =	strace $0x9FFFFFFF  }
0xd1: {  	(tm) =	ssettm $0x7FFFFFFF  }
tec
execute0_lowered:
.L_overlay_start_1:
0x0: {  	(tag) =	ssettag $0x1  }
0x1: {  	s0 =	srdreg.scid;
	s1 =	rddreg [dreg:$0x0]  }
0x2: {  	s2 =	rddreg [dreg:$0x1];
	s7 =	stileid.u32;
	s3 =	simm.s32 $0x0  }
0x3: {  	s17 =	simm.s32 $0x1400;
	s18 =	simm.s32 $0x80;
	s25 =	simm.s32 $0x1  }
0x4: {  	s21 =	simm.s32 $0xF00;
	s22 =	simm.s32 $0xF80;
	s23 =	simm.s32 $0x1000  }
0x5: {  	s24 =	simm.s32 $0x1080;
	s28 =	simm.s32 $0x1180;
	s29 =	simm.s32 $0x1200  }
0x6: {  	s30 =	simm.s32 $0x1280;
	s31 =	simm.s32 $0x1300;
	s0 =	sand.u32 $0x1, s0  }
0x7: {  	[smem:$0x7FF] =	sst s3;
	s9 =	smul.u32 $0x2800, s7;
	s4 =	sshll.u32 s0, $0x4  }
0x8: {  	_ =	strace $0x8000004A;
	s5 =	ssub.s32 $0x2, s0;
	s0 =	smul.u32 $0x28000, s0  }
0x9: {  	s4 =	sor.u32 s7, s4;
	s6 =	sshrl.u32 s5, $0x1;
	s10 =	sadd.s32 $0x800, s9  }
0xa: {  	s12 =	sadd.s32 $0x1000, s9;
	s13 =	sadd.s32 $0x1800, s9;
	s14 =	sadd.s32 $0x2000, s9  }
0xb: {  	s4 =	smul.u32 $0x280, s4;
	s15 =	ssub.s32 s5, s6;
	s5 =	sadd.s32 s9, s2  }
0xc: {  	s6 =	sadd.s32 s10, s2;
	s7 =	sadd.s32 s12, s2;
	s8 =	sadd.s32 s13, s2  }
0xd: {  	s11 =	sadd.s32 s9, s0;
	s16 =	sadd.s32 s0, s10;
	s9 =	sadd.s32 s14, s2  }
0xe: {  	s12 =	sadd.s32 s0, s12;
	s13 =	sadd.s32 s0, s13;
	s0 =	sadd.s32 s0, s14  }
0xf: {  	s11 =	sshrl.u32 s11, $0x3;
	s26 =	sshrl.u32 s16, $0x3;
	s12 =	sshrl.u32 s12, $0x3  }
0x10: {  	s13 =	sshrl.u32 s13, $0x3;
	s0 =	sshrl.u32 s0, $0x3;
	s15 =	smax.u32 s15, $0x1  }
0x11: {  	s16 =	simm.s32 $0x2;
	s4 =	sadd.s32 s4, s1;
	s1 =	sadd.s32 $0x56C00, s1  }
0x12: {  	s4 =	sadd.s32 $0x1C00, s4;
	s10 =	sadd.s32 s1, s11;
	s11 =	sadd.s32 s1, s26  }
0x13: {  	s12 =	sadd.s32 s1, s12;
	s13 =	sadd.s32 s1, s13;
	s14 =	sadd.s32 s1, s0  }
0x14: {  	v0 =	vimm.f32 $0.0e+00;
	v1 =	vimm.f32 $1.000000000e+00;
	s26 =	simm.s32 $0x1100;
	s0 =	simm.s32 $0x1380;
	s1 =	simm.s32 $0x0  }
.LBB2_1:
0x15: {  	[tilespmem:s3], [sflag:$0x2] =	stream.linear.gather [hbm4b:s4+s3], $0x1400, $0x38;
	[tilespmem:$0x4400] =	vst v63  }
0x16: {  	_ =	swait.ge [sflag:s16], $0x1400  }
0x17: {  	[sflag:s16] =	ssyncset.done $0x0  }
0x18: {  	s19 =	simm.s32 $0x40;
	s20 =	simm.s32 $0x0;
	[sflag:s16] =	ssyncadd.s32 $0xFFFFEC00  }
.LBB2_2:
0x19: {  	p0 =	sne.s32 s19, $0x1FC0;
	[tilespmem:s20+$0x1400] =	vst v0;
	s20 =	smov.u32 s19;
	s19 =	sadd.s32 $0x40, s19  }
.Ltmp0:
0x1a: {  	(pc) =	sbr.rel @p0 .LBB2_2-.Ltmp0, $2  }
0x1b: {  	_ =	sdelay $0x2  }
0x1c: {  	s20 =	sshra.s32 s20, $0x2  }
0x1d: {  	[tilespmem:s20+$0x1400] =	vst v0  }
0x1e: {  	[spmem:s5] =	stream.linear.scatter [tilespmem:s17], [sflag:$0x2], $0x800, $0x38;
	[tilespmem:$0x4400] =	vst v63  }
0x1f: {  	_ =	swait.ge [sflag:s16], $0x800  }
0x20: {  	[sflag:s16] =	ssyncset.done $0x0  }
0x21: {  	[sflag:s16] =	ssyncadd.s32 $0xFFFFF800  }
0x22: {  	[spmem:s6] =	stream.linear.scatter [tilespmem:s17], [sflag:$0x2], $0x800, $0x38;
	[tilespmem:$0x4400] =	vst v63  }
0x23: {  	_ =	swait.ge [sflag:s16], $0x800  }
0x24: {  	[sflag:s16] =	ssyncset.done $0x0  }
0x25: {  	[sflag:s16] =	ssyncadd.s32 $0xFFFFF800  }
0x26: {  	[spmem:s7] =	stream.linear.scatter [tilespmem:s17], [sflag:$0x2], $0x800, $0x38;
	[tilespmem:$0x4400] =	vst v63  }
0x27: {  	_ =	swait.ge [sflag:s16], $0x800  }
0x28: {  	[sflag:s16] =	ssyncset.done $0x0  }
0x29: {  	[sflag:s16] =	ssyncadd.s32 $0xFFFFF800  }
0x2a: {  	[spmem:s8] =	stream.linear.scatter [tilespmem:s17], [sflag:$0x2], $0x800, $0x38;
	[tilespmem:$0x4400] =	vst v63  }
0x2b: {  	_ =	swait.ge [sflag:s16], $0x800  }
0x2c: {  	[sflag:s16] =	ssyncset.done $0x0  }
0x2d: {  	[sflag:s16] =	ssyncadd.s32 $0xFFFFF800  }
0x2e: {  	[spmem:s9] =	stream.linear.scatter [tilespmem:s17], [sflag:$0x2], $0x800, $0x38;
	[tilespmem:$0x4400] =	vst v63  }
0x2f: {  	_ =	swait.ge [sflag:s16], $0x800  }
0x30: {  	[sflag:s16] =	ssyncset.done $0x0  }
0x31: {  	s19 =	simm.s32 $0x40;
	s20 =	simm.s32 $0x0;
	[sflag:s16] =	ssyncadd.s32 $0xFFFFF800  }
.LBB2_4:
0x32: {  	p0 =	sne.s32 s19, $0x1FC0;
	[tilespmem:s20+$0x1400] =	vst v1;
	s20 =	smov.u32 s19;
	s19 =	sadd.s32 $0x40, s19  }
.Ltmp1:
0x33: {  	(pc) =	sbr.rel @p0 .LBB2_4-.Ltmp1, $2  }
0x34: {  	_ =	sdelay $0x2  }
0x35: {  	s20 =	sshra.s32 s20, $0x2  }
0x36: {  	[tilespmem:s20+$0x1400] =	vst v1  }
0x37: {  	[bflag:$0x0] =	sbarrier.arrive $0xFFFF  }
0x38: {  	[spmem:s2] =	stream.indirect.scatter.add.f32 [tilespmem:s17], [sflag:$0x1], $0x10, s3, s18, $0xb8;
	[tilespmem:$0x4400] =	vst v63  }
0x39: {  	_ = 	snop  }
0x3a: {  	[spmem:s2] =	stream.indirect.scatter.add.f32 [tilespmem:s17], [sflag:$0x1], $0x10, s18, s18, $0xb8;
	[tilespmem:$0x4400] =	vst v63  }
0x3b: {  	s19 =	simm.s32 $0x100  }
0x3c: {  	[spmem:s2] =	stream.indirect.scatter.add.f32 [tilespmem:s17], [sflag:$0x1], $0x10, s19, s18, $0xb8;
	[tilespmem:$0x4400] =	vst v63  }
0x3d: {  	s20 =	simm.s32 $0x180  }
0x3e: {  	[spmem:s2] =	stream.indirect.scatter.add.f32 [tilespmem:s17], [sflag:$0x1], $0x10, s20, s18, $0xb8;
	[tilespmem:$0x4400] =	vst v63  }
0x3f: {  	s20 =	simm.s32 $0x200  }
0x40: {  	[spmem:s2] =	stream.indirect.scatter.add.f32 [tilespmem:s17], [sflag:$0x1], $0x10, s20, s18, $0xb8;
	[tilespmem:$0x4400] =	vst v63  }
0x41: {  	s20 =	simm.s32 $0x280  }
0x42: {  	[spmem:s2] =	stream.indirect.scatter.add.f32 [tilespmem:s17], [sflag:$0x1], $0x10, s20, s18, $0xb8;
	[tilespmem:$0x4400] =	vst v63  }
0x43: {  	s20 =	simm.s32 $0x300  }
0x44: {  	[spmem:s2] =	stream.indirect.scatter.add.f32 [tilespmem:s17], [sflag:$0x1], $0x10, s20, s18, $0xb8;
	[tilespmem:$0x4400] =	vst v63  }
0x45: {  	s20 =	simm.s32 $0x380  }
0x46: {  	[spmem:s2] =	stream.indirect.scatter.add.f32 [tilespmem:s17], [sflag:$0x1], $0x10, s20, s18, $0xb8;
	[tilespmem:$0x4400] =	vst v63  }
0x47: {  	_ =	swait.ge [sflag:s25], $0x800  }
0x48: {  	[sflag:s25] =	ssyncset.done $0x0  }
0x49: {  	[sflag:s25] =	ssyncadd.s32 $0xFFFFF800  }
0x4a: {  	_ =	swait.ge [sflag:s25], $0x800  }
0x4b: {  	[sflag:s25] =	ssyncset.done $0x0  }
0x4c: {  	[sflag:s25] =	ssyncadd.s32 $0xFFFFF800  }
0x4d: {  	_ =	swait.ge [sflag:s25], $0x800  }
0x4e: {  	[sflag:s25] =	ssyncset.done $0x0  }
0x4f: {  	[sflag:s25] =	ssyncadd.s32 $0xFFFFF800  }
0x50: {  	_ =	swait.ge [sflag:s25], $0x800  }
0x51: {  	[sflag:s25] =	ssyncset.done $0x0  }
0x52: {  	[sflag:s25] =	ssyncadd.s32 $0xFFFFF800  }
0x53: {  	_ =	swait.ge [sflag:s25], $0x800  }
0x54: {  	[sflag:s25] =	ssyncset.done $0x0  }
0x55: {  	[sflag:s25] =	ssyncadd.s32 $0xFFFFF800  }
0x56: {  	_ =	swait.ge [sflag:s25], $0x800  }
0x57: {  	[sflag:s25] =	ssyncset.done $0x0  }
0x58: {  	[sflag:s25] =	ssyncadd.s32 $0xFFFFF800  }
0x59: {  	_ =	swait.ge [sflag:s25], $0x800  }
0x5a: {  	[sflag:s25] =	ssyncset.done $0x0  }
0x5b: {  	[sflag:s25] =	ssyncadd.s32 $0xFFFFF800  }
0x5c: {  	_ =	swait.ge [sflag:s25], $0x800  }
0x5d: {  	[sflag:s25] =	ssyncset.done $0x0  }
0x5e: {  	s20 =	simm.s32 $0x400;
	[sflag:s25] =	ssyncadd.s32 $0xFFFFF800  }
0x5f: {  	[spmem:s2] =	stream.indirect.scatter.add.f32 [tilespmem:s17], [sflag:$0x1], $0x10, s20, s18, $0xb8;
	[tilespmem:$0x4400] =	vst v63  }
0x60: {  	s20 =	simm.s32 $0x480  }
0x61: {  	[spmem:s2] =	stream.indirect.scatter.add.f32 [tilespmem:s17], [sflag:$0x1], $0x10, s20, s18, $0xb8;
	[tilespmem:$0x4400] =	vst v63  }
0x62: {  	s20 =	simm.s32 $0x500  }
0x63: {  	[spmem:s2] =	stream.indirect.scatter.add.f32 [tilespmem:s17], [sflag:$0x1], $0x10, s20, s18, $0xb8;
	[tilespmem:$0x4400] =	vst v63  }
0x64: {  	s20 =	simm.s32 $0x580  }
0x65: {  	[spmem:s2] =	stream.indirect.scatter.add.f32 [tilespmem:s17], [sflag:$0x1], $0x10, s20, s18, $0xb8;
	[tilespmem:$0x4400] =	vst v63  }
0x66: {  	s20 =	simm.s32 $0x600  }
0x67: {  	[spmem:s2] =	stream.indirect.scatter.add.f32 [tilespmem:s17], [sflag:$0x1], $0x10, s20, s18, $0xb8;
	[tilespmem:$0x4400] =	vst v63  }
0x68: {  	s20 =	simm.s32 $0x680  }
0x69: {  	[spmem:s2] =	stream.indirect.scatter.add.f32 [tilespmem:s17], [sflag:$0x1], $0x10, s20, s18, $0xb8;
	[tilespmem:$0x4400] =	vst v63  }
0x6a: {  	s20 =	simm.s32 $0x700  }
0x6b: {  	[spmem:s2] =	stream.indirect.scatter.add.f32 [tilespmem:s17], [sflag:$0x1], $0x10, s20, s18, $0xb8;
	[tilespmem:$0x4400] =	vst v63  }
0x6c: {  	s20 =	simm.s32 $0x780  }
0x6d: {  	[spmem:s2] =	stream.indirect.scatter.add.f32 [tilespmem:s17], [sflag:$0x1], $0x10, s20, s18, $0xb8;
	[tilespmem:$0x4400] =	vst v63  }
0x6e: {  	_ =	swait.ge [sflag:s25], $0x800  }
0x6f: {  	[sflag:s25] =	ssyncset.done $0x0  }
0x70: {  	[sflag:s25] =	ssyncadd.s32 $0xFFFFF800  }
0x71: {  	_ =	swait.ge [sflag:s25], $0x800  }
0x72: {  	[sflag:s25] =	ssyncset.done $0x0  }
0x73: {  	[sflag:s25] =	ssyncadd.s32 $0xFFFFF800  }
0x74: {  	_ =	swait.ge [sflag:s25], $0x800  }
0x75: {  	[sflag:s25] =	ssyncset.done $0x0  }
0x76: {  	[sflag:s25] =	ssyncadd.s32 $0xFFFFF800  }
0x77: {  	_ =	swait.ge [sflag:s25], $0x800  }
0x78: {  	[sflag:s25] =	ssyncset.done $0x0  }
0x79: {  	[sflag:s25] =	ssyncadd.s32 $0xFFFFF800  }
0x7a: {  	_ =	swait.ge [sflag:s25], $0x800  }
0x7b: {  	[sflag:s25] =	ssyncset.done $0x0  }
0x7c: {  	[sflag:s25] =	ssyncadd.s32 $0xFFFFF800  }
0x7d: {  	_ =	swait.ge [sflag:s25], $0x800  }
0x7e: {  	[sflag:s25] =	ssyncset.done $0x0  }
0x7f: {  	[sflag:s25] =	ssyncadd.s32 $0xFFFFF800  }
0x80: {  	_ =	swait.ge [sflag:s25], $0x800  }
0x81: {  	[sflag:s25] =	ssyncset.done $0x0  }
0x82: {  	[sflag:s25] =	ssyncadd.s32 $0xFFFFF800  }
0x83: {  	_ =	swait.ge [sflag:s25], $0x800  }
0x84: {  	[sflag:s25] =	ssyncset.done $0x0  }
0x85: {  	s20 =	simm.s32 $0x800;
	[sflag:s25] =	ssyncadd.s32 $0xFFFFF800  }
0x86: {  	[spmem:s2] =	stream.indirect.scatter.add.f32 [tilespmem:s17], [sflag:$0x1], $0x10, s20, s18, $0xb8;
	[tilespmem:$0x4400] =	vst v63  }
0x87: {  	s20 =	simm.s32 $0x880  }
0x88: {  	[spmem:s2] =	stream.indirect.scatter.add.f32 [tilespmem:s17], [sflag:$0x1], $0x10, s20, s18, $0xb8;
	[tilespmem:$0x4400] =	vst v63  }
0x89: {  	s20 =	simm.s32 $0x900  }
0x8a: {  	[spmem:s2] =	stream.indirect.scatter.add.f32 [tilespmem:s17], [sflag:$0x1], $0x10, s20, s18, $0xb8;
	[tilespmem:$0x4400] =	vst v63  }
0x8b: {  	s20 =	simm.s32 $0x980  }
0x8c: {  	[spmem:s2] =	stream.indirect.scatter.add.f32 [tilespmem:s17], [sflag:$0x1], $0x10, s20, s18, $0xb8;
	[tilespmem:$0x4400] =	vst v63  }
0x8d: {  	s20 =	simm.s32 $0xA00  }
0x8e: {  	[spmem:s2] =	stream.indirect.scatter.add.f32 [tilespmem:s17], [sflag:$0x1], $0x10, s20, s18, $0xb8;
	[tilespmem:$0x4400] =	vst v63  }
0x8f: {  	s20 =	simm.s32 $0xA80  }
0x90: {  	[spmem:s2] =	stream.indirect.scatter.add.f32 [tilespmem:s17], [sflag:$0x1], $0x10, s20, s18, $0xb8;
	[tilespmem:$0x4400] =	vst v63  }
0x91: {  	s20 =	simm.s32 $0xB00  }
0x92: {  	[spmem:s2] =	stream.indirect.scatter.add.f32 [tilespmem:s17], [sflag:$0x1], $0x10, s20, s18, $0xb8;
	[tilespmem:$0x4400] =	vst v63  }
0x93: {  	s20 =	simm.s32 $0xB80  }
0x94: {  	[spmem:s2] =	stream.indirect.scatter.add.f32 [tilespmem:s17], [sflag:$0x1], $0x10, s20, s18, $0xb8;
	[tilespmem:$0x4400] =	vst v63  }
0x95: {  	_ =	swait.ge [sflag:s25], $0x800  }
0x96: {  	[sflag:s25] =	ssyncset.done $0x0  }
0x97: {  	[sflag:s25] =	ssyncadd.s32 $0xFFFFF800  }
0x98: {  	_ =	swait.ge [sflag:s25], $0x800  }
0x99: {  	[sflag:s25] =	ssyncset.done $0x0  }
0x9a: {  	[sflag:s25] =	ssyncadd.s32 $0xFFFFF800  }
0x9b: {  	_ =	swait.ge [sflag:s25], $0x800  }
0x9c: {  	[sflag:s25] =	ssyncset.done $0x0  }
0x9d: {  	[sflag:s25] =	ssyncadd.s32 $0xFFFFF800  }
0x9e: {  	_ =	swait.ge [sflag:s25], $0x800  }
0x9f: {  	[sflag:s25] =	ssyncset.done $0x0  }
0xa0: {  	[sflag:s25] =	ssyncadd.s32 $0xFFFFF800  }
0xa1: {  	_ =	swait.ge [sflag:s25], $0x800  }
0xa2: {  	[sflag:s25] =	ssyncset.done $0x0  }
0xa3: {  	[sflag:s25] =	ssyncadd.s32 $0xFFFFF800  }
0xa4: {  	_ =	swait.ge [sflag:s25], $0x800  }
0xa5: {  	[sflag:s25] =	ssyncset.done $0x0  }
0xa6: {  	[sflag:s25] =	ssyncadd.s32 $0xFFFFF800  }
0xa7: {  	_ =	swait.ge [sflag:s25], $0x800  }
0xa8: {  	[sflag:s25] =	ssyncset.done $0x0  }
0xa9: {  	[sflag:s25] =	ssyncadd.s32 $0xFFFFF800  }
0xaa: {  	_ =	swait.ge [sflag:s25], $0x800  }
0xab: {  	[sflag:s25] =	ssyncset.done $0x0  }
0xac: {  	s20 =	simm.s32 $0xC00;
	[sflag:s25] =	ssyncadd.s32 $0xFFFFF800  }
0xad: {  	[spmem:s2] =	stream.indirect.scatter.add.f32 [tilespmem:s17], [sflag:$0x1], $0x10, s20, s18, $0xb8;
	[tilespmem:$0x4400] =	vst v63  }
0xae: {  	s20 =	simm.s32 $0xC80  }
0xaf: {  	[spmem:s2] =	stream.indirect.scatter.add.f32 [tilespmem:s17], [sflag:$0x1], $0x10, s20, s18, $0xb8;
	[tilespmem:$0x4400] =	vst v63  }
0xb0: {  	s20 =	simm.s32 $0xD00  }
0xb1: {  	[spmem:s2] =	stream.indirect.scatter.add.f32 [tilespmem:s17], [sflag:$0x1], $0x10, s20, s18, $0xb8;
	[tilespmem:$0x4400] =	vst v63  }
0xb2: {  	s20 =	simm.s32 $0xD80  }
0xb3: {  	[spmem:s2] =	stream.indirect.scatter.add.f32 [tilespmem:s17], [sflag:$0x1], $0x10, s20, s18, $0xb8;
	[tilespmem:$0x4400] =	vst v63  }
0xb4: {  	s20 =	simm.s32 $0xE00  }
0xb5: {  	[spmem:s2] =	stream.indirect.scatter.add.f32 [tilespmem:s17], [sflag:$0x1], $0x10, s20, s18, $0xb8;
	[tilespmem:$0x4400] =	vst v63  }
0xb6: {  	s20 =	simm.s32 $0xE80  }
0xb7: {  	[spmem:s2] =	stream.indirect.scatter.add.f32 [tilespmem:s17], [sflag:$0x1], $0x10, s20, s18, $0xb8;
	[tilespmem:$0x4400] =	vst v63  }
0xb8: {  	_ = 	snop  }
0xb9: {  	[spmem:s2] =	stream.indirect.scatter.add.f32 [tilespmem:s17], [sflag:$0x1], $0x10, s21, s18, $0xb8;
	[tilespmem:$0x4400] =	vst v63  }
0xba: {  	_ = 	snop  }
0xbb: {  	[spmem:s2] =	stream.indirect.scatter.add.f32 [tilespmem:s17], [sflag:$0x1], $0x10, s22, s18, $0xb8;
	[tilespmem:$0x4400] =	vst v63  }
0xbc: {  	_ =	swait.ge [sflag:s25], $0x800  }
0xbd: {  	[sflag:s25] =	ssyncset.done $0x0  }
0xbe: {  	[sflag:s25] =	ssyncadd.s32 $0xFFFFF800  }
0xbf: {  	_ =	swait.ge [sflag:s25], $0x800  }
0xc0: {  	[sflag:s25] =	ssyncset.done $0x0  }
0xc1: {  	[sflag:s25] =	ssyncadd.s32 $0xFFFFF800  }
0xc2: {  	_ =	swait.ge [sflag:s25], $0x800  }
0xc3: {  	[sflag:s25] =	ssyncset.done $0x0  }
0xc4: {  	[sflag:s25] =	ssyncadd.s32 $0xFFFFF800  }
0xc5: {  	_ =	swait.ge [sflag:s25], $0x800  }
0xc6: {  	[sflag:s25] =	ssyncset.done $0x0  }
0xc7: {  	[sflag:s25] =	ssyncadd.s32 $0xFFFFF800  }
0xc8: {  	_ =	swait.ge [sflag:s25], $0x800  }
0xc9: {  	[sflag:s25] =	ssyncset.done $0x0  }
0xca: {  	[sflag:s25] =	ssyncadd.s32 $0xFFFFF800  }
0xcb: {  	_ =	swait.ge [sflag:s25], $0x800  }
0xcc: {  	[sflag:s25] =	ssyncset.done $0x0  }
0xcd: {  	[sflag:s25] =	ssyncadd.s32 $0xFFFFF800  }
0xce: {  	_ =	swait.ge [sflag:s25], $0x800  }
0xcf: {  	[sflag:s25] =	ssyncset.done $0x0  }
0xd0: {  	[sflag:s25] =	ssyncadd.s32 $0xFFFFF800  }
0xd1: {  	_ =	swait.ge [sflag:s25], $0x800  }
0xd2: {  	[sflag:s25] =	ssyncset.done $0x0  }
0xd3: {  	[sflag:s25] =	ssyncadd.s32 $0xFFFFF800  }
0xd4: {  	[spmem:s2] =	stream.indirect.scatter.add.f32 [tilespmem:s17], [sflag:$0x1], $0x10, s23, s18, $0xb8;
	[tilespmem:$0x4400] =	vst v63  }
0xd5: {  	_ = 	snop  }
0xd6: {  	[spmem:s2] =	stream.indirect.scatter.add.f32 [tilespmem:s17], [sflag:$0x1], $0x10, s24, s18, $0xb8;
	[tilespmem:$0x4400] =	vst v63  }
0xd7: {  	_ = 	snop  }
0xd8: {  	[spmem:s2] =	stream.indirect.scatter.add.f32 [tilespmem:s17], [sflag:$0x1], $0x10, s26, s18, $0xb8;
	[tilespmem:$0x4400] =	vst v63  }
0xd9: {  	_ = 	snop  }
0xda: {  	[spmem:s2] =	stream.indirect.scatter.add.f32 [tilespmem:s17], [sflag:$0x1], $0x10, s28, s18, $0xb8;
	[tilespmem:$0x4400] =	vst v63  }
0xdb: {  	_ = 	snop  }
0xdc: {  	[spmem:s2] =	stream.indirect.scatter.add.f32 [tilespmem:s17], [sflag:$0x1], $0x10, s29, s18, $0xb8;
	[tilespmem:$0x4400] =	vst v63  }
0xdd: {  	_ = 	snop  }
0xde: {  	[spmem:s2] =	stream.indirect.scatter.add.f32 [tilespmem:s17], [sflag:$0x1], $0x10, s30, s18, $0xb8;
	[tilespmem:$0x4400] =	vst v63  }
0xdf: {  	_ = 	snop  }
0xe0: {  	[spmem:s2] =	stream.indirect.scatter.add.f32 [tilespmem:s17], [sflag:$0x1], $0x10, s31, s18, $0xb8;
	[tilespmem:$0x4400] =	vst v63  }
0xe1: {  	_ = 	snop  }
0xe2: {  	[spmem:s2] =	stream.indirect.scatter.add.f32 [tilespmem:s17], [sflag:$0x1], $0x10, s0, s18, $0xb8;
	[tilespmem:$0x4400] =	vst v63  }
0xe3: {  	_ =	swait.ge [sflag:s25], $0x800  }
0xe4: {  	[sflag:s25] =	ssyncset.done $0x0  }
0xe5: {  	[sflag:s25] =	ssyncadd.s32 $0xFFFFF800  }
0xe6: {  	_ =	swait.ge [sflag:s25], $0x800  }
0xe7: {  	[sflag:s25] =	ssyncset.done $0x0  }
0xe8: {  	[sflag:s25] =	ssyncadd.s32 $0xFFFFF800  }
0xe9: {  	_ =	swait.ge [sflag:s25], $0x800  }
0xea: {  	[sflag:s25] =	ssyncset.done $0x0  }
0xeb: {  	[sflag:s25] =	ssyncadd.s32 $0xFFFFF800  }
0xec: {  	_ =	swait.ge [sflag:s25], $0x800  }
0xed: {  	[sflag:s25] =	ssyncset.done $0x0  }
0xee: {  	[sflag:s25] =	ssyncadd.s32 $0xFFFFF800  }
0xef: {  	_ =	swait.ge [sflag:s25], $0x800  }
0xf0: {  	[sflag:s25] =	ssyncset.done $0x0  }
0xf1: {  	[sflag:s25] =	ssyncadd.s32 $0xFFFFF800  }
0xf2: {  	_ =	swait.ge [sflag:s25], $0x800  }
0xf3: {  	[sflag:s25] =	ssyncset.done $0x0  }
0xf4: {  	[sflag:s25] =	ssyncadd.s32 $0xFFFFF800  }
0xf5: {  	_ =	swait.ge [sflag:s25], $0x800  }
0xf6: {  	[sflag:s25] =	ssyncset.done $0x0  }
0xf7: {  	[sflag:s25] =	ssyncadd.s32 $0xFFFFF800  }
0xf8: {  	_ =	swait.ge [sflag:s25], $0x800  }
0xf9: {  	[sflag:s25] =	ssyncset.done $0x0  }
0xfa: {  	[sflag:s25] =	ssyncadd.s32 $0xFFFFF800  }
0xfb: {  	[bflag:$0x0] =	sbarrier.arrive $0xFFFF  }
0xfc: {  	[tilespmem:s17], [sflag:$0x2] =	stream.linear.gather [spmem:s5], $0x800, $0x38;
	[tilespmem:$0x4400] =	vst v63  }
0xfd: {  	_ =	swait.ge [sflag:s16], $0x800  }
0xfe: {  	[sflag:s16] =	ssyncset.done $0x0  }
0xff: {  	[sflag:s16] =	ssyncadd.s32 $0xFFFFF800  }
0x100: {  	[hbm4b:s10+s3] =	stream.linear.scatter [tilespmem:s17], [sflag:$0x2], $0x800, $0x38;
	[tilespmem:$0x4400] =	vst v63  }
0x101: {  	_ =	swait.ge [sflag:s16], $0x800  }
0x102: {  	[sflag:s16] =	ssyncset.done $0x0  }
0x103: {  	[sflag:s16] =	ssyncadd.s32 $0xFFFFF800  }
0x104: {  	[tilespmem:s17], [sflag:$0x2] =	stream.linear.gather [spmem:s6], $0x800, $0x38;
	[tilespmem:$0x4400] =	vst v63  }
0x105: {  	_ =	swait.ge [sflag:s16], $0x800  }
0x106: {  	[sflag:s16] =	ssyncset.done $0x0  }
0x107: {  	[sflag:s16] =	ssyncadd.s32 $0xFFFFF800  }
0x108: {  	[hbm4b:s11+s3] =	stream.linear.scatter [tilespmem:s17], [sflag:$0x2], $0x800, $0x38;
	[tilespmem:$0x4400] =	vst v63  }
0x109: {  	_ =	swait.ge [sflag:s16], $0x800  }
0x10a: {  	[sflag:s16] =	ssyncset.done $0x0  }
0x10b: {  	[sflag:s16] =	ssyncadd.s32 $0xFFFFF800  }
0x10c: {  	[tilespmem:s17], [sflag:$0x2] =	stream.linear.gather [spmem:s7], $0x800, $0x38;
	[tilespmem:$0x4400] =	vst v63  }
0x10d: {  	_ =	swait.ge [sflag:s16], $0x800  }
0x10e: {  	[sflag:s16] =	ssyncset.done $0x0  }
0x10f: {  	[sflag:s16] =	ssyncadd.s32 $0xFFFFF800  }
0x110: {  	[hbm4b:s12+s3] =	stream.linear.scatter [tilespmem:s17], [sflag:$0x2], $0x800, $0x38;
	[tilespmem:$0x4400] =	vst v63  }
0x111: {  	_ =	swait.ge [sflag:s16], $0x800  }
0x112: {  	[sflag:s16] =	ssyncset.done $0x0  }
0x113: {  	[sflag:s16] =	ssyncadd.s32 $0xFFFFF800  }
0x114: {  	[tilespmem:s17], [sflag:$0x2] =	stream.linear.gather [spmem:s8], $0x800, $0x38;
	[tilespmem:$0x4400] =	vst v63  }
0x115: {  	_ =	swait.ge [sflag:s16], $0x800  }
0x116: {  	[sflag:s16] =	ssyncset.done $0x0  }
0x117: {  	[sflag:s16] =	ssyncadd.s32 $0xFFFFF800  }
0x118: {  	[hbm4b:s13+s3] =	stream.linear.scatter [tilespmem:s17], [sflag:$0x2], $0x800, $0x38;
	[tilespmem:$0x4400] =	vst v63  }
0x119: {  	_ =	swait.ge [sflag:s16], $0x800  }
0x11a: {  	[sflag:s16] =	ssyncset.done $0x0  }
0x11b: {  	[sflag:s16] =	ssyncadd.s32 $0xFFFFF800  }
0x11c: {  	[tilespmem:s17], [sflag:$0x2] =	stream.linear.gather [spmem:s9], $0x800, $0x38;
	[tilespmem:$0x4400] =	vst v63  }
0x11d: {  	s1 =	sadd.s32 $0x1, s1;
	_ =	swait.ge [sflag:s16], $0x800  }
0x11e: {  	p0 =	sne.s32 s1, s15;
	[sflag:s16] =	ssyncset.done $0x0  }
.Ltmp2:
0x11f: {  	[sflag:s16] =	ssyncadd.s32 $0xFFFFF800;
	(pc) =	sbr.rel @p0 .LBB2_1-.Ltmp2, $4  }
0x120: {  	[hbm4b:s14+s3] =	stream.linear.scatter [tilespmem:s17], [sflag:$0x2], $0x800, $0x38;
	[tilespmem:$0x4400] =	vst v63  }
0x121: {  	_ =	swait.ge [sflag:s16], $0x800  }
0x122: {  	[sflag:s16] =	ssyncset.done $0x0  }
0x123: {  	[sflag:s16] =	ssyncadd.s32 $0xFFFFF800  }
0x124: {  	_ =	sfence.sel $0x180000  }
0x125: {  	[bflag:$0x0] =	sbarrier.arrive $0xFFFF  }
0x126: {  	_ =	strace $0x9000004A  }
0x127: {  	s0 =	stileid.u32;
	[bflag:$0x2] =	sbarrier.arrive $0xFFFF  }
0x128: {  	p0 =	sne.s32 s0, $0x0;
	s0 =	rddreg [dreg:$0x2]  }
0x129: {  	s0 =	sadd.s32 @!p0 $0x100000, s0  }
0x12a: {  	[sflag:s0] =	ssyncadd.tile.s32 @!p0 $0x1;
	_ =	shalt  }
.Lfunc_end2:
_tile_overlayer_lowered:
.L_overlay_start_2:
0x12b: {  	(tag) =	ssettag $0x2  }
0x12c: {  	s0 =	rddreg [dreg:$0x0];
	s2 =	stileid.u32  }
0x12d: {  	s1 =	rddreg [dreg:$0x1];
	p0 =	sne.s32 s2, $0x0  }
0x12e: {  	s3 =	rddreg [dreg:$0x2];
	[bflag:$0x3] =	sbarrier.arrive $0xFFFF;
	s2 =	simm.s32 @!p0 $0x1C02  }
0x12f: {  	[timem:s3], [sflag:s2] =	dma.local @!p0 [hbm:s0], s1  }
0x130: {  	s0 =	simm.s32 @!p0 $0x2  }
0x131: {  	_ =	swait.ge @!p0 [sflag:s0], s1  }
0x132: {  	s1 =	ssub.s32 @!p0 $0x0, s1;
	[sflag:s0] =	ssyncset.done @!p0 $0x0  }
0x133: {  	[sflag:s0] =	ssyncadd.s32 @!p0 s1  }
0x134: {  	[bflag:$0x3] =	sbarrier.arrive $0xFFFF  }
0x135: {  	_ =	shalt  }

</sc_bundles>
